<compile_context>
chip_gen: v7x
topology: tpu7x:2x2x1
jax: 0.10.2.dev20260603
libtpu: 0.0.44.dev20260713+nightly
codegen_flags: <defaults>
</compile_context>

<pallas_src>
import functools

import jax
import jax.numpy as jnp
from jax import lax
from jax.experimental import pallas as pl
from jax.experimental.pallas import tpu as pltpu
from jax.experimental.pallas import tpu_sc as plsc

T = 16384
D = 2048
E = 8
K = 2

NC, NS, L = 1, 16, 16
NW = NC * NS
CHUNK = T // NW
NG = CHUNK // L

MMBLK = 512
HALF = MMBLK // 2
NSTEP = T // MMBLK
RING = 4


def _mm_body(h_hbm, w_ref, o_ref, bufs, sems_a, sems_b):
    def copies(i):
        s = i % RING
        return (
            pltpu.make_async_copy(
                h_hbm.at[pl.ds(i * MMBLK, HALF), :],
                bufs.at[s, pl.ds(0, HALF)],
                sems_a.at[s],
            ),
            pltpu.make_async_copy(
                h_hbm.at[pl.ds(i * MMBLK + HALF, HALF), :],
                bufs.at[s, pl.ds(HALF, HALF)],
                sems_b.at[s],
            ),
        )

    def start(i):
        ca, cb = copies(i)
        ca.start()
        cb.start()

    def wait(i):
        ca, cb = copies(i)
        ca.wait()
        cb.wait()

    for i in range(RING - 1):
        start(i)
    for i in range(NSTEP):
        if i + RING - 1 < NSTEP:
            start(i + RING - 1)
        wait(i)
        o_ref[:, pl.ds(i * MMBLK, MMBLK)] = lax.dot_general(
            w_ref[...], bufs[i % RING],
            (((1,), (1,)), ((), ())),
            preferred_element_type=jnp.float32,
        )


def _logits_tc(hidden_states, W_gate):
    return pl.pallas_call(
        _mm_body,
        in_specs=[
            pl.BlockSpec(memory_space=pltpu.HBM),
            pl.BlockSpec(memory_space=pltpu.VMEM),
        ],
        out_specs=pl.BlockSpec(memory_space=pltpu.VMEM),
        out_shape=jax.ShapeDtypeStruct((E, T), jnp.float32),
        scratch_shapes=[
            pltpu.VMEM((RING, MMBLK, D), jnp.float32),
            pltpu.SemaphoreType.DMA((RING,)),
            pltpu.SemaphoreType.DMA((RING,)),
        ],
    )(hidden_states, W_gate)


def _route_body(logits_hbm, vals_hbm, idx_hbm, lv, wv, iv):
    wid = lax.axis_index("s") * NC + lax.axis_index("c")
    base = wid * CHUNK
    pltpu.sync_copy(logits_hbm.at[:, pl.ds(base, CHUNK)], lv)

    def group(g, carry):
        sl = pl.ds(g * L, L)
        m1 = lv[0, sl]
        i1 = jnp.zeros((L,), jnp.int32)
        m2 = jnp.full((L,), -jnp.inf, jnp.float32)
        i2 = jnp.zeros((L,), jnp.int32)
        for e in range(1, E):
            l = lv[e, sl]
            ev = jnp.full((L,), e, jnp.int32)
            gt1 = l > m1
            gt2 = l > m2
            m2 = jnp.where(gt1, m1, jnp.where(gt2, l, m2))
            i2 = jnp.where(gt1, i1, jnp.where(gt2, ev, i2))
            m1 = jnp.where(gt1, l, m1)
            i1 = jnp.where(gt1, ev, i1)
        w1 = 1.0 / (1.0 + jnp.exp(m2 - m1))
        wv[0, sl] = w1
        wv[1, sl] = 1.0 - w1
        iv[0, sl] = i1
        iv[1, sl] = i2
        return carry

    lax.fori_loop(0, NG, group, 0)
    pltpu.sync_copy(wv, vals_hbm.at[:, pl.ds(base, CHUNK)])
    pltpu.sync_copy(iv, idx_hbm.at[:, pl.ds(base, CHUNK)])


@functools.lru_cache(maxsize=None)
def _make_route_sc():
    return pl.kernel(
        _route_body,
        mesh=plsc.VectorSubcoreMesh(
            core_axis_name="c", subcore_axis_name="s",
            num_cores=NC, num_subcores=NS,
        ),
        out_type=[
            jax.ShapeDtypeStruct((K, T), jnp.float32),
            jax.ShapeDtypeStruct((K, T), jnp.int32),
        ],
        scratch_types=[
            pltpu.VMEM((E, CHUNK), jnp.float32),
            pltpu.VMEM((K, CHUNK), jnp.float32),
            pltpu.VMEM((K, CHUNK), jnp.int32),
        ],
    )


@jax.jit
def kernel(hidden_states, W_gate):
    logits = _logits_tc(hidden_states, W_gate)
    vals, idx = _make_route_sc()(logits)
    return vals.T, idx.T

# --- scband reference (transcript-rebuilt; emitter-appended) ---
"""Pipeline reference for scband-mo-egate-77326591197231 (READ-ONLY COPY).

The authoritative reference and input builder live on the scoring server;
editing this copy changes nothing except your own understanding.
"""

import jax, jax.numpy as jnp
import numpy as np

T = 16384  # 2 * 8192 tokens
D = 2048   # hidden_size
E = 8      # num_experts
K = 2      # num_experts_per_token


def setup_inputs(seed: int = 0) -> dict:
    key = jax.random.key(seed)
    k1, k2 = jax.random.split(key)
    hidden_states = jax.random.normal(k1, (T, D), dtype=jnp.float32)
    # nn.Linear(D, E, bias=False) weight has shape [E, D]
    W_gate = jax.random.normal(k2, (E, D), dtype=jnp.float32) * (1.0 / np.sqrt(D))
    return {"hidden_states": hidden_states, "W_gate": W_gate}


def reference(hidden_states, W_gate):
    # router_logits = self.gate(hidden_states)
    router_logits = hidden_states @ W_gate.T
    # routing_weights = softmax(router_logits, dim=-1)
    routing_weights = jax.nn.softmax(router_logits, axis=-1)
    # topk over experts
    vals, selected_experts = jax.lax.top_k(routing_weights, K)
    # renormalize selected weights
    vals = vals / jnp.sum(vals, axis=-1, keepdims=True)
    return vals, selected_experts

if __name__ == "__main__":
    import jax
    _d = setup_inputs()
    print(jax.jit(kernel)(*tuple(_d.values())))

</pallas_src>

<mosaic_0001>
#map = affine_map<(d0, d1) -> (0, 0)>
module attributes {stable_mosaic.version = 14 : i64} {
  func.func @_route_body(%arg0: i32, %arg1: i32, %arg2: memref<8x16384xf32, #tpu.memory_space<hbm>>, %arg3: memref<2x16384xf32, #tpu.memory_space<hbm>>, %arg4: memref<2x16384xi32, #tpu.memory_space<hbm>>, %arg5: memref<8x1024xf32, #tpu.memory_space<vmem>>, %arg6: memref<2x1024xf32, #tpu.memory_space<vmem>>, %arg7: memref<2x1024xi32, #tpu.memory_space<vmem>>) attributes {dimension_semantics = [#tpu.dimension_semantics<core_parallel>, #tpu.dimension_semantics<subcore_parallel>], iteration_bounds = array<i64: 1, 16>, scalar_prefetch = 0 : i64, scratch_operands = 3 : i64, tpu.core_type = #tpu.core_type<sc_vector_subcore>, window_params = [{transform_indices = #map}, {transform_indices = #map}, {transform_indices = #map}]} {
    %mul3A = arith.constant 1 : i32
    %mul3A_0 = arith.muli %arg1, %mul3A : i32
    %add3A = arith.addi %mul3A_0, %arg0 : i32
    %mul3A_1 = arith.constant 1024 : i32
    %mul3A_2 = arith.muli %add3A, %mul3A_1 : i32
    "tpu.region"() ({
      %run_scoped3A = tpu.sem_alloc : memref<!tpu.dma_semaphore, #tpu.memory_space<semaphore_mem>>
      %dma_start3A = arith.constant 0 : i32
      %dma_start3A_8 = tpu.memref_slice %arg2[%dma_start3A, %mul3A_2] : memref<8x16384xf32, #tpu.memory_space<hbm>> -> memref<8x1024xf32, #tpu.memory_space<hbm>>
      %dma_start3A_9 = arith.constant 0 : i32
      %dma_start3A_10 = tpu.memref_slice %arg2[%dma_start3A_9, %mul3A_2] : memref<8x16384xf32, #tpu.memory_space<hbm>> -> memref<8x1024xf32, #tpu.memory_space<hbm>>
      tpu.enqueue_dma source(%dma_start3A_10 : memref<8x1024xf32, #tpu.memory_space<hbm>>) target(%arg5 : memref<8x1024xf32, #tpu.memory_space<vmem>>) target_semaphore(%run_scoped3A : memref<!tpu.dma_semaphore, #tpu.memory_space<semaphore_mem>>)
      %dma_wait3A = arith.constant 0 : i32
      %dma_wait3A_11 = tpu.memref_slice %arg2[%dma_wait3A, %mul3A_2] : memref<8x16384xf32, #tpu.memory_space<hbm>> -> memref<8x1024xf32, #tpu.memory_space<hbm>>
      %dma_wait3A_12 = arith.constant 0 : i32
      %dma_wait3A_13 = tpu.memref_slice %arg2[%dma_wait3A_12, %mul3A_2] : memref<8x16384xf32, #tpu.memory_space<hbm>> -> memref<8x1024xf32, #tpu.memory_space<hbm>>
      tpu.wait_dma2 semaphore(%run_scoped3A : memref<!tpu.dma_semaphore, #tpu.memory_space<semaphore_mem>>) src(%dma_wait3A_13 : memref<8x1024xf32, #tpu.memory_space<hbm>>) dst(%arg5 : memref<8x1024xf32, #tpu.memory_space<vmem>>)
      tpu.yield
    }) : () -> ()
    %scan3A = arith.constant 0 : i32
    %scan3A_3 = arith.constant 0 : i32
    %scan3A_4 = arith.constant 64 : i32
    %scan3A_5 = arith.addi %scan3A_3, %scan3A_4 : i32
    %scan3A_6 = arith.constant 1 : i32
    scf.for %scan3A_8 = %scan3A_3 to %scan3A_5 step %scan3A_6  : i32 {
      %mul3A_9 = arith.constant 16 : i32
      %mul3A_10 = arith.muli %scan3A_8, %mul3A_9 : i32
      %get3A = arith.constant 0 : i32
      %get3A_11 = arith.index_cast %get3A : i32 to index
      %get3A_12 = arith.index_cast %mul3A_10 : i32 to index
      %get3A_13 = tpu.vector_load %arg5[%get3A_11, %get3A_12] {strides = array<i32>} : memref<8x1024xf32, #tpu.memory_space<vmem>>, vector<1x16xf32>,
      %get3A_14 = vector.shape_cast %get3A_13 : vector<1x16xf32> to vector<16xf32>
      %broadcast_in_dim3A = arith.constant 0 : i32
      %broadcast_in_dim3A_15 = vector.broadcast %broadcast_in_dim3A : i32 to vector<16xi32>
      %broadcast_in_dim3A_16 = arith.constant 0xFF800000 : f32
      %broadcast_in_dim3A_17 = vector.broadcast %broadcast_in_dim3A_16 : f32 to vector<16xf32>
      %broadcast_in_dim3A_18 = arith.constant 0 : i32
      %broadcast_in_dim3A_19 = vector.broadcast %broadcast_in_dim3A_18 : i32 to vector<16xi32>
      %get3A_20 = arith.constant 1 : i32
      %get3A_21 = arith.index_cast %get3A_20 : i32 to index
      %get3A_22 = arith.index_cast %mul3A_10 : i32 to index
      %get3A_23 = tpu.vector_load %arg5[%get3A_21, %get3A_22] {strides = array<i32>} : memref<8x1024xf32, #tpu.memory_space<vmem>>, vector<1x16xf32>,
      %get3A_24 = vector.shape_cast %get3A_23 : vector<1x16xf32> to vector<16xf32>
      %broadcast_in_dim3A_25 = arith.constant 1 : i32
      %broadcast_in_dim3A_26 = vector.broadcast %broadcast_in_dim3A_25 : i32 to vector<16xi32>
      %gt3A = arith.cmpf ogt, %get3A_24, %get3A_14 : vector<16xf32>
      %gt3A_27 = arith.cmpf ogt, %get3A_24, %broadcast_in_dim3A_17 : vector<16xf32>
      %select_n3A = arith.select %gt3A_27, %get3A_24, %broadcast_in_dim3A_17 : vector<16xi1>, vector<16xf32>
      %select_n3A_28 = arith.select %gt3A, %get3A_14, %select_n3A : vector<16xi1>, vector<16xf32>
      %select_n3A_29 = arith.select %gt3A_27, %broadcast_in_dim3A_26, %broadcast_in_dim3A_19 : vector<16xi1>, vector<16xi32>
      %select_n3A_30 = arith.select %gt3A, %broadcast_in_dim3A_15, %select_n3A_29 : vector<16xi1>, vector<16xi32>
      %select_n3A_31 = arith.select %gt3A, %get3A_24, %get3A_14 : vector<16xi1>, vector<16xf32>
      %select_n3A_32 = arith.select %gt3A, %broadcast_in_dim3A_26, %broadcast_in_dim3A_15 : vector<16xi1>, vector<16xi32>
      %get3A_33 = arith.constant 2 : i32
      %get3A_34 = arith.index_cast %get3A_33 : i32 to index
      %get3A_35 = arith.index_cast %mul3A_10 : i32 to index
      %get3A_36 = tpu.vector_load %arg5[%get3A_34, %get3A_35] {strides = array<i32>} : memref<8x1024xf32, #tpu.memory_space<vmem>>, vector<1x16xf32>,
      %get3A_37 = vector.shape_cast %get3A_36 : vector<1x16xf32> to vector<16xf32>
      %broadcast_in_dim3A_38 = arith.constant 2 : i32
      %broadcast_in_dim3A_39 = vector.broadcast %broadcast_in_dim3A_38 : i32 to vector<16xi32>
      %gt3A_40 = arith.cmpf ogt, %get3A_37, %select_n3A_31 : vector<16xf32>
      %gt3A_41 = arith.cmpf ogt, %get3A_37, %select_n3A_28 : vector<16xf32>
      %select_n3A_42 = arith.select %gt3A_41, %get3A_37, %select_n3A_28 : vector<16xi1>, vector<16xf32>
      %select_n3A_43 = arith.select %gt3A_40, %select_n3A_31, %select_n3A_42 : vector<16xi1>, vector<16xf32>
      %select_n3A_44 = arith.select %gt3A_41, %broadcast_in_dim3A_39, %select_n3A_30 : vector<16xi1>, vector<16xi32>
      %select_n3A_45 = arith.select %gt3A_40, %select_n3A_32, %select_n3A_44 : vector<16xi1>, vector<16xi32>
      %select_n3A_46 = arith.select %gt3A_40, %get3A_37, %select_n3A_31 : vector<16xi1>, vector<16xf32>
      %select_n3A_47 = arith.select %gt3A_40, %broadcast_in_dim3A_39, %select_n3A_32 : vector<16xi1>, vector<16xi32>
      %get3A_48 = arith.constant 3 : i32
      %get3A_49 = arith.index_cast %get3A_48 : i32 to index
      %get3A_50 = arith.index_cast %mul3A_10 : i32 to index
      %get3A_51 = tpu.vector_load %arg5[%get3A_49, %get3A_50] {strides = array<i32>} : memref<8x1024xf32, #tpu.memory_space<vmem>>, vector<1x16xf32>,
      %get3A_52 = vector.shape_cast %get3A_51 : vector<1x16xf32> to vector<16xf32>
      %broadcast_in_dim3A_53 = arith.constant 3 : i32
      %broadcast_in_dim3A_54 = vector.broadcast %broadcast_in_dim3A_53 : i32 to vector<16xi32>
      %gt3A_55 = arith.cmpf ogt, %get3A_52, %select_n3A_46 : vector<16xf32>
      %gt3A_56 = arith.cmpf ogt, %get3A_52, %select_n3A_43 : vector<16xf32>
      %select_n3A_57 = arith.select %gt3A_56, %get3A_52, %select_n3A_43 : vector<16xi1>, vector<16xf32>
      %select_n3A_58 = arith.select %gt3A_55, %select_n3A_46, %select_n3A_57 : vector<16xi1>, vector<16xf32>
      %select_n3A_59 = arith.select %gt3A_56, %broadcast_in_dim3A_54, %select_n3A_45 : vector<16xi1>, vector<16xi32>
      %select_n3A_60 = arith.select %gt3A_55, %select_n3A_47, %select_n3A_59 : vector<16xi1>, vector<16xi32>
      %select_n3A_61 = arith.select %gt3A_55, %get3A_52, %select_n3A_46 : vector<16xi1>, vector<16xf32>
      %select_n3A_62 = arith.select %gt3A_55, %broadcast_in_dim3A_54, %select_n3A_47 : vector<16xi1>, vector<16xi32>
      %get3A_63 = arith.constant 4 : i32
      %get3A_64 = arith.index_cast %get3A_63 : i32 to index
      %get3A_65 = arith.index_cast %mul3A_10 : i32 to index
      %get3A_66 = tpu.vector_load %arg5[%get3A_64, %get3A_65] {strides = array<i32>} : memref<8x1024xf32, #tpu.memory_space<vmem>>, vector<1x16xf32>,
      %get3A_67 = vector.shape_cast %get3A_66 : vector<1x16xf32> to vector<16xf32>
      %broadcast_in_dim3A_68 = arith.constant 4 : i32
      %broadcast_in_dim3A_69 = vector.broadcast %broadcast_in_dim3A_68 : i32 to vector<16xi32>
      %gt3A_70 = arith.cmpf ogt, %get3A_67, %select_n3A_61 : vector<16xf32>
      %gt3A_71 = arith.cmpf ogt, %get3A_67, %select_n3A_58 : vector<16xf32>
      %select_n3A_72 = arith.select %gt3A_71, %get3A_67, %select_n3A_58 : vector<16xi1>, vector<16xf32>
      %select_n3A_73 = arith.select %gt3A_70, %select_n3A_61, %select_n3A_72 : vector<16xi1>, vector<16xf32>
      %select_n3A_74 = arith.select %gt3A_71, %broadcast_in_dim3A_69, %select_n3A_60 : vector<16xi1>, vector<16xi32>
      %select_n3A_75 = arith.select %gt3A_70, %select_n3A_62, %select_n3A_74 : vector<16xi1>, vector<16xi32>
      %select_n3A_76 = arith.select %gt3A_70, %get3A_67, %select_n3A_61 : vector<16xi1>, vector<16xf32>
      %select_n3A_77 = arith.select %gt3A_70, %broadcast_in_dim3A_69, %select_n3A_62 : vector<16xi1>, vector<16xi32>
      %get3A_78 = arith.constant 5 : i32
      %get3A_79 = arith.index_cast %get3A_78 : i32 to index
      %get3A_80 = arith.index_cast %mul3A_10 : i32 to index
      %get3A_81 = tpu.vector_load %arg5[%get3A_79, %get3A_80] {strides = array<i32>} : memref<8x1024xf32, #tpu.memory_space<vmem>>, vector<1x16xf32>,
      %get3A_82 = vector.shape_cast %get3A_81 : vector<1x16xf32> to vector<16xf32>
      %broadcast_in_dim3A_83 = arith.constant 5 : i32
      %broadcast_in_dim3A_84 = vector.broadcast %broadcast_in_dim3A_83 : i32 to vector<16xi32>
      %gt3A_85 = arith.cmpf ogt, %get3A_82, %select_n3A_76 : vector<16xf32>
      %gt3A_86 = arith.cmpf ogt, %get3A_82, %select_n3A_73 : vector<16xf32>
      %select_n3A_87 = arith.select %gt3A_86, %get3A_82, %select_n3A_73 : vector<16xi1>, vector<16xf32>
      %select_n3A_88 = arith.select %gt3A_85, %select_n3A_76, %select_n3A_87 : vector<16xi1>, vector<16xf32>
      %select_n3A_89 = arith.select %gt3A_86, %broadcast_in_dim3A_84, %select_n3A_75 : vector<16xi1>, vector<16xi32>
      %select_n3A_90 = arith.select %gt3A_85, %select_n3A_77, %select_n3A_89 : vector<16xi1>, vector<16xi32>
      %select_n3A_91 = arith.select %gt3A_85, %get3A_82, %select_n3A_76 : vector<16xi1>, vector<16xf32>
      %select_n3A_92 = arith.select %gt3A_85, %broadcast_in_dim3A_84, %select_n3A_77 : vector<16xi1>, vector<16xi32>
      %get3A_93 = arith.constant 6 : i32
      %get3A_94 = arith.index_cast %get3A_93 : i32 to index
      %get3A_95 = arith.index_cast %mul3A_10 : i32 to index
      %get3A_96 = tpu.vector_load %arg5[%get3A_94, %get3A_95] {strides = array<i32>} : memref<8x1024xf32, #tpu.memory_space<vmem>>, vector<1x16xf32>,
      %get3A_97 = vector.shape_cast %get3A_96 : vector<1x16xf32> to vector<16xf32>
      %broadcast_in_dim3A_98 = arith.constant 6 : i32
      %broadcast_in_dim3A_99 = vector.broadcast %broadcast_in_dim3A_98 : i32 to vector<16xi32>
      %gt3A_100 = arith.cmpf ogt, %get3A_97, %select_n3A_91 : vector<16xf32>
      %gt3A_101 = arith.cmpf ogt, %get3A_97, %select_n3A_88 : vector<16xf32>
      %select_n3A_102 = arith.select %gt3A_101, %get3A_97, %select_n3A_88 : vector<16xi1>, vector<16xf32>
      %select_n3A_103 = arith.select %gt3A_100, %select_n3A_91, %select_n3A_102 : vector<16xi1>, vector<16xf32>
      %select_n3A_104 = arith.select %gt3A_101, %broadcast_in_dim3A_99, %select_n3A_90 : vector<16xi1>, vector<16xi32>
      %select_n3A_105 = arith.select %gt3A_100, %select_n3A_92, %select_n3A_104 : vector<16xi1>, vector<16xi32>
      %select_n3A_106 = arith.select %gt3A_100, %get3A_97, %select_n3A_91 : vector<16xi1>, vector<16xf32>
      %select_n3A_107 = arith.select %gt3A_100, %broadcast_in_dim3A_99, %select_n3A_92 : vector<16xi1>, vector<16xi32>
      %get3A_108 = arith.constant 7 : i32
      %get3A_109 = arith.index_cast %get3A_108 : i32 to index
      %get3A_110 = arith.index_cast %mul3A_10 : i32 to index
      %get3A_111 = tpu.vector_load %arg5[%get3A_109, %get3A_110] {strides = array<i32>} : memref<8x1024xf32, #tpu.memory_space<vmem>>, vector<1x16xf32>,
      %get3A_112 = vector.shape_cast %get3A_111 : vector<1x16xf32> to vector<16xf32>
      %broadcast_in_dim3A_113 = arith.constant 7 : i32
      %broadcast_in_dim3A_114 = vector.broadcast %broadcast_in_dim3A_113 : i32 to vector<16xi32>
      %gt3A_115 = arith.cmpf ogt, %get3A_112, %select_n3A_106 : vector<16xf32>
      %gt3A_116 = arith.cmpf ogt, %get3A_112, %select_n3A_103 : vector<16xf32>
      %select_n3A_117 = arith.select %gt3A_116, %get3A_112, %select_n3A_103 : vector<16xi1>, vector<16xf32>
      %select_n3A_118 = arith.select %gt3A_115, %select_n3A_106, %select_n3A_117 : vector<16xi1>, vector<16xf32>
      %select_n3A_119 = arith.select %gt3A_116, %broadcast_in_dim3A_114, %select_n3A_105 : vector<16xi1>, vector<16xi32>
      %select_n3A_120 = arith.select %gt3A_115, %select_n3A_107, %select_n3A_119 : vector<16xi1>, vector<16xi32>
      %select_n3A_121 = arith.select %gt3A_115, %get3A_112, %select_n3A_106 : vector<16xi1>, vector<16xf32>
      %select_n3A_122 = arith.select %gt3A_115, %broadcast_in_dim3A_114, %select_n3A_107 : vector<16xi1>, vector<16xi32>
      %sub3A = arith.subf %select_n3A_118, %select_n3A_121 : vector<16xf32>
      %exp3A = math.exp %sub3A : vector<16xf32>
      %add3A_123 = arith.constant 1.000000e+00 : f32
      %add3A_124 = vector.broadcast %add3A_123 : f32 to vector<16xf32>
      %add3A_125 = arith.addf %add3A_124, %exp3A : vector<16xf32>
      %div3A = arith.constant 1.000000e+00 : f32
      %div3A_126 = vector.broadcast %div3A : f32 to vector<16xf32>
      %div3A_127 = arith.divf %div3A_126, %add3A_125 : vector<16xf32>
      %swap3A = arith.constant 0 : i32
      %swap3A_128 = arith.index_cast %swap3A : i32 to index
      %swap3A_129 = arith.index_cast %mul3A_10 : i32 to index
      %swap3A_130 = tpu.vector_load %arg6[%swap3A_128, %swap3A_129] {strides = array<i32>} : memref<2x1024xf32, #tpu.memory_space<vmem>>, vector<1x16xf32>,
      %swap3A_131 = vector.shape_cast %swap3A_130 : vector<1x16xf32> to vector<16xf32>
      %swap3A_132 = vector.shape_cast %div3A_127 : vector<16xf32> to vector<1x16xf32>
      tpu.vector_store %arg6[%swap3A_128, %swap3A_129], %swap3A_132 {strides = array<i32>} : memref<2x1024xf32, #tpu.memory_space<vmem>>, vector<1x16xf32>,
      %sub3A_133 = arith.constant 1.000000e+00 : f32
      %sub3A_134 = vector.broadcast %sub3A_133 : f32 to vector<16xf32>
      %sub3A_135 = arith.subf %sub3A_134, %div3A_127 : vector<16xf32>
      %swap3A_136 = arith.constant 1 : i32
      %swap3A_137 = arith.index_cast %swap3A_136 : i32 to index
      %swap3A_138 = arith.index_cast %mul3A_10 : i32 to index
      %swap3A_139 = tpu.vector_load %arg6[%swap3A_137, %swap3A_138] {strides = array<i32>} : memref<2x1024xf32, #tpu.memory_space<vmem>>, vector<1x16xf32>,
      %swap3A_140 = vector.shape_cast %swap3A_139 : vector<1x16xf32> to vector<16xf32>
      %swap3A_141 = vector.shape_cast %sub3A_135 : vector<16xf32> to vector<1x16xf32>
      tpu.vector_store %arg6[%swap3A_137, %swap3A_138], %swap3A_141 {strides = array<i32>} : memref<2x1024xf32, #tpu.memory_space<vmem>>, vector<1x16xf32>,
      %swap3A_142 = arith.constant 0 : i32
      %swap3A_143 = arith.index_cast %swap3A_142 : i32 to index
      %swap3A_144 = arith.index_cast %mul3A_10 : i32 to index
      %swap3A_145 = tpu.vector_load %arg7[%swap3A_143, %swap3A_144] {strides = array<i32>} : memref<2x1024xi32, #tpu.memory_space<vmem>>, vector<1x16xi32>,
      %swap3A_146 = vector.shape_cast %swap3A_145 : vector<1x16xi32> to vector<16xi32>
      %swap3A_147 = vector.shape_cast %select_n3A_122 : vector<16xi32> to vector<1x16xi32>
      tpu.vector_store %arg7[%swap3A_143, %swap3A_144], %swap3A_147 {strides = array<i32>} : memref<2x1024xi32, #tpu.memory_space<vmem>>, vector<1x16xi32>,
      %swap3A_148 = arith.constant 1 : i32
      %swap3A_149 = arith.index_cast %swap3A_148 : i32 to index
      %swap3A_150 = arith.index_cast %mul3A_10 : i32 to index
      %swap3A_151 = tpu.vector_load %arg7[%swap3A_149, %swap3A_150] {strides = array<i32>} : memref<2x1024xi32, #tpu.memory_space<vmem>>, vector<1x16xi32>,
      %swap3A_152 = vector.shape_cast %swap3A_151 : vector<1x16xi32> to vector<16xi32>
      %swap3A_153 = vector.shape_cast %select_n3A_120 : vector<16xi32> to vector<1x16xi32>
      tpu.vector_store %arg7[%swap3A_149, %swap3A_150], %swap3A_153 {strides = array<i32>} : memref<2x1024xi32, #tpu.memory_space<vmem>>, vector<1x16xi32>,
    }
    %scan3A_7 = arith.constant 64 : i32
    "tpu.region"() ({
      %run_scoped3A = tpu.sem_alloc : memref<!tpu.dma_semaphore, #tpu.memory_space<semaphore_mem>>
      %dma_start3A = arith.constant 0 : i32
      %dma_start3A_8 = tpu.memref_slice %arg3[%dma_start3A, %mul3A_2] : memref<2x16384xf32, #tpu.memory_space<hbm>> -> memref<2x1024xf32, #tpu.memory_space<hbm>>
      %dma_start3A_9 = arith.constant 0 : i32
      %dma_start3A_10 = tpu.memref_slice %arg3[%dma_start3A_9, %mul3A_2] : memref<2x16384xf32, #tpu.memory_space<hbm>> -> memref<2x1024xf32, #tpu.memory_space<hbm>>
      tpu.enqueue_dma source(%arg6 : memref<2x1024xf32, #tpu.memory_space<vmem>>) target(%dma_start3A_10 : memref<2x1024xf32, #tpu.memory_space<hbm>>) target_semaphore(%run_scoped3A : memref<!tpu.dma_semaphore, #tpu.memory_space<semaphore_mem>>)
      %dma_wait3A = arith.constant 0 : i32
      %dma_wait3A_11 = tpu.memref_slice %arg3[%dma_wait3A, %mul3A_2] : memref<2x16384xf32, #tpu.memory_space<hbm>> -> memref<2x1024xf32, #tpu.memory_space<hbm>>
      %dma_wait3A_12 = arith.constant 0 : i32
      %dma_wait3A_13 = tpu.memref_slice %arg3[%dma_wait3A_12, %mul3A_2] : memref<2x16384xf32, #tpu.memory_space<hbm>> -> memref<2x1024xf32, #tpu.memory_space<hbm>>
      tpu.wait_dma2 semaphore(%run_scoped3A : memref<!tpu.dma_semaphore, #tpu.memory_space<semaphore_mem>>) src(%arg6 : memref<2x1024xf32, #tpu.memory_space<vmem>>) dst(%dma_wait3A_13 : memref<2x1024xf32, #tpu.memory_space<hbm>>)
      tpu.yield
    }) : () -> ()
    "tpu.region"() ({
      %run_scoped3A = tpu.sem_alloc : memref<!tpu.dma_semaphore, #tpu.memory_space<semaphore_mem>>
      %dma_start3A = arith.constant 0 : i32
      %dma_start3A_8 = tpu.memref_slice %arg4[%dma_start3A, %mul3A_2] : memref<2x16384xi32, #tpu.memory_space<hbm>> -> memref<2x1024xi32, #tpu.memory_space<hbm>>
      %dma_start3A_9 = arith.constant 0 : i32
      %dma_start3A_10 = tpu.memref_slice %arg4[%dma_start3A_9, %mul3A_2] : memref<2x16384xi32, #tpu.memory_space<hbm>> -> memref<2x1024xi32, #tpu.memory_space<hbm>>
      tpu.enqueue_dma source(%arg7 : memref<2x1024xi32, #tpu.memory_space<vmem>>) target(%dma_start3A_10 : memref<2x1024xi32, #tpu.memory_space<hbm>>) target_semaphore(%run_scoped3A : memref<!tpu.dma_semaphore, #tpu.memory_space<semaphore_mem>>)
      %dma_wait3A = arith.constant 0 : i32
      %dma_wait3A_11 = tpu.memref_slice %arg4[%dma_wait3A, %mul3A_2] : memref<2x16384xi32, #tpu.memory_space<hbm>> -> memref<2x1024xi32, #tpu.memory_space<hbm>>
      %dma_wait3A_12 = arith.constant 0 : i32
      %dma_wait3A_13 = tpu.memref_slice %arg4[%dma_wait3A_12, %mul3A_2] : memref<2x16384xi32, #tpu.memory_space<hbm>> -> memref<2x1024xi32, #tpu.memory_space<hbm>>
      tpu.wait_dma2 semaphore(%run_scoped3A : memref<!tpu.dma_semaphore, #tpu.memory_space<semaphore_mem>>) src(%arg7 : memref<2x1024xi32, #tpu.memory_space<vmem>>) dst(%dma_wait3A_13 : memref<2x1024xi32, #tpu.memory_space<hbm>>)
      tpu.yield
    }) : () -> ()
    return
  }
}

module attributes {stable_mosaic.version = 14 : i64} {
  func.func @_mm_body(%arg0: memref<16384x2048xf32, #tpu.memory_space<hbm>>, %arg1: memref<8x2048xf32, #tpu.memory_space<vmem>>, %arg2: memref<8x16384xf32, #tpu.memory_space<vmem>>, %arg3: memref<4x512x2048xf32, #tpu.memory_space<vmem>>, %arg4: memref<4x!tpu.dma_semaphore, #tpu.memory_space<semaphore_mem>>, %arg5: memref<4x!tpu.dma_semaphore, #tpu.memory_space<semaphore_mem>>) attributes {dimension_semantics = [], scalar_prefetch = 0 : i64, scratch_operands = 3 : i64, tpu.core_type = #tpu.core_type<tc>} {
    %dma_start3A = arith.constant 0 : i32
    %dma_start3A_0 = arith.constant 0 : i32
    %dma_start3A_1 = tpu.memref_slice %arg4[%dma_start3A_0] : memref<4x!tpu.dma_semaphore, #tpu.memory_space<semaphore_mem>> -> memref<1x!tpu.dma_semaphore, #tpu.memory_space<semaphore_mem>>
    %dma_start3A_2 = tpu.memref_squeeze %dma_start3A_1 : memref<1x!tpu.dma_semaphore, #tpu.memory_space<semaphore_mem>> -> memref<!tpu.dma_semaphore, #tpu.memory_space<semaphore_mem>>
    %dma_start3A_3 = arith.constant 0 : i32
    %dma_start3A_4 = arith.constant 0 : i32
    %dma_start3A_5 = tpu.memref_slice %arg3[%dma_start3A, %dma_start3A_3, %dma_start3A_4] : memref<4x512x2048xf32, #tpu.memory_space<vmem>> -> memref<1x256x2048xf32, #tpu.memory_space<vmem>>
    %dma_start3A_6 = tpu.memref_squeeze %dma_start3A_5 : memref<1x256x2048xf32, #tpu.memory_space<vmem>> -> memref<256x2048xf32, #tpu.memory_space<vmem>>
    %dma_start3A_7 = arith.constant 0 : i32
    %dma_start3A_8 = arith.constant 0 : i32
    %dma_start3A_9 = tpu.memref_slice %arg0[%dma_start3A_7, %dma_start3A_8] : memref<16384x2048xf32, #tpu.memory_space<hbm>> -> memref<256x2048xf32, #tpu.memory_space<hbm>>
    tpu.enqueue_dma source(%dma_start3A_9 : memref<256x2048xf32, #tpu.memory_space<hbm>>) target(%dma_start3A_6 : memref<256x2048xf32, #tpu.memory_space<vmem>>) target_semaphore(%dma_start3A_2 : memref<!tpu.dma_semaphore, #tpu.memory_space<semaphore_mem>>)
    %dma_start3A_10 = arith.constant 0 : i32
    %dma_start3A_11 = arith.constant 0 : i32
    %dma_start3A_12 = tpu.memref_slice %arg5[%dma_start3A_11] : memref<4x!tpu.dma_semaphore, #tpu.memory_space<semaphore_mem>> -> memref<1x!tpu.dma_semaphore, #tpu.memory_space<semaphore_mem>>
    %dma_start3A_13 = tpu.memref_squeeze %dma_start3A_12 : memref<1x!tpu.dma_semaphore, #tpu.memory_space<semaphore_mem>> -> memref<!tpu.dma_semaphore, #tpu.memory_space<semaphore_mem>>
    %dma_start3A_14 = arith.constant 256 : i32
    %dma_start3A_15 = arith.constant 0 : i32
    %dma_start3A_16 = tpu.memref_slice %arg3[%dma_start3A_10, %dma_start3A_14, %dma_start3A_15] : memref<4x512x2048xf32, #tpu.memory_space<vmem>> -> memref<1x256x2048xf32, #tpu.memory_space<vmem>>
    %dma_start3A_17 = tpu.memref_squeeze %dma_start3A_16 : memref<1x256x2048xf32, #tpu.memory_space<vmem>> -> memref<256x2048xf32, #tpu.memory_space<vmem>>
    %dma_start3A_18 = arith.constant 256 : i32
    %dma_start3A_19 = arith.constant 0 : i32
    %dma_start3A_20 = tpu.memref_slice %arg0[%dma_start3A_18, %dma_start3A_19] : memref<16384x2048xf32, #tpu.memory_space<hbm>> -> memref<256x2048xf32, #tpu.memory_space<hbm>>
    tpu.enqueue_dma source(%dma_start3A_20 : memref<256x2048xf32, #tpu.memory_space<hbm>>) target(%dma_start3A_17 : memref<256x2048xf32, #tpu.memory_space<vmem>>) target_semaphore(%dma_start3A_13 : memref<!tpu.dma_semaphore, #tpu.memory_space<semaphore_mem>>)
    %dma_start3A_21 = arith.constant 1 : i32
    %dma_start3A_22 = arith.constant 1 : i32
    %dma_start3A_23 = tpu.memref_slice %arg4[%dma_start3A_22] : memref<4x!tpu.dma_semaphore, #tpu.memory_space<semaphore_mem>> -> memref<1x!tpu.dma_semaphore, #tpu.memory_space<semaphore_mem>>
    %dma_start3A_24 = tpu.memref_squeeze %dma_start3A_23 : memref<1x!tpu.dma_semaphore, #tpu.memory_space<semaphore_mem>> -> memref<!tpu.dma_semaphore, #tpu.memory_space<semaphore_mem>>
    %dma_start3A_25 = arith.constant 0 : i32
    %dma_start3A_26 = arith.constant 0 : i32
    %dma_start3A_27 = tpu.memref_slice %arg3[%dma_start3A_21, %dma_start3A_25, %dma_start3A_26] : memref<4x512x2048xf32, #tpu.memory_space<vmem>> -> memref<1x256x2048xf32, #tpu.memory_space<vmem>>
    %dma_start3A_28 = tpu.memref_squeeze %dma_start3A_27 : memref<1x256x2048xf32, #tpu.memory_space<vmem>> -> memref<256x2048xf32, #tpu.memory_space<vmem>>
    %dma_start3A_29 = arith.constant 512 : i32
    %dma_start3A_30 = arith.constant 0 : i32
    %dma_start3A_31 = tpu.memref_slice %arg0[%dma_start3A_29, %dma_start3A_30] : memref<16384x2048xf32, #tpu.memory_space<hbm>> -> memref<256x2048xf32, #tpu.memory_space<hbm>>
    tpu.enqueue_dma source(%dma_start3A_31 : memref<256x2048xf32, #tpu.memory_space<hbm>>) target(%dma_start3A_28 : memref<256x2048xf32, #tpu.memory_space<vmem>>) target_semaphore(%dma_start3A_24 : memref<!tpu.dma_semaphore, #tpu.memory_space<semaphore_mem>>)
    %dma_start3A_32 = arith.constant 1 : i32
    %dma_start3A_33 = arith.constant 1 : i32
    %dma_start3A_34 = tpu.memref_slice %arg5[%dma_start3A_33] : memref<4x!tpu.dma_semaphore, #tpu.memory_space<semaphore_mem>> -> memref<1x!tpu.dma_semaphore, #tpu.memory_space<semaphore_mem>>
    %dma_start3A_35 = tpu.memref_squeeze %dma_start3A_34 : memref<1x!tpu.dma_semaphore, #tpu.memory_space<semaphore_mem>> -> memref<!tpu.dma_semaphore, #tpu.memory_space<semaphore_mem>>
    %dma_start3A_36 = arith.constant 256 : i32
    %dma_start3A_37 = arith.constant 0 : i32
    %dma_start3A_38 = tpu.memref_slice %arg3[%dma_start3A_32, %dma_start3A_36, %dma_start3A_37] : memref<4x512x2048xf32, #tpu.memory_space<vmem>> -> memref<1x256x2048xf32, #tpu.memory_space<vmem>>
    %dma_start3A_39 = tpu.memref_squeeze %dma_start3A_38 : memref<1x256x2048xf32, #tpu.memory_space<vmem>> -> memref<256x2048xf32, #tpu.memory_space<vmem>>
    %dma_start3A_40 = arith.constant 768 : i32
    %dma_start3A_41 = arith.constant 0 : i32
    %dma_start3A_42 = tpu.memref_slice %arg0[%dma_start3A_40, %dma_start3A_41] : memref<16384x2048xf32, #tpu.memory_space<hbm>> -> memref<256x2048xf32, #tpu.memory_space<hbm>>
    tpu.enqueue_dma source(%dma_start3A_42 : memref<256x2048xf32, #tpu.memory_space<hbm>>) target(%dma_start3A_39 : memref<256x2048xf32, #tpu.memory_space<vmem>>) target_semaphore(%dma_start3A_35 : memref<!tpu.dma_semaphore, #tpu.memory_space<semaphore_mem>>)
    %dma_start3A_43 = arith.constant 2 : i32
    %dma_start3A_44 = arith.constant 2 : i32
    %dma_start3A_45 = tpu.memref_slice %arg4[%dma_start3A_44] : memref<4x!tpu.dma_semaphore, #tpu.memory_space<semaphore_mem>> -> memref<1x!tpu.dma_semaphore, #tpu.memory_space<semaphore_mem>>
    %dma_start3A_46 = tpu.memref_squeeze %dma_start3A_45 : memref<1x!tpu.dma_semaphore, #tpu.memory_space<semaphore_mem>> -> memref<!tpu.dma_semaphore, #tpu.memory_space<semaphore_mem>>
    %dma_start3A_47 = arith.constant 0 : i32
    %dma_start3A_48 = arith.constant 0 : i32
    %dma_start3A_49 = tpu.memref_slice %arg3[%dma_start3A_43, %dma_start3A_47, %dma_start3A_48] : memref<4x512x2048xf32, #tpu.memory_space<vmem>> -> memref<1x256x2048xf32, #tpu.memory_space<vmem>>
    %dma_start3A_50 = tpu.memref_squeeze %dma_start3A_49 : memref<1x256x2048xf32, #tpu.memory_space<vmem>> -> memref<256x2048xf32, #tpu.memory_space<vmem>>
    %dma_start3A_51 = arith.constant 1024 : i32
    %dma_start3A_52 = arith.constant 0 : i32
    %dma_start3A_53 = tpu.memref_slice %arg0[%dma_start3A_51, %dma_start3A_52] : memref<16384x2048xf32, #tpu.memory_space<hbm>> -> memref<256x2048xf32, #tpu.memory_space<hbm>>
    tpu.enqueue_dma source(%dma_start3A_53 : memref<256x2048xf32, #tpu.memory_space<hbm>>) target(%dma_start3A_50 : memref<256x2048xf32, #tpu.memory_space<vmem>>) target_semaphore(%dma_start3A_46 : memref<!tpu.dma_semaphore, #tpu.memory_space<semaphore_mem>>)
    %dma_start3A_54 = arith.constant 2 : i32
    %dma_start3A_55 = arith.constant 2 : i32
    %dma_start3A_56 = tpu.memref_slice %arg5[%dma_start3A_55] : memref<4x!tpu.dma_semaphore, #tpu.memory_space<semaphore_mem>> -> memref<1x!tpu.dma_semaphore, #tpu.memory_space<semaphore_mem>>
    %dma_start3A_57 = tpu.memref_squeeze %dma_start3A_56 : memref<1x!tpu.dma_semaphore, #tpu.memory_space<semaphore_mem>> -> memref<!tpu.dma_semaphore, #tpu.memory_space<semaphore_mem>>
    %dma_start3A_58 = arith.constant 256 : i32
    %dma_start3A_59 = arith.constant 0 : i32
    %dma_start3A_60 = tpu.memref_slice %arg3[%dma_start3A_54, %dma_start3A_58, %dma_start3A_59] : memref<4x512x2048xf32, #tpu.memory_space<vmem>> -> memref<1x256x2048xf32, #tpu.memory_space<vmem>>
    %dma_start3A_61 = tpu.memref_squeeze %dma_start3A_60 : memref<1x256x2048xf32, #tpu.memory_space<vmem>> -> memref<256x2048xf32, #tpu.memory_space<vmem>>
    %dma_start3A_62 = arith.constant 1280 : i32
    %dma_start3A_63 = arith.constant 0 : i32
    %dma_start3A_64 = tpu.memref_slice %arg0[%dma_start3A_62, %dma_start3A_63] : memref<16384x2048xf32, #tpu.memory_space<hbm>> -> memref<256x2048xf32, #tpu.memory_space<hbm>>
    tpu.enqueue_dma source(%dma_start3A_64 : memref<256x2048xf32, #tpu.memory_space<hbm>>) target(%dma_start3A_61 : memref<256x2048xf32, #tpu.memory_space<vmem>>) target_semaphore(%dma_start3A_57 : memref<!tpu.dma_semaphore, #tpu.memory_space<semaphore_mem>>)
    %dma_start3A_65 = arith.constant 3 : i32
    %dma_start3A_66 = arith.constant 3 : i32
    %dma_start3A_67 = tpu.memref_slice %arg4[%dma_start3A_66] : memref<4x!tpu.dma_semaphore, #tpu.memory_space<semaphore_mem>> -> memref<1x!tpu.dma_semaphore, #tpu.memory_space<semaphore_mem>>
    %dma_start3A_68 = tpu.memref_squeeze %dma_start3A_67 : memref<1x!tpu.dma_semaphore, #tpu.memory_space<semaphore_mem>> -> memref<!tpu.dma_semaphore, #tpu.memory_space<semaphore_mem>>
    %dma_start3A_69 = arith.constant 0 : i32
    %dma_start3A_70 = arith.constant 0 : i32
    %dma_start3A_71 = tpu.memref_slice %arg3[%dma_start3A_65, %dma_start3A_69, %dma_start3A_70] : memref<4x512x2048xf32, #tpu.memory_space<vmem>> -> memref<1x256x2048xf32, #tpu.memory_space<vmem>>
    %dma_start3A_72 = tpu.memref_squeeze %dma_start3A_71 : memref<1x256x2048xf32, #tpu.memory_space<vmem>> -> memref<256x2048xf32, #tpu.memory_space<vmem>>
    %dma_start3A_73 = arith.constant 1536 : i32
    %dma_start3A_74 = arith.constant 0 : i32
    %dma_start3A_75 = tpu.memref_slice %arg0[%dma_start3A_73, %dma_start3A_74] : memref<16384x2048xf32, #tpu.memory_space<hbm>> -> memref<256x2048xf32, #tpu.memory_space<hbm>>
    tpu.enqueue_dma source(%dma_start3A_75 : memref<256x2048xf32, #tpu.memory_space<hbm>>) target(%dma_start3A_72 : memref<256x2048xf32, #tpu.memory_space<vmem>>) target_semaphore(%dma_start3A_68 : memref<!tpu.dma_semaphore, #tpu.memory_space<semaphore_mem>>)
    %dma_start3A_76 = arith.constant 3 : i32
    %dma_start3A_77 = arith.constant 3 : i32
    %dma_start3A_78 = tpu.memref_slice %arg5[%dma_start3A_77] : memref<4x!tpu.dma_semaphore, #tpu.memory_space<semaphore_mem>> -> memref<1x!tpu.dma_semaphore, #tpu.memory_space<semaphore_mem>>
    %dma_start3A_79 = tpu.memref_squeeze %dma_start3A_78 : memref<1x!tpu.dma_semaphore, #tpu.memory_space<semaphore_mem>> -> memref<!tpu.dma_semaphore, #tpu.memory_space<semaphore_mem>>
    %dma_start3A_80 = arith.constant 256 : i32
    %dma_start3A_81 = arith.constant 0 : i32
    %dma_start3A_82 = tpu.memref_slice %arg3[%dma_start3A_76, %dma_start3A_80, %dma_start3A_81] : memref<4x512x2048xf32, #tpu.memory_space<vmem>> -> memref<1x256x2048xf32, #tpu.memory_space<vmem>>
    %dma_start3A_83 = tpu.memref_squeeze %dma_start3A_82 : memref<1x256x2048xf32, #tpu.memory_space<vmem>> -> memref<256x2048xf32, #tpu.memory_space<vmem>>
    %dma_start3A_84 = arith.constant 1792 : i32
    %dma_start3A_85 = arith.constant 0 : i32
    %dma_start3A_86 = tpu.memref_slice %arg0[%dma_start3A_84, %dma_start3A_85] : memref<16384x2048xf32, #tpu.memory_space<hbm>> -> memref<256x2048xf32, #tpu.memory_space<hbm>>
    tpu.enqueue_dma source(%dma_start3A_86 : memref<256x2048xf32, #tpu.memory_space<hbm>>) target(%dma_start3A_83 : memref<256x2048xf32, #tpu.memory_space<vmem>>) target_semaphore(%dma_start3A_79 : memref<!tpu.dma_semaphore, #tpu.memory_space<semaphore_mem>>)
    %dma_wait3A = arith.constant 0 : i32
    %dma_wait3A_87 = arith.constant 0 : i32
    %dma_wait3A_88 = tpu.memref_slice %arg4[%dma_wait3A_87] : memref<4x!tpu.dma_semaphore, #tpu.memory_space<semaphore_mem>> -> memref<1x!tpu.dma_semaphore, #tpu.memory_space<semaphore_mem>>
    %dma_wait3A_89 = tpu.memref_squeeze %dma_wait3A_88 : memref<1x!tpu.dma_semaphore, #tpu.memory_space<semaphore_mem>> -> memref<!tpu.dma_semaphore, #tpu.memory_space<semaphore_mem>>
    %dma_wait3A_90 = arith.constant 0 : i32
    %dma_wait3A_91 = arith.constant 0 : i32
    %dma_wait3A_92 = tpu.memref_slice %arg3[%dma_wait3A, %dma_wait3A_90, %dma_wait3A_91] : memref<4x512x2048xf32, #tpu.memory_space<vmem>> -> memref<1x256x2048xf32, #tpu.memory_space<vmem>>
    %dma_wait3A_93 = tpu.memref_squeeze %dma_wait3A_92 : memref<1x256x2048xf32, #tpu.memory_space<vmem>> -> memref<256x2048xf32, #tpu.memory_space<vmem>>
    %dma_wait3A_94 = arith.constant 0 : i32
    %dma_wait3A_95 = arith.constant 0 : i32
    %dma_wait3A_96 = tpu.memref_slice %arg0[%dma_wait3A_94, %dma_wait3A_95] : memref<16384x2048xf32, #tpu.memory_space<hbm>> -> memref<256x2048xf32, #tpu.memory_space<hbm>>
    tpu.wait_dma2 semaphore(%dma_wait3A_89 : memref<!tpu.dma_semaphore, #tpu.memory_space<semaphore_mem>>) src(%dma_wait3A_96 : memref<256x2048xf32, #tpu.memory_space<hbm>>) dst(%dma_wait3A_93 : memref<256x2048xf32, #tpu.memory_space<vmem>>)
    %dma_wait3A_97 = arith.constant 0 : i32
    %dma_wait3A_98 = arith.constant 0 : i32
    %dma_wait3A_99 = tpu.memref_slice %arg5[%dma_wait3A_98] : memref<4x!tpu.dma_semaphore, #tpu.memory_space<semaphore_mem>> -> memref<1x!tpu.dma_semaphore, #tpu.memory_space<semaphore_mem>>
    %dma_wait3A_100 = tpu.memref_squeeze %dma_wait3A_99 : memref<1x!tpu.dma_semaphore, #tpu.memory_space<semaphore_mem>> -> memref<!tpu.dma_semaphore, #tpu.memory_space<semaphore_mem>>
    %dma_wait3A_101 = arith.constant 256 : i32
    %dma_wait3A_102 = arith.constant 0 : i32
    %dma_wait3A_103 = tpu.memref_slice %arg3[%dma_wait3A_97, %dma_wait3A_101, %dma_wait3A_102] : memref<4x512x2048xf32, #tpu.memory_space<vmem>> -> memref<1x256x2048xf32, #tpu.memory_space<vmem>>
    %dma_wait3A_104 = tpu.memref_squeeze %dma_wait3A_103 : memref<1x256x2048xf32, #tpu.memory_space<vmem>> -> memref<256x2048xf32, #tpu.memory_space<vmem>>
    %dma_wait3A_105 = arith.constant 256 : i32
    %dma_wait3A_106 = arith.constant 0 : i32
    %dma_wait3A_107 = tpu.memref_slice %arg0[%dma_wait3A_105, %dma_wait3A_106] : memref<16384x2048xf32, #tpu.memory_space<hbm>> -> memref<256x2048xf32, #tpu.memory_space<hbm>>
    tpu.wait_dma2 semaphore(%dma_wait3A_100 : memref<!tpu.dma_semaphore, #tpu.memory_space<semaphore_mem>>) src(%dma_wait3A_107 : memref<256x2048xf32, #tpu.memory_space<hbm>>) dst(%dma_wait3A_104 : memref<256x2048xf32, #tpu.memory_space<vmem>>)
    %get3A = arith.constant 0 : index
    %get3A_108 = arith.constant 0 : index
    %get3A_109 = vector.load %arg1[%get3A, %get3A_108] : memref<8x2048xf32, #tpu.memory_space<vmem>>, vector<8x2048xf32>
    %get3A_110 = arith.constant 0 : index
    %get3A_111 = arith.constant 0 : index
    %get3A_112 = arith.constant 0 : index
    %get3A_113 = vector.load %arg3[%get3A_110, %get3A_111, %get3A_112] : memref<4x512x2048xf32, #tpu.memory_space<vmem>>, vector<1x512x2048xf32>
    %get3A_114 = vector.shape_cast %get3A_113 : vector<1x512x2048xf32> to vector<512x2048xf32>
    %dot_general3A = arith.constant dense<0.000000e+00> : vector<8x512xf32>
    %dot_general3A_115 = tpu.matmul %get3A_109, %get3A_114, %dot_general3A {dimension_numbers = #tpu.dot_dimension_numbers<[1], [1], [0], [0], [0, 0, 1, 0], [], []>, transpose_lhs_hint = false} : vector<8x2048xf32>, vector<512x2048xf32>, vector<8x512xf32> -> vector<8x512xf32>
    %swap3A = arith.constant 0 : index
    %swap3A_116 = arith.constant 0 : index
    %swap3A_117 = vector.load %arg2[%swap3A, %swap3A_116] : memref<8x16384xf32, #tpu.memory_space<vmem>>, vector<8x512xf32>
    tpu.vector_store %arg2[%swap3A, %swap3A_116], %dot_general3A_115 {strides = array<i32>} : memref<8x16384xf32, #tpu.memory_space<vmem>>, vector<8x512xf32>,
    %dma_start3A_118 = arith.constant 0 : i32
    %dma_start3A_119 = arith.constant 0 : i32
    %dma_start3A_120 = tpu.memref_slice %arg4[%dma_start3A_119] : memref<4x!tpu.dma_semaphore, #tpu.memory_space<semaphore_mem>> -> memref<1x!tpu.dma_semaphore, #tpu.memory_space<semaphore_mem>>
    %dma_start3A_121 = tpu.memref_squeeze %dma_start3A_120 : memref<1x!tpu.dma_semaphore, #tpu.memory_space<semaphore_mem>> -> memref<!tpu.dma_semaphore, #tpu.memory_space<semaphore_mem>>
    %dma_start3A_122 = arith.constant 0 : i32
    %dma_start3A_123 = arith.constant 0 : i32
    %dma_start3A_124 = tpu.memref_slice %arg3[%dma_start3A_118, %dma_start3A_122, %dma_start3A_123] : memref<4x512x2048xf32, #tpu.memory_space<vmem>> -> memref<1x256x2048xf32, #tpu.memory_space<vmem>>
    %dma_start3A_125 = tpu.memref_squeeze %dma_start3A_124 : memref<1x256x2048xf32, #tpu.memory_space<vmem>> -> memref<256x2048xf32, #tpu.memory_space<vmem>>
    %dma_start3A_126 = arith.constant 2048 : i32
    %dma_start3A_127 = arith.constant 0 : i32
    %dma_start3A_128 = tpu.memref_slice %arg0[%dma_start3A_126, %dma_start3A_127] : memref<16384x2048xf32, #tpu.memory_space<hbm>> -> memref<256x2048xf32, #tpu.memory_space<hbm>>
    tpu.enqueue_dma source(%dma_start3A_128 : memref<256x2048xf32, #tpu.memory_space<hbm>>) target(%dma_start3A_125 : memref<256x2048xf32, #tpu.memory_space<vmem>>) target_semaphore(%dma_start3A_121 : memref<!tpu.dma_semaphore, #tpu.memory_space<semaphore_mem>>)
    %dma_start3A_129 = arith.constant 0 : i32
    %dma_start3A_130 = arith.constant 0 : i32
    %dma_start3A_131 = tpu.memref_slice %arg5[%dma_start3A_130] : memref<4x!tpu.dma_semaphore, #tpu.memory_space<semaphore_mem>> -> memref<1x!tpu.dma_semaphore, #tpu.memory_space<semaphore_mem>>
    %dma_start3A_132 = tpu.memref_squeeze %dma_start3A_131 : memref<1x!tpu.dma_semaphore, #tpu.memory_space<semaphore_mem>> -> memref<!tpu.dma_semaphore, #tpu.memory_space<semaphore_mem>>
    %dma_start3A_133 = arith.constant 256 : i32
    %dma_start3A_134 = arith.constant 0 : i32
    %dma_start3A_135 = tpu.memref_slice %arg3[%dma_start3A_129, %dma_start3A_133, %dma_start3A_134] : memref<4x512x2048xf32, #tpu.memory_space<vmem>> -> memref<1x256x2048xf32, #tpu.memory_space<vmem>>
    %dma_start3A_136 = tpu.memref_squeeze %dma_start3A_135 : memref<1x256x2048xf32, #tpu.memory_space<vmem>> -> memref<256x2048xf32, #tpu.memory_space<vmem>>
    %dma_start3A_137 = arith.constant 2304 : i32
    %dma_start3A_138 = arith.constant 0 : i32
    %dma_start3A_139 = tpu.memref_slice %arg0[%dma_start3A_137, %dma_start3A_138] : memref<16384x2048xf32, #tpu.memory_space<hbm>> -> memref<256x2048xf32, #tpu.memory_space<hbm>>
    tpu.enqueue_dma source(%dma_start3A_139 : memref<256x2048xf32, #tpu.memory_space<hbm>>) target(%dma_start3A_136 : memref<256x2048xf32, #tpu.memory_space<vmem>>) target_semaphore(%dma_start3A_132 : memref<!tpu.dma_semaphore, #tpu.memory_space<semaphore_mem>>)
    %dma_wait3A_140 = arith.constant 1 : i32
    %dma_wait3A_141 = arith.constant 1 : i32
    %dma_wait3A_142 = tpu.memref_slice %arg4[%dma_wait3A_141] : memref<4x!tpu.dma_semaphore, #tpu.memory_space<semaphore_mem>> -> memref<1x!tpu.dma_semaphore, #tpu.memory_space<semaphore_mem>>
    %dma_wait3A_143 = tpu.memref_squeeze %dma_wait3A_142 : memref<1x!tpu.dma_semaphore, #tpu.memory_space<semaphore_mem>> -> memref<!tpu.dma_semaphore, #tpu.memory_space<semaphore_mem>>
    %dma_wait3A_144 = arith.constant 0 : i32
    %dma_wait3A_145 = arith.constant 0 : i32
    %dma_wait3A_146 = tpu.memref_slice %arg3[%dma_wait3A_140, %dma_wait3A_144, %dma_wait3A_145] : memref<4x512x2048xf32, #tpu.memory_space<vmem>> -> memref<1x256x2048xf32, #tpu.memory_space<vmem>>
    %dma_wait3A_147 = tpu.memref_squeeze %dma_wait3A_146 : memref<1x256x2048xf32, #tpu.memory_space<vmem>> -> memref<256x2048xf32, #tpu.memory_space<vmem>>
    %dma_wait3A_148 = arith.constant 512 : i32
    %dma_wait3A_149 = arith.constant 0 : i32
    %dma_wait3A_150 = tpu.memref_slice %arg0[%dma_wait3A_148, %dma_wait3A_149] : memref<16384x2048xf32, #tpu.memory_space<hbm>> -> memref<256x2048xf32, #tpu.memory_space<hbm>>
    tpu.wait_dma2 semaphore(%dma_wait3A_143 : memref<!tpu.dma_semaphore, #tpu.memory_space<semaphore_mem>>) src(%dma_wait3A_150 : memref<256x2048xf32, #tpu.memory_space<hbm>>) dst(%dma_wait3A_147 : memref<256x2048xf32, #tpu.memory_space<vmem>>)
    %dma_wait3A_151 = arith.constant 1 : i32
    %dma_wait3A_152 = arith.constant 1 : i32
    %dma_wait3A_153 = tpu.memref_slice %arg5[%dma_wait3A_152] : memref<4x!tpu.dma_semaphore, #tpu.memory_space<semaphore_mem>> -> memref<1x!tpu.dma_semaphore, #tpu.memory_space<semaphore_mem>>
    %dma_wait3A_154 = tpu.memref_squeeze %dma_wait3A_153 : memref<1x!tpu.dma_semaphore, #tpu.memory_space<semaphore_mem>> -> memref<!tpu.dma_semaphore, #tpu.memory_space<semaphore_mem>>
    %dma_wait3A_155 = arith.constant 256 : i32
    %dma_wait3A_156 = arith.constant 0 : i32
    %dma_wait3A_157 = tpu.memref_slice %arg3[%dma_wait3A_151, %dma_wait3A_155, %dma_wait3A_156] : memref<4x512x2048xf32, #tpu.memory_space<vmem>> -> memref<1x256x2048xf32, #tpu.memory_space<vmem>>
    %dma_wait3A_158 = tpu.memref_squeeze %dma_wait3A_157 : memref<1x256x2048xf32, #tpu.memory_space<vmem>> -> memref<256x2048xf32, #tpu.memory_space<vmem>>
    %dma_wait3A_159 = arith.constant 768 : i32
    %dma_wait3A_160 = arith.constant 0 : i32
    %dma_wait3A_161 = tpu.memref_slice %arg0[%dma_wait3A_159, %dma_wait3A_160] : memref<16384x2048xf32, #tpu.memory_space<hbm>> -> memref<256x2048xf32, #tpu.memory_space<hbm>>
    tpu.wait_dma2 semaphore(%dma_wait3A_154 : memref<!tpu.dma_semaphore, #tpu.memory_space<semaphore_mem>>) src(%dma_wait3A_161 : memref<256x2048xf32, #tpu.memory_space<hbm>>) dst(%dma_wait3A_158 : memref<256x2048xf32, #tpu.memory_space<vmem>>)
    %get3A_162 = arith.constant 0 : index
    %get3A_163 = arith.constant 0 : index
    %get3A_164 = vector.load %arg1[%get3A_162, %get3A_163] : memref<8x2048xf32, #tpu.memory_space<vmem>>, vector<8x2048xf32>
    %get3A_165 = arith.constant 1 : index
    %get3A_166 = arith.constant 0 : index
    %get3A_167 = arith.constant 0 : index
    %get3A_168 = vector.load %arg3[%get3A_165, %get3A_166, %get3A_167] : memref<4x512x2048xf32, #tpu.memory_space<vmem>>, vector<1x512x2048xf32>
    %get3A_169 = vector.shape_cast %get3A_168 : vector<1x512x2048xf32> to vector<512x2048xf32>
    %dot_general3A_170 = arith.constant dense<0.000000e+00> : vector<8x512xf32>
    %dot_general3A_171 = tpu.matmul %get3A_164, %get3A_169, %dot_general3A_170 {dimension_numbers = #tpu.dot_dimension_numbers<[1], [1], [0], [0], [0, 0, 1, 0], [], []>, transpose_lhs_hint = false} : vector<8x2048xf32>, vector<512x2048xf32>, vector<8x512xf32> -> vector<8x512xf32>
    %swap3A_172 = arith.constant 0 : index
    %swap3A_173 = arith.constant 512 : index
    %swap3A_174 = vector.load %arg2[%swap3A_172, %swap3A_173] : memref<8x16384xf32, #tpu.memory_space<vmem>>, vector<8x512xf32>
    tpu.vector_store %arg2[%swap3A_172, %swap3A_173], %dot_general3A_171 {strides = array<i32>} : memref<8x16384xf32, #tpu.memory_space<vmem>>, vector<8x512xf32>,
    %dma_start3A_175 = arith.constant 1 : i32
    %dma_start3A_176 = arith.constant 1 : i32
    %dma_start3A_177 = tpu.memref_slice %arg4[%dma_start3A_176] : memref<4x!tpu.dma_semaphore, #tpu.memory_space<semaphore_mem>> -> memref<1x!tpu.dma_semaphore, #tpu.memory_space<semaphore_mem>>
    %dma_start3A_178 = tpu.memref_squeeze %dma_start3A_177 : memref<1x!tpu.dma_semaphore, #tpu.memory_space<semaphore_mem>> -> memref<!tpu.dma_semaphore, #tpu.memory_space<semaphore_mem>>
    %dma_start3A_179 = arith.constant 0 : i32
    %dma_start3A_180 = arith.constant 0 : i32
    %dma_start3A_181 = tpu.memref_slice %arg3[%dma_start3A_175, %dma_start3A_179, %dma_start3A_180] : memref<4x512x2048xf32, #tpu.memory_space<vmem>> -> memref<1x256x2048xf32, #tpu.memory_space<vmem>>
    %dma_start3A_182 = tpu.memref_squeeze %dma_start3A_181 : memref<1x256x2048xf32, #tpu.memory_space<vmem>> -> memref<256x2048xf32, #tpu.memory_space<vmem>>
    %dma_start3A_183 = arith.constant 2560 : i32
    %dma_start3A_184 = arith.constant 0 : i32
    %dma_start3A_185 = tpu.memref_slice %arg0[%dma_start3A_183, %dma_start3A_184] : memref<16384x2048xf32, #tpu.memory_space<hbm>> -> memref<256x2048xf32, #tpu.memory_space<hbm>>
    tpu.enqueue_dma source(%dma_start3A_185 : memref<256x2048xf32, #tpu.memory_space<hbm>>) target(%dma_start3A_182 : memref<256x2048xf32, #tpu.memory_space<vmem>>) target_semaphore(%dma_start3A_178 : memref<!tpu.dma_semaphore, #tpu.memory_space<semaphore_mem>>)
    %dma_start3A_186 = arith.constant 1 : i32
    %dma_start3A_187 = arith.constant 1 : i32
    %dma_start3A_188 = tpu.memref_slice %arg5[%dma_start3A_187] : memref<4x!tpu.dma_semaphore, #tpu.memory_space<semaphore_mem>> -> memref<1x!tpu.dma_semaphore, #tpu.memory_space<semaphore_mem>>
    %dma_start3A_189 = tpu.memref_squeeze %dma_start3A_188 : memref<1x!tpu.dma_semaphore, #tpu.memory_space<semaphore_mem>> -> memref<!tpu.dma_semaphore, #tpu.memory_space<semaphore_mem>>
    %dma_start3A_190 = arith.constant 256 : i32
    %dma_start3A_191 = arith.constant 0 : i32
    %dma_start3A_192 = tpu.memref_slice %arg3[%dma_start3A_186, %dma_start3A_190, %dma_start3A_191] : memref<4x512x2048xf32, #tpu.memory_space<vmem>> -> memref<1x256x2048xf32, #tpu.memory_space<vmem>>
    %dma_start3A_193 = tpu.memref_squeeze %dma_start3A_192 : memref<1x256x2048xf32, #tpu.memory_space<vmem>> -> memref<256x2048xf32, #tpu.memory_space<vmem>>
    %dma_start3A_194 = arith.constant 2816 : i32
    %dma_start3A_195 = arith.constant 0 : i32
    %dma_start3A_196 = tpu.memref_slice %arg0[%dma_start3A_194, %dma_start3A_195] : memref<16384x2048xf32, #tpu.memory_space<hbm>> -> memref<256x2048xf32, #tpu.memory_space<hbm>>
    tpu.enqueue_dma source(%dma_start3A_196 : memref<256x2048xf32, #tpu.memory_space<hbm>>) target(%dma_start3A_193 : memref<256x2048xf32, #tpu.memory_space<vmem>>) target_semaphore(%dma_start3A_189 : memref<!tpu.dma_semaphore, #tpu.memory_space<semaphore_mem>>)
    %dma_wait3A_197 = arith.constant 2 : i32
    %dma_wait3A_198 = arith.constant 2 : i32
    %dma_wait3A_199 = tpu.memref_slice %arg4[%dma_wait3A_198] : memref<4x!tpu.dma_semaphore, #tpu.memory_space<semaphore_mem>> -> memref<1x!tpu.dma_semaphore, #tpu.memory_space<semaphore_mem>>
    %dma_wait3A_200 = tpu.memref_squeeze %dma_wait3A_199 : memref<1x!tpu.dma_semaphore, #tpu.memory_space<semaphore_mem>> -> memref<!tpu.dma_semaphore, #tpu.memory_space<semaphore_mem>>
    %dma_wait3A_201 = arith.constant 0 : i32
    %dma_wait3A_202 = arith.constant 0 : i32
    %dma_wait3A_203 = tpu.memref_slice %arg3[%dma_wait3A_197, %dma_wait3A_201, %dma_wait3A_202] : memref<4x512x2048xf32, #tpu.memory_space<vmem>> -> memref<1x256x2048xf32, #tpu.memory_space<vmem>>
    %dma_wait3A_204 = tpu.memref_squeeze %dma_wait3A_203 : memref<1x256x2048xf32, #tpu.memory_space<vmem>> -> memref<256x2048xf32, #tpu.memory_space<vmem>>
    %dma_wait3A_205 = arith.constant 1024 : i32
    %dma_wait3A_206 = arith.constant 0 : i32
    %dma_wait3A_207 = tpu.memref_slice %arg0[%dma_wait3A_205, %dma_wait3A_206] : memref<16384x2048xf32, #tpu.memory_space<hbm>> -> memref<256x2048xf32, #tpu.memory_space<hbm>>
    tpu.wait_dma2 semaphore(%dma_wait3A_200 : memref<!tpu.dma_semaphore, #tpu.memory_space<semaphore_mem>>) src(%dma_wait3A_207 : memref<256x2048xf32, #tpu.memory_space<hbm>>) dst(%dma_wait3A_204 : memref<256x2048xf32, #tpu.memory_space<vmem>>)
    %dma_wait3A_208 = arith.constant 2 : i32
    %dma_wait3A_209 = arith.constant 2 : i32
    %dma_wait3A_210 = tpu.memref_slice %arg5[%dma_wait3A_209] : memref<4x!tpu.dma_semaphore, #tpu.memory_space<semaphore_mem>> -> memref<1x!tpu.dma_semaphore, #tpu.memory_space<semaphore_mem>>
    %dma_wait3A_211 = tpu.memref_squeeze %dma_wait3A_210 : memref<1x!tpu.dma_semaphore, #tpu.memory_space<semaphore_mem>> -> memref<!tpu.dma_semaphore, #tpu.memory_space<semaphore_mem>>
    %dma_wait3A_212 = arith.constant 256 : i32
    %dma_wait3A_213 = arith.constant 0 : i32
    %dma_wait3A_214 = tpu.memref_slice %arg3[%dma_wait3A_208, %dma_wait3A_212, %dma_wait3A_213] : memref<4x512x2048xf32, #tpu.memory_space<vmem>> -> memref<1x256x2048xf32, #tpu.memory_space<vmem>>
    %dma_wait3A_215 = tpu.memref_squeeze %dma_wait3A_214 : memref<1x256x2048xf32, #tpu.memory_space<vmem>> -> memref<256x2048xf32, #tpu.memory_space<vmem>>
    %dma_wait3A_216 = arith.constant 1280 : i32
    %dma_wait3A_217 = arith.constant 0 : i32
    %dma_wait3A_218 = tpu.memref_slice %arg0[%dma_wait3A_216, %dma_wait3A_217] : memref<16384x2048xf32, #tpu.memory_space<hbm>> -> memref<256x2048xf32, #tpu.memory_space<hbm>>
    tpu.wait_dma2 semaphore(%dma_wait3A_211 : memref<!tpu.dma_semaphore, #tpu.memory_space<semaphore_mem>>) src(%dma_wait3A_218 : memref<256x2048xf32, #tpu.memory_space<hbm>>) dst(%dma_wait3A_215 : memref<256x2048xf32, #tpu.memory_space<vmem>>)
    %get3A_219 = arith.constant 0 : index
    %get3A_220 = arith.constant 0 : index
    %get3A_221 = vector.load %arg1[%get3A_219, %get3A_220] : memref<8x2048xf32, #tpu.memory_space<vmem>>, vector<8x2048xf32>
    %get3A_222 = arith.constant 2 : index
    %get3A_223 = arith.constant 0 : index
    %get3A_224 = arith.constant 0 : index
    %get3A_225 = vector.load %arg3[%get3A_222, %get3A_223, %get3A_224] : memref<4x512x2048xf32, #tpu.memory_space<vmem>>, vector<1x512x2048xf32>
    %get3A_226 = vector.shape_cast %get3A_225 : vector<1x512x2048xf32> to vector<512x2048xf32>
    %dot_general3A_227 = arith.constant dense<0.000000e+00> : vector<8x512xf32>
    %dot_general3A_228 = tpu.matmul %get3A_221, %get3A_226, %dot_general3A_227 {dimension_numbers = #tpu.dot_dimension_numbers<[1], [1], [0], [0], [0, 0, 1, 0], [], []>, transpose_lhs_hint = false} : vector<8x2048xf32>, vector<512x2048xf32>, vector<8x512xf32> -> vector<8x512xf32>
    %swap3A_229 = arith.constant 0 : index
    %swap3A_230 = arith.constant 1024 : index
    %swap3A_231 = vector.load %arg2[%swap3A_229, %swap3A_230] : memref<8x16384xf32, #tpu.memory_space<vmem>>, vector<8x512xf32>
    tpu.vector_store %arg2[%swap3A_229, %swap3A_230], %dot_general3A_228 {strides = array<i32>} : memref<8x16384xf32, #tpu.memory_space<vmem>>, vector<8x512xf32>,
    %dma_start3A_232 = arith.constant 2 : i32
    %dma_start3A_233 = arith.constant 2 : i32
    %dma_start3A_234 = tpu.memref_slice %arg4[%dma_start3A_233] : memref<4x!tpu.dma_semaphore, #tpu.memory_space<semaphore_mem>> -> memref<1x!tpu.dma_semaphore, #tpu.memory_space<semaphore_mem>>
    %dma_start3A_235 = tpu.memref_squeeze %dma_start3A_234 : memref<1x!tpu.dma_semaphore, #tpu.memory_space<semaphore_mem>> -> memref<!tpu.dma_semaphore, #tpu.memory_space<semaphore_mem>>
    %dma_start3A_236 = arith.constant 0 : i32
    %dma_start3A_237 = arith.constant 0 : i32
    %dma_start3A_238 = tpu.memref_slice %arg3[%dma_start3A_232, %dma_start3A_236, %dma_start3A_237] : memref<4x512x2048xf32, #tpu.memory_space<vmem>> -> memref<1x256x2048xf32, #tpu.memory_space<vmem>>
    %dma_start3A_239 = tpu.memref_squeeze %dma_start3A_238 : memref<1x256x2048xf32, #tpu.memory_space<vmem>> -> memref<256x2048xf32, #tpu.memory_space<vmem>>
    %dma_start3A_240 = arith.constant 3072 : i32
    %dma_start3A_241 = arith.constant 0 : i32
    %dma_start3A_242 = tpu.memref_slice %arg0[%dma_start3A_240, %dma_start3A_241] : memref<16384x2048xf32, #tpu.memory_space<hbm>> -> memref<256x2048xf32, #tpu.memory_space<hbm>>
    tpu.enqueue_dma source(%dma_start3A_242 : memref<256x2048xf32, #tpu.memory_space<hbm>>) target(%dma_start3A_239 : memref<256x2048xf32, #tpu.memory_space<vmem>>) target_semaphore(%dma_start3A_235 : memref<!tpu.dma_semaphore, #tpu.memory_space<semaphore_mem>>)
    %dma_start3A_243 = arith.constant 2 : i32
    %dma_start3A_244 = arith.constant 2 : i32
    %dma_start3A_245 = tpu.memref_slice %arg5[%dma_start3A_244] : memref<4x!tpu.dma_semaphore, #tpu.memory_space<semaphore_mem>> -> memref<1x!tpu.dma_semaphore, #tpu.memory_space<semaphore_mem>>
    %dma_start3A_246 = tpu.memref_squeeze %dma_start3A_245 : memref<1x!tpu.dma_semaphore, #tpu.memory_space<semaphore_mem>> -> memref<!tpu.dma_semaphore, #tpu.memory_space<semaphore_mem>>
    %dma_start3A_247 = arith.constant 256 : i32
    %dma_start3A_248 = arith.constant 0 : i32
    %dma_start3A_249 = tpu.memref_slice %arg3[%dma_start3A_243, %dma_start3A_247, %dma_start3A_248] : memref<4x512x2048xf32, #tpu.memory_space<vmem>> -> memref<1x256x2048xf32, #tpu.memory_space<vmem>>
    %dma_start3A_250 = tpu.memref_squeeze %dma_start3A_249 : memref<1x256x2048xf32, #tpu.memory_space<vmem>> -> memref<256x2048xf32, #tpu.memory_space<vmem>>
    %dma_start3A_251 = arith.constant 3328 : i32
    %dma_start3A_252 = arith.constant 0 : i32
    %dma_start3A_253 = tpu.memref_slice %arg0[%dma_start3A_251, %dma_start3A_252] : memref<16384x2048xf32, #tpu.memory_space<hbm>> -> memref<256x2048xf32, #tpu.memory_space<hbm>>
    tpu.enqueue_dma source(%dma_start3A_253 : memref<256x2048xf32, #tpu.memory_space<hbm>>) target(%dma_start3A_250 : memref<256x2048xf32, #tpu.memory_space<vmem>>) target_semaphore(%dma_start3A_246 : memref<!tpu.dma_semaphore, #tpu.memory_space<semaphore_mem>>)
    %dma_wait3A_254 = arith.constant 3 : i32
    %dma_wait3A_255 = arith.constant 3 : i32
    %dma_wait3A_256 = tpu.memref_slice %arg4[%dma_wait3A_255] : memref<4x!tpu.dma_semaphore, #tpu.memory_space<semaphore_mem>> -> memref<1x!tpu.dma_semaphore, #tpu.memory_space<semaphore_mem>>
    %dma_wait3A_257 = tpu.memref_squeeze %dma_wait3A_256 : memref<1x!tpu.dma_semaphore, #tpu.memory_space<semaphore_mem>> -> memref<!tpu.dma_semaphore, #tpu.memory_space<semaphore_mem>>
    %dma_wait3A_258 = arith.constant 0 : i32
    %dma_wait3A_259 = arith.constant 0 : i32
    %dma_wait3A_260 = tpu.memref_slice %arg3[%dma_wait3A_254, %dma_wait3A_258, %dma_wait3A_259] : memref<4x512x2048xf32, #tpu.memory_space<vmem>> -> memref<1x256x2048xf32, #tpu.memory_space<vmem>>
    %dma_wait3A_261 = tpu.memref_squeeze %dma_wait3A_260 : memref<1x256x2048xf32, #tpu.memory_space<vmem>> -> memref<256x2048xf32, #tpu.memory_space<vmem>>
    %dma_wait3A_262 = arith.constant 1536 : i32
    %dma_wait3A_263 = arith.constant 0 : i32
    %dma_wait3A_264 = tpu.memref_slice %arg0[%dma_wait3A_262, %dma_wait3A_263] : memref<16384x2048xf32, #tpu.memory_space<hbm>> -> memref<256x2048xf32, #tpu.memory_space<hbm>>
    tpu.wait_dma2 semaphore(%dma_wait3A_257 : memref<!tpu.dma_semaphore, #tpu.memory_space<semaphore_mem>>) src(%dma_wait3A_264 : memref<256x2048xf32, #tpu.memory_space<hbm>>) dst(%dma_wait3A_261 : memref<256x2048xf32, #tpu.memory_space<vmem>>)
    %dma_wait3A_265 = arith.constant 3 : i32
    %dma_wait3A_266 = arith.constant 3 : i32
    %dma_wait3A_267 = tpu.memref_slice %arg5[%dma_wait3A_266] : memref<4x!tpu.dma_semaphore, #tpu.memory_space<semaphore_mem>> -> memref<1x!tpu.dma_semaphore, #tpu.memory_space<semaphore_mem>>
    %dma_wait3A_268 = tpu.memref_squeeze %dma_wait3A_267 : memref<1x!tpu.dma_semaphore, #tpu.memory_space<semaphore_mem>> -> memref<!tpu.dma_semaphore, #tpu.memory_space<semaphore_mem>>
    %dma_wait3A_269 = arith.constant 256 : i32
    %dma_wait3A_270 = arith.constant 0 : i32
    %dma_wait3A_271 = tpu.memref_slice %arg3[%dma_wait3A_265, %dma_wait3A_269, %dma_wait3A_270] : memref<4x512x2048xf32, #tpu.memory_space<vmem>> -> memref<1x256x2048xf32, #tpu.memory_space<vmem>>
    %dma_wait3A_272 = tpu.memref_squeeze %dma_wait3A_271 : memref<1x256x2048xf32, #tpu.memory_space<vmem>> -> memref<256x2048xf32, #tpu.memory_space<vmem>>
    %dma_wait3A_273 = arith.constant 1792 : i32
    %dma_wait3A_274 = arith.constant 0 : i32
    %dma_wait3A_275 = tpu.memref_slice %arg0[%dma_wait3A_273, %dma_wait3A_274] : memref<16384x2048xf32, #tpu.memory_space<hbm>> -> memref<256x2048xf32, #tpu.memory_space<hbm>>
    tpu.wait_dma2 semaphore(%dma_wait3A_268 : memref<!tpu.dma_semaphore, #tpu.memory_space<semaphore_mem>>) src(%dma_wait3A_275 : memref<256x2048xf32, #tpu.memory_space<hbm>>) dst(%dma_wait3A_272 : memref<256x2048xf32, #tpu.memory_space<vmem>>)
    %get3A_276 = arith.constant 0 : index
    %get3A_277 = arith.constant 0 : index
    %get3A_278 = vector.load %arg1[%get3A_276, %get3A_277] : memref<8x2048xf32, #tpu.memory_space<vmem>>, vector<8x2048xf32>
    %get3A_279 = arith.constant 3 : index
    %get3A_280 = arith.constant 0 : index
    %get3A_281 = arith.constant 0 : index
    %get3A_282 = vector.load %arg3[%get3A_279, %get3A_280, %get3A_281] : memref<4x512x2048xf32, #tpu.memory_space<vmem>>, vector<1x512x2048xf32>
    %get3A_283 = vector.shape_cast %get3A_282 : vector<1x512x2048xf32> to vector<512x2048xf32>
    %dot_general3A_284 = arith.constant dense<0.000000e+00> : vector<8x512xf32>
    %dot_general3A_285 = tpu.matmul %get3A_278, %get3A_283, %dot_general3A_284 {dimension_numbers = #tpu.dot_dimension_numbers<[1], [1], [0], [0], [0, 0, 1, 0], [], []>, transpose_lhs_hint = false} : vector<8x2048xf32>, vector<512x2048xf32>, vector<8x512xf32> -> vector<8x512xf32>
    %swap3A_286 = arith.constant 0 : index
    %swap3A_287 = arith.constant 1536 : index
    %swap3A_288 = vector.load %arg2[%swap3A_286, %swap3A_287] : memref<8x16384xf32, #tpu.memory_space<vmem>>, vector<8x512xf32>
    tpu.vector_store %arg2[%swap3A_286, %swap3A_287], %dot_general3A_285 {strides = array<i32>} : memref<8x16384xf32, #tpu.memory_space<vmem>>, vector<8x512xf32>,
    %dma_start3A_289 = arith.constant 3 : i32
    %dma_start3A_290 = arith.constant 3 : i32
    %dma_start3A_291 = tpu.memref_slice %arg4[%dma_start3A_290] : memref<4x!tpu.dma_semaphore, #tpu.memory_space<semaphore_mem>> -> memref<1x!tpu.dma_semaphore, #tpu.memory_space<semaphore_mem>>
    %dma_start3A_292 = tpu.memref_squeeze %dma_start3A_291 : memref<1x!tpu.dma_semaphore, #tpu.memory_space<semaphore_mem>> -> memref<!tpu.dma_semaphore, #tpu.memory_space<semaphore_mem>>
    %dma_start3A_293 = arith.constant 0 : i32
    %dma_start3A_294 = arith.constant 0 : i32
    %dma_start3A_295 = tpu.memref_slice %arg3[%dma_start3A_289, %dma_start3A_293, %dma_start3A_294] : memref<4x512x2048xf32, #tpu.memory_space<vmem>> -> memref<1x256x2048xf32, #tpu.memory_space<vmem>>
    %dma_start3A_296 = tpu.memref_squeeze %dma_start3A_295 : memref<1x256x2048xf32, #tpu.memory_space<vmem>> -> memref<256x2048xf32, #tpu.memory_space<vmem>>
    %dma_start3A_297 = arith.constant 3584 : i32
    %dma_start3A_298 = arith.constant 0 : i32
    %dma_start3A_299 = tpu.memref_slice %arg0[%dma_start3A_297, %dma_start3A_298] : memref<16384x2048xf32, #tpu.memory_space<hbm>> -> memref<256x2048xf32, #tpu.memory_space<hbm>>
    tpu.enqueue_dma source(%dma_start3A_299 : memref<256x2048xf32, #tpu.memory_space<hbm>>) target(%dma_start3A_296 : memref<256x2048xf32, #tpu.memory_space<vmem>>) target_semaphore(%dma_start3A_292 : memref<!tpu.dma_semaphore, #tpu.memory_space<semaphore_mem>>)
    %dma_start3A_300 = arith.constant 3 : i32
    %dma_start3A_301 = arith.constant 3 : i32
    %dma_start3A_302 = tpu.memref_slice %arg5[%dma_start3A_301] : memref<4x!tpu.dma_semaphore, #tpu.memory_space<semaphore_mem>> -> memref<1x!tpu.dma_semaphore, #tpu.memory_space<semaphore_mem>>
    %dma_start3A_303 = tpu.memref_squeeze %dma_start3A_302 : memref<1x!tpu.dma_semaphore, #tpu.memory_space<semaphore_mem>> -> memref<!tpu.dma_semaphore, #tpu.memory_space<semaphore_mem>>
    %dma_start3A_304 = arith.constant 256 : i32
    %dma_start3A_305 = arith.constant 0 : i32
    %dma_start3A_306 = tpu.memref_slice %arg3[%dma_start3A_300, %dma_start3A_304, %dma_start3A_305] : memref<4x512x2048xf32, #tpu.memory_space<vmem>> -> memref<1x256x2048xf32, #tpu.memory_space<vmem>>
    %dma_start3A_307 = tpu.memref_squeeze %dma_start3A_306 : memref<1x256x2048xf32, #tpu.memory_space<vmem>> -> memref<256x2048xf32, #tpu.memory_space<vmem>>
    %dma_start3A_308 = arith.constant 3840 : i32
    %dma_start3A_309 = arith.constant 0 : i32
    %dma_start3A_310 = tpu.memref_slice %arg0[%dma_start3A_308, %dma_start3A_309] : memref<16384x2048xf32, #tpu.memory_space<hbm>> -> memref<256x2048xf32, #tpu.memory_space<hbm>>
    tpu.enqueue_dma source(%dma_start3A_310 : memref<256x2048xf32, #tpu.memory_space<hbm>>) target(%dma_start3A_307 : memref<256x2048xf32, #tpu.memory_space<vmem>>) target_semaphore(%dma_start3A_303 : memref<!tpu.dma_semaphore, #tpu.memory_space<semaphore_mem>>)
    %dma_wait3A_311 = arith.constant 0 : i32
    %dma_wait3A_312 = arith.constant 0 : i32
    %dma_wait3A_313 = tpu.memref_slice %arg4[%dma_wait3A_312] : memref<4x!tpu.dma_semaphore, #tpu.memory_space<semaphore_mem>> -> memref<1x!tpu.dma_semaphore, #tpu.memory_space<semaphore_mem>>
    %dma_wait3A_314 = tpu.memref_squeeze %dma_wait3A_313 : memref<1x!tpu.dma_semaphore, #tpu.memory_space<semaphore_mem>> -> memref<!tpu.dma_semaphore, #tpu.memory_space<semaphore_mem>>
    %dma_wait3A_315 = arith.constant 0 : i32
    %dma_wait3A_316 = arith.constant 0 : i32
    %dma_wait3A_317 = tpu.memref_slice %arg3[%dma_wait3A_311, %dma_wait3A_315, %dma_wait3A_316] : memref<4x512x2048xf32, #tpu.memory_space<vmem>> -> memref<1x256x2048xf32, #tpu.memory_space<vmem>>
    %dma_wait3A_318 = tpu.memref_squeeze %dma_wait3A_317 : memref<1x256x2048xf32, #tpu.memory_space<vmem>> -> memref<256x2048xf32, #tpu.memory_space<vmem>>
    %dma_wait3A_319 = arith.constant 2048 : i32
    %dma_wait3A_320 = arith.constant 0 : i32
    %dma_wait3A_321 = tpu.memref_slice %arg0[%dma_wait3A_319, %dma_wait3A_320] : memref<16384x2048xf32, #tpu.memory_space<hbm>> -> memref<256x2048xf32, #tpu.memory_space<hbm>>
    tpu.wait_dma2 semaphore(%dma_wait3A_314 : memref<!tpu.dma_semaphore, #tpu.memory_space<semaphore_mem>>) src(%dma_wait3A_321 : memref<256x2048xf32, #tpu.memory_space<hbm>>) dst(%dma_wait3A_318 : memref<256x2048xf32, #tpu.memory_space<vmem>>)
    %dma_wait3A_322 = arith.constant 0 : i32
    %dma_wait3A_323 = arith.constant 0 : i32
    %dma_wait3A_324 = tpu.memref_slice %arg5[%dma_wait3A_323] : memref<4x!tpu.dma_semaphore, #tpu.memory_space<semaphore_mem>> -> memref<1x!tpu.dma_semaphore, #tpu.memory_space<semaphore_mem>>
    %dma_wait3A_325 = tpu.memref_squeeze %dma_wait3A_324 : memref<1x!tpu.dma_semaphore, #tpu.memory_space<semaphore_mem>> -> memref<!tpu.dma_semaphore, #tpu.memory_space<semaphore_mem>>
    %dma_wait3A_326 = arith.constant 256 : i32
    %dma_wait3A_327 = arith.constant 0 : i32
    %dma_wait3A_328 = tpu.memref_slice %arg3[%dma_wait3A_322, %dma_wait3A_326, %dma_wait3A_327] : memref<4x512x2048xf32, #tpu.memory_space<vmem>> -> memref<1x256x2048xf32, #tpu.memory_space<vmem>>
    %dma_wait3A_329 = tpu.memref_squeeze %dma_wait3A_328 : memref<1x256x2048xf32, #tpu.memory_space<vmem>> -> memref<256x2048xf32, #tpu.memory_space<vmem>>
    %dma_wait3A_330 = arith.constant 2304 : i32
    %dma_wait3A_331 = arith.constant 0 : i32
    %dma_wait3A_332 = tpu.memref_slice %arg0[%dma_wait3A_330, %dma_wait3A_331] : memref<16384x2048xf32, #tpu.memory_space<hbm>> -> memref<256x2048xf32, #tpu.memory_space<hbm>>
    tpu.wait_dma2 semaphore(%dma_wait3A_325 : memref<!tpu.dma_semaphore, #tpu.memory_space<semaphore_mem>>) src(%dma_wait3A_332 : memref<256x2048xf32, #tpu.memory_space<hbm>>) dst(%dma_wait3A_329 : memref<256x2048xf32, #tpu.memory_space<vmem>>)
    %get3A_333 = arith.constant 0 : index
    %get3A_334 = arith.constant 0 : index
    %get3A_335 = vector.load %arg1[%get3A_333, %get3A_334] : memref<8x2048xf32, #tpu.memory_space<vmem>>, vector<8x2048xf32>
    %get3A_336 = arith.constant 0 : index
    %get3A_337 = arith.constant 0 : index
    %get3A_338 = arith.constant 0 : index
    %get3A_339 = vector.load %arg3[%get3A_336, %get3A_337, %get3A_338] : memref<4x512x2048xf32, #tpu.memory_space<vmem>>, vector<1x512x2048xf32>
    %get3A_340 = vector.shape_cast %get3A_339 : vector<1x512x2048xf32> to vector<512x2048xf32>
    %dot_general3A_341 = arith.constant dense<0.000000e+00> : vector<8x512xf32>
    %dot_general3A_342 = tpu.matmul %get3A_335, %get3A_340, %dot_general3A_341 {dimension_numbers = #tpu.dot_dimension_numbers<[1], [1], [0], [0], [0, 0, 1, 0], [], []>, transpose_lhs_hint = false} : vector<8x2048xf32>, vector<512x2048xf32>, vector<8x512xf32> -> vector<8x512xf32>
    %swap3A_343 = arith.constant 0 : index
    %swap3A_344 = arith.constant 2048 : index
    %swap3A_345 = vector.load %arg2[%swap3A_343, %swap3A_344] : memref<8x16384xf32, #tpu.memory_space<vmem>>, vector<8x512xf32>
    tpu.vector_store %arg2[%swap3A_343, %swap3A_344], %dot_general3A_342 {strides = array<i32>} : memref<8x16384xf32, #tpu.memory_space<vmem>>, vector<8x512xf32>,
    %dma_start3A_346 = arith.constant 0 : i32
    %dma_start3A_347 = arith.constant 0 : i32
    %dma_start3A_348 = tpu.memref_slice %arg4[%dma_start3A_347] : memref<4x!tpu.dma_semaphore, #tpu.memory_space<semaphore_mem>> -> memref<1x!tpu.dma_semaphore, #tpu.memory_space<semaphore_mem>>
    %dma_start3A_349 = tpu.memref_squeeze %dma_start3A_348 : memref<1x!tpu.dma_semaphore, #tpu.memory_space<semaphore_mem>> -> memref<!tpu.dma_semaphore, #tpu.memory_space<semaphore_mem>>
    %dma_start3A_350 = arith.constant 0 : i32
    %dma_start3A_351 = arith.constant 0 : i32
    %dma_start3A_352 = tpu.memref_slice %arg3[%dma_start3A_346, %dma_start3A_350, %dma_start3A_351] : memref<4x512x2048xf32, #tpu.memory_space<vmem>> -> memref<1x256x2048xf32, #tpu.memory_space<vmem>>
    %dma_start3A_353 = tpu.memref_squeeze %dma_start3A_352 : memref<1x256x2048xf32, #tpu.memory_space<vmem>> -> memref<256x2048xf32, #tpu.memory_space<vmem>>
    %dma_start3A_354 = arith.constant 4096 : i32
    %dma_start3A_355 = arith.constant 0 : i32
    %dma_start3A_356 = tpu.memref_slice %arg0[%dma_start3A_354, %dma_start3A_355] : memref<16384x2048xf32, #tpu.memory_space<hbm>> -> memref<256x2048xf32, #tpu.memory_space<hbm>>
    tpu.enqueue_dma source(%dma_start3A_356 : memref<256x2048xf32, #tpu.memory_space<hbm>>) target(%dma_start3A_353 : memref<256x2048xf32, #tpu.memory_space<vmem>>) target_semaphore(%dma_start3A_349 : memref<!tpu.dma_semaphore, #tpu.memory_space<semaphore_mem>>)
    %dma_start3A_357 = arith.constant 0 : i32
    %dma_start3A_358 = arith.constant 0 : i32
    %dma_start3A_359 = tpu.memref_slice %arg5[%dma_start3A_358] : memref<4x!tpu.dma_semaphore, #tpu.memory_space<semaphore_mem>> -> memref<1x!tpu.dma_semaphore, #tpu.memory_space<semaphore_mem>>
    %dma_start3A_360 = tpu.memref_squeeze %dma_start3A_359 : memref<1x!tpu.dma_semaphore, #tpu.memory_space<semaphore_mem>> -> memref<!tpu.dma_semaphore, #tpu.memory_space<semaphore_mem>>
    %dma_start3A_361 = arith.constant 256 : i32
    %dma_start3A_362 = arith.constant 0 : i32
    %dma_start3A_363 = tpu.memref_slice %arg3[%dma_start3A_357, %dma_start3A_361, %dma_start3A_362] : memref<4x512x2048xf32, #tpu.memory_space<vmem>> -> memref<1x256x2048xf32, #tpu.memory_space<vmem>>
    %dma_start3A_364 = tpu.memref_squeeze %dma_start3A_363 : memref<1x256x2048xf32, #tpu.memory_space<vmem>> -> memref<256x2048xf32, #tpu.memory_space<vmem>>
    %dma_start3A_365 = arith.constant 4352 : i32
    %dma_start3A_366 = arith.constant 0 : i32
    %dma_start3A_367 = tpu.memref_slice %arg0[%dma_start3A_365, %dma_start3A_366] : memref<16384x2048xf32, #tpu.memory_space<hbm>> -> memref<256x2048xf32, #tpu.memory_space<hbm>>
    tpu.enqueue_dma source(%dma_start3A_367 : memref<256x2048xf32, #tpu.memory_space<hbm>>) target(%dma_start3A_364 : memref<256x2048xf32, #tpu.memory_space<vmem>>) target_semaphore(%dma_start3A_360 : memref<!tpu.dma_semaphore, #tpu.memory_space<semaphore_mem>>)
    %dma_wait3A_368 = arith.constant 1 : i32
    %dma_wait3A_369 = arith.constant 1 : i32
    %dma_wait3A_370 = tpu.memref_slice %arg4[%dma_wait3A_369] : memref<4x!tpu.dma_semaphore, #tpu.memory_space<semaphore_mem>> -> memref<1x!tpu.dma_semaphore, #tpu.memory_space<semaphore_mem>>
    %dma_wait3A_371 = tpu.memref_squeeze %dma_wait3A_370 : memref<1x!tpu.dma_semaphore, #tpu.memory_space<semaphore_mem>> -> memref<!tpu.dma_semaphore, #tpu.memory_space<semaphore_mem>>
    %dma_wait3A_372 = arith.constant 0 : i32
    %dma_wait3A_373 = arith.constant 0 : i32
    %dma_wait3A_374 = tpu.memref_slice %arg3[%dma_wait3A_368, %dma_wait3A_372, %dma_wait3A_373] : memref<4x512x2048xf32, #tpu.memory_space<vmem>> -> memref<1x256x2048xf32, #tpu.memory_space<vmem>>
    %dma_wait3A_375 = tpu.memref_squeeze %dma_wait3A_374 : memref<1x256x2048xf32, #tpu.memory_space<vmem>> -> memref<256x2048xf32, #tpu.memory_space<vmem>>
    %dma_wait3A_376 = arith.constant 2560 : i32
    %dma_wait3A_377 = arith.constant 0 : i32
    %dma_wait3A_378 = tpu.memref_slice %arg0[%dma_wait3A_376, %dma_wait3A_377] : memref<16384x2048xf32, #tpu.memory_space<hbm>> -> memref<256x2048xf32, #tpu.memory_space<hbm>>
    tpu.wait_dma2 semaphore(%dma_wait3A_371 : memref<!tpu.dma_semaphore, #tpu.memory_space<semaphore_mem>>) src(%dma_wait3A_378 : memref<256x2048xf32, #tpu.memory_space<hbm>>) dst(%dma_wait3A_375 : memref<256x2048xf32, #tpu.memory_space<vmem>>)
    %dma_wait3A_379 = arith.constant 1 : i32
    %dma_wait3A_380 = arith.constant 1 : i32
    %dma_wait3A_381 = tpu.memref_slice %arg5[%dma_wait3A_380] : memref<4x!tpu.dma_semaphore, #tpu.memory_space<semaphore_mem>> -> memref<1x!tpu.dma_semaphore, #tpu.memory_space<semaphore_mem>>
    %dma_wait3A_382 = tpu.memref_squeeze %dma_wait3A_381 : memref<1x!tpu.dma_semaphore, #tpu.memory_space<semaphore_mem>> -> memref<!tpu.dma_semaphore, #tpu.memory_space<semaphore_mem>>
    %dma_wait3A_383 = arith.constant 256 : i32
    %dma_wait3A_384 = arith.constant 0 : i32
    %dma_wait3A_385 = tpu.memref_slice %arg3[%dma_wait3A_379, %dma_wait3A_383, %dma_wait3A_384] : memref<4x512x2048xf32, #tpu.memory_space<vmem>> -> memref<1x256x2048xf32, #tpu.memory_space<vmem>>
    %dma_wait3A_386 = tpu.memref_squeeze %dma_wait3A_385 : memref<1x256x2048xf32, #tpu.memory_space<vmem>> -> memref<256x2048xf32, #tpu.memory_space<vmem>>
    %dma_wait3A_387 = arith.constant 2816 : i32
    %dma_wait3A_388 = arith.constant 0 : i32
    %dma_wait3A_389 = tpu.memref_slice %arg0[%dma_wait3A_387, %dma_wait3A_388] : memref<16384x2048xf32, #tpu.memory_space<hbm>> -> memref<256x2048xf32, #tpu.memory_space<hbm>>
    tpu.wait_dma2 semaphore(%dma_wait3A_382 : memref<!tpu.dma_semaphore, #tpu.memory_space<semaphore_mem>>) src(%dma_wait3A_389 : memref<256x2048xf32, #tpu.memory_space<hbm>>) dst(%dma_wait3A_386 : memref<256x2048xf32, #tpu.memory_space<vmem>>)
    %get3A_390 = arith.constant 0 : index
    %get3A_391 = arith.constant 0 : index
    %get3A_392 = vector.load %arg1[%get3A_390, %get3A_391] : memref<8x2048xf32, #tpu.memory_space<vmem>>, vector<8x2048xf32>
    %get3A_393 = arith.constant 1 : index
    %get3A_394 = arith.constant 0 : index
    %get3A_395 = arith.constant 0 : index
    %get3A_396 = vector.load %arg3[%get3A_393, %get3A_394, %get3A_395] : memref<4x512x2048xf32, #tpu.memory_space<vmem>>, vector<1x512x2048xf32>
    %get3A_397 = vector.shape_cast %get3A_396 : vector<1x512x2048xf32> to vector<512x2048xf32>
    %dot_general3A_398 = arith.constant dense<0.000000e+00> : vector<8x512xf32>
    %dot_general3A_399 = tpu.matmul %get3A_392, %get3A_397, %dot_general3A_398 {dimension_numbers = #tpu.dot_dimension_numbers<[1], [1], [0], [0], [0, 0, 1, 0], [], []>, transpose_lhs_hint = false} : vector<8x2048xf32>, vector<512x2048xf32>, vector<8x512xf32> -> vector<8x512xf32>
    %swap3A_400 = arith.constant 0 : index
    %swap3A_401 = arith.constant 2560 : index
    %swap3A_402 = vector.load %arg2[%swap3A_400, %swap3A_401] : memref<8x16384xf32, #tpu.memory_space<vmem>>, vector<8x512xf32>
    tpu.vector_store %arg2[%swap3A_400, %swap3A_401], %dot_general3A_399 {strides = array<i32>} : memref<8x16384xf32, #tpu.memory_space<vmem>>, vector<8x512xf32>,
    %dma_start3A_403 = arith.constant 1 : i32
    %dma_start3A_404 = arith.constant 1 : i32
    %dma_start3A_405 = tpu.memref_slice %arg4[%dma_start3A_404] : memref<4x!tpu.dma_semaphore, #tpu.memory_space<semaphore_mem>> -> memref<1x!tpu.dma_semaphore, #tpu.memory_space<semaphore_mem>>
    %dma_start3A_406 = tpu.memref_squeeze %dma_start3A_405 : memref<1x!tpu.dma_semaphore, #tpu.memory_space<semaphore_mem>> -> memref<!tpu.dma_semaphore, #tpu.memory_space<semaphore_mem>>
    %dma_start3A_407 = arith.constant 0 : i32
    %dma_start3A_408 = arith.constant 0 : i32
    %dma_start3A_409 = tpu.memref_slice %arg3[%dma_start3A_403, %dma_start3A_407, %dma_start3A_408] : memref<4x512x2048xf32, #tpu.memory_space<vmem>> -> memref<1x256x2048xf32, #tpu.memory_space<vmem>>
    %dma_start3A_410 = tpu.memref_squeeze %dma_start3A_409 : memref<1x256x2048xf32, #tpu.memory_space<vmem>> -> memref<256x2048xf32, #tpu.memory_space<vmem>>
    %dma_start3A_411 = arith.constant 4608 : i32
    %dma_start3A_412 = arith.constant 0 : i32
    %dma_start3A_413 = tpu.memref_slice %arg0[%dma_start3A_411, %dma_start3A_412] : memref<16384x2048xf32, #tpu.memory_space<hbm>> -> memref<256x2048xf32, #tpu.memory_space<hbm>>
    tpu.enqueue_dma source(%dma_start3A_413 : memref<256x2048xf32, #tpu.memory_space<hbm>>) target(%dma_start3A_410 : memref<256x2048xf32, #tpu.memory_space<vmem>>) target_semaphore(%dma_start3A_406 : memref<!tpu.dma_semaphore, #tpu.memory_space<semaphore_mem>>)
    %dma_start3A_414 = arith.constant 1 : i32
    %dma_start3A_415 = arith.constant 1 : i32
    %dma_start3A_416 = tpu.memref_slice %arg5[%dma_start3A_415] : memref<4x!tpu.dma_semaphore, #tpu.memory_space<semaphore_mem>> -> memref<1x!tpu.dma_semaphore, #tpu.memory_space<semaphore_mem>>
    %dma_start3A_417 = tpu.memref_squeeze %dma_start3A_416 : memref<1x!tpu.dma_semaphore, #tpu.memory_space<semaphore_mem>> -> memref<!tpu.dma_semaphore, #tpu.memory_space<semaphore_mem>>
    %dma_start3A_418 = arith.constant 256 : i32
    %dma_start3A_419 = arith.constant 0 : i32
    %dma_start3A_420 = tpu.memref_slice %arg3[%dma_start3A_414, %dma_start3A_418, %dma_start3A_419] : memref<4x512x2048xf32, #tpu.memory_space<vmem>> -> memref<1x256x2048xf32, #tpu.memory_space<vmem>>
    %dma_start3A_421 = tpu.memref_squeeze %dma_start3A_420 : memref<1x256x2048xf32, #tpu.memory_space<vmem>> -> memref<256x2048xf32, #tpu.memory_space<vmem>>
    %dma_start3A_422 = arith.constant 4864 : i32
    %dma_start3A_423 = arith.constant 0 : i32
    %dma_start3A_424 = tpu.memref_slice %arg0[%dma_start3A_422, %dma_start3A_423] : memref<16384x2048xf32, #tpu.memory_space<hbm>> -> memref<256x2048xf32, #tpu.memory_space<hbm>>
    tpu.enqueue_dma source(%dma_start3A_424 : memref<256x2048xf32, #tpu.memory_space<hbm>>) target(%dma_start3A_421 : memref<256x2048xf32, #tpu.memory_space<vmem>>) target_semaphore(%dma_start3A_417 : memref<!tpu.dma_semaphore, #tpu.memory_space<semaphore_mem>>)
    %dma_wait3A_425 = arith.constant 2 : i32
    %dma_wait3A_426 = arith.constant 2 : i32
    %dma_wait3A_427 = tpu.memref_slice %arg4[%dma_wait3A_426] : memref<4x!tpu.dma_semaphore, #tpu.memory_space<semaphore_mem>> -> memref<1x!tpu.dma_semaphore, #tpu.memory_space<semaphore_mem>>
    %dma_wait3A_428 = tpu.memref_squeeze %dma_wait3A_427 : memref<1x!tpu.dma_semaphore, #tpu.memory_space<semaphore_mem>> -> memref<!tpu.dma_semaphore, #tpu.memory_space<semaphore_mem>>
    %dma_wait3A_429 = arith.constant 0 : i32
    %dma_wait3A_430 = arith.constant 0 : i32
    %dma_wait3A_431 = tpu.memref_slice %arg3[%dma_wait3A_425, %dma_wait3A_429, %dma_wait3A_430] : memref<4x512x2048xf32, #tpu.memory_space<vmem>> -> memref<1x256x2048xf32, #tpu.memory_space<vmem>>
    %dma_wait3A_432 = tpu.memref_squeeze %dma_wait3A_431 : memref<1x256x2048xf32, #tpu.memory_space<vmem>> -> memref<256x2048xf32, #tpu.memory_space<vmem>>
    %dma_wait3A_433 = arith.constant 3072 : i32
    %dma_wait3A_434 = arith.constant 0 : i32
    %dma_wait3A_435 = tpu.memref_slice %arg0[%dma_wait3A_433, %dma_wait3A_434] : memref<16384x2048xf32, #tpu.memory_space<hbm>> -> memref<256x2048xf32, #tpu.memory_space<hbm>>
    tpu.wait_dma2 semaphore(%dma_wait3A_428 : memref<!tpu.dma_semaphore, #tpu.memory_space<semaphore_mem>>) src(%dma_wait3A_435 : memref<256x2048xf32, #tpu.memory_space<hbm>>) dst(%dma_wait3A_432 : memref<256x2048xf32, #tpu.memory_space<vmem>>)
    %dma_wait3A_436 = arith.constant 2 : i32
    %dma_wait3A_437 = arith.constant 2 : i32
    %dma_wait3A_438 = tpu.memref_slice %arg5[%dma_wait3A_437] : memref<4x!tpu.dma_semaphore, #tpu.memory_space<semaphore_mem>> -> memref<1x!tpu.dma_semaphore, #tpu.memory_space<semaphore_mem>>
    %dma_wait3A_439 = tpu.memref_squeeze %dma_wait3A_438 : memref<1x!tpu.dma_semaphore, #tpu.memory_space<semaphore_mem>> -> memref<!tpu.dma_semaphore, #tpu.memory_space<semaphore_mem>>
    %dma_wait3A_440 = arith.constant 256 : i32
    %dma_wait3A_441 = arith.constant 0 : i32
    %dma_wait3A_442 = tpu.memref_slice %arg3[%dma_wait3A_436, %dma_wait3A_440, %dma_wait3A_441] : memref<4x512x2048xf32, #tpu.memory_space<vmem>> -> memref<1x256x2048xf32, #tpu.memory_space<vmem>>
    %dma_wait3A_443 = tpu.memref_squeeze %dma_wait3A_442 : memref<1x256x2048xf32, #tpu.memory_space<vmem>> -> memref<256x2048xf32, #tpu.memory_space<vmem>>
    %dma_wait3A_444 = arith.constant 3328 : i32
    %dma_wait3A_445 = arith.constant 0 : i32
    %dma_wait3A_446 = tpu.memref_slice %arg0[%dma_wait3A_444, %dma_wait3A_445] : memref<16384x2048xf32, #tpu.memory_space<hbm>> -> memref<256x2048xf32, #tpu.memory_space<hbm>>
    tpu.wait_dma2 semaphore(%dma_wait3A_439 : memref<!tpu.dma_semaphore, #tpu.memory_space<semaphore_mem>>) src(%dma_wait3A_446 : memref<256x2048xf32, #tpu.memory_space<hbm>>) dst(%dma_wait3A_443 : memref<256x2048xf32, #tpu.memory_space<vmem>>)
    %get3A_447 = arith.constant 0 : index
    %get3A_448 = arith.constant 0 : index
    %get3A_449 = vector.load %arg1[%get3A_447, %get3A_448] : memref<8x2048xf32, #tpu.memory_space<vmem>>, vector<8x2048xf32>
    %get3A_450 = arith.constant 2 : index
    %get3A_451 = arith.constant 0 : index
    %get3A_452 = arith.constant 0 : index
    %get3A_453 = vector.load %arg3[%get3A_450, %get3A_451, %get3A_452] : memref<4x512x2048xf32, #tpu.memory_space<vmem>>, vector<1x512x2048xf32>
    %get3A_454 = vector.shape_cast %get3A_453 : vector<1x512x2048xf32> to vector<512x2048xf32>
    %dot_general3A_455 = arith.constant dense<0.000000e+00> : vector<8x512xf32>
    %dot_general3A_456 = tpu.matmul %get3A_449, %get3A_454, %dot_general3A_455 {dimension_numbers = #tpu.dot_dimension_numbers<[1], [1], [0], [0], [0, 0, 1, 0], [], []>, transpose_lhs_hint = false} : vector<8x2048xf32>, vector<512x2048xf32>, vector<8x512xf32> -> vector<8x512xf32>
    %swap3A_457 = arith.constant 0 : index
    %swap3A_458 = arith.constant 3072 : index
    %swap3A_459 = vector.load %arg2[%swap3A_457, %swap3A_458] : memref<8x16384xf32, #tpu.memory_space<vmem>>, vector<8x512xf32>
    tpu.vector_store %arg2[%swap3A_457, %swap3A_458], %dot_general3A_456 {strides = array<i32>} : memref<8x16384xf32, #tpu.memory_space<vmem>>, vector<8x512xf32>,
    %dma_start3A_460 = arith.constant 2 : i32
    %dma_start3A_461 = arith.constant 2 : i32
    %dma_start3A_462 = tpu.memref_slice %arg4[%dma_start3A_461] : memref<4x!tpu.dma_semaphore, #tpu.memory_space<semaphore_mem>> -> memref<1x!tpu.dma_semaphore, #tpu.memory_space<semaphore_mem>>
    %dma_start3A_463 = tpu.memref_squeeze %dma_start3A_462 : memref<1x!tpu.dma_semaphore, #tpu.memory_space<semaphore_mem>> -> memref<!tpu.dma_semaphore, #tpu.memory_space<semaphore_mem>>
    %dma_start3A_464 = arith.constant 0 : i32
    %dma_start3A_465 = arith.constant 0 : i32
    %dma_start3A_466 = tpu.memref_slice %arg3[%dma_start3A_460, %dma_start3A_464, %dma_start3A_465] : memref<4x512x2048xf32, #tpu.memory_space<vmem>> -> memref<1x256x2048xf32, #tpu.memory_space<vmem>>
    %dma_start3A_467 = tpu.memref_squeeze %dma_start3A_466 : memref<1x256x2048xf32, #tpu.memory_space<vmem>> -> memref<256x2048xf32, #tpu.memory_space<vmem>>
    %dma_start3A_468 = arith.constant 5120 : i32
    %dma_start3A_469 = arith.constant 0 : i32
    %dma_start3A_470 = tpu.memref_slice %arg0[%dma_start3A_468, %dma_start3A_469] : memref<16384x2048xf32, #tpu.memory_space<hbm>> -> memref<256x2048xf32, #tpu.memory_space<hbm>>
    tpu.enqueue_dma source(%dma_start3A_470 : memref<256x2048xf32, #tpu.memory_space<hbm>>) target(%dma_start3A_467 : memref<256x2048xf32, #tpu.memory_space<vmem>>) target_semaphore(%dma_start3A_463 : memref<!tpu.dma_semaphore, #tpu.memory_space<semaphore_mem>>)
    %dma_start3A_471 = arith.constant 2 : i32
    %dma_start3A_472 = arith.constant 2 : i32
    %dma_start3A_473 = tpu.memref_slice %arg5[%dma_start3A_472] : memref<4x!tpu.dma_semaphore, #tpu.memory_space<semaphore_mem>> -> memref<1x!tpu.dma_semaphore, #tpu.memory_space<semaphore_mem>>
    %dma_start3A_474 = tpu.memref_squeeze %dma_start3A_473 : memref<1x!tpu.dma_semaphore, #tpu.memory_space<semaphore_mem>> -> memref<!tpu.dma_semaphore, #tpu.memory_space<semaphore_mem>>
    %dma_start3A_475 = arith.constant 256 : i32
    %dma_start3A_476 = arith.constant 0 : i32
    %dma_start3A_477 = tpu.memref_slice %arg3[%dma_start3A_471, %dma_start3A_475, %dma_start3A_476] : memref<4x512x2048xf32, #tpu.memory_space<vmem>> -> memref<1x256x2048xf32, #tpu.memory_space<vmem>>
    %dma_start3A_478 = tpu.memref_squeeze %dma_start3A_477 : memref<1x256x2048xf32, #tpu.memory_space<vmem>> -> memref<256x2048xf32, #tpu.memory_space<vmem>>
    %dma_start3A_479 = arith.constant 5376 : i32
    %dma_start3A_480 = arith.constant 0 : i32
    %dma_start3A_481 = tpu.memref_slice %arg0[%dma_start3A_479, %dma_start3A_480] : memref<16384x2048xf32, #tpu.memory_space<hbm>> -> memref<256x2048xf32, #tpu.memory_space<hbm>>
    tpu.enqueue_dma source(%dma_start3A_481 : memref<256x2048xf32, #tpu.memory_space<hbm>>) target(%dma_start3A_478 : memref<256x2048xf32, #tpu.memory_space<vmem>>) target_semaphore(%dma_start3A_474 : memref<!tpu.dma_semaphore, #tpu.memory_space<semaphore_mem>>)
    %dma_wait3A_482 = arith.constant 3 : i32
    %dma_wait3A_483 = arith.constant 3 : i32
    %dma_wait3A_484 = tpu.memref_slice %arg4[%dma_wait3A_483] : memref<4x!tpu.dma_semaphore, #tpu.memory_space<semaphore_mem>> -> memref<1x!tpu.dma_semaphore, #tpu.memory_space<semaphore_mem>>
    %dma_wait3A_485 = tpu.memref_squeeze %dma_wait3A_484 : memref<1x!tpu.dma_semaphore, #tpu.memory_space<semaphore_mem>> -> memref<!tpu.dma_semaphore, #tpu.memory_space<semaphore_mem>>
    %dma_wait3A_486 = arith.constant 0 : i32
    %dma_wait3A_487 = arith.constant 0 : i32
    %dma_wait3A_488 = tpu.memref_slice %arg3[%dma_wait3A_482, %dma_wait3A_486, %dma_wait3A_487] : memref<4x512x2048xf32, #tpu.memory_space<vmem>> -> memref<1x256x2048xf32, #tpu.memory_space<vmem>>
    %dma_wait3A_489 = tpu.memref_squeeze %dma_wait3A_488 : memref<1x256x2048xf32, #tpu.memory_space<vmem>> -> memref<256x2048xf32, #tpu.memory_space<vmem>>
    %dma_wait3A_490 = arith.constant 3584 : i32
    %dma_wait3A_491 = arith.constant 0 : i32
    %dma_wait3A_492 = tpu.memref_slice %arg0[%dma_wait3A_490, %dma_wait3A_491] : memref<16384x2048xf32, #tpu.memory_space<hbm>> -> memref<256x2048xf32, #tpu.memory_space<hbm>>
    tpu.wait_dma2 semaphore(%dma_wait3A_485 : memref<!tpu.dma_semaphore, #tpu.memory_space<semaphore_mem>>) src(%dma_wait3A_492 : memref<256x2048xf32, #tpu.memory_space<hbm>>) dst(%dma_wait3A_489 : memref<256x2048xf32, #tpu.memory_space<vmem>>)
    %dma_wait3A_493 = arith.constant 3 : i32
    %dma_wait3A_494 = arith.constant 3 : i32
    %dma_wait3A_495 = tpu.memref_slice %arg5[%dma_wait3A_494] : memref<4x!tpu.dma_semaphore, #tpu.memory_space<semaphore_mem>> -> memref<1x!tpu.dma_semaphore, #tpu.memory_space<semaphore_mem>>
    %dma_wait3A_496 = tpu.memref_squeeze %dma_wait3A_495 : memref<1x!tpu.dma_semaphore, #tpu.memory_space<semaphore_mem>> -> memref<!tpu.dma_semaphore, #tpu.memory_space<semaphore_mem>>
    %dma_wait3A_497 = arith.constant 256 : i32
    %dma_wait3A_498 = arith.constant 0 : i32
    %dma_wait3A_499 = tpu.memref_slice %arg3[%dma_wait3A_493, %dma_wait3A_497, %dma_wait3A_498] : memref<4x512x2048xf32, #tpu.memory_space<vmem>> -> memref<1x256x2048xf32, #tpu.memory_space<vmem>>
    %dma_wait3A_500 = tpu.memref_squeeze %dma_wait3A_499 : memref<1x256x2048xf32, #tpu.memory_space<vmem>> -> memref<256x2048xf32, #tpu.memory_space<vmem>>
    %dma_wait3A_501 = arith.constant 3840 : i32
    %dma_wait3A_502 = arith.constant 0 : i32
    %dma_wait3A_503 = tpu.memref_slice %arg0[%dma_wait3A_501, %dma_wait3A_502] : memref<16384x2048xf32, #tpu.memory_space<hbm>> -> memref<256x2048xf32, #tpu.memory_space<hbm>>
    tpu.wait_dma2 semaphore(%dma_wait3A_496 : memref<!tpu.dma_semaphore, #tpu.memory_space<semaphore_mem>>) src(%dma_wait3A_503 : memref<256x2048xf32, #tpu.memory_space<hbm>>) dst(%dma_wait3A_500 : memref<256x2048xf32, #tpu.memory_space<vmem>>)
    %get3A_504 = arith.constant 0 : index
    %get3A_505 = arith.constant 0 : index
    %get3A_506 = vector.load %arg1[%get3A_504, %get3A_505] : memref<8x2048xf32, #tpu.memory_space<vmem>>, vector<8x2048xf32>
    %get3A_507 = arith.constant 3 : index
    %get3A_508 = arith.constant 0 : index
    %get3A_509 = arith.constant 0 : index
    %get3A_510 = vector.load %arg3[%get3A_507, %get3A_508, %get3A_509] : memref<4x512x2048xf32, #tpu.memory_space<vmem>>, vector<1x512x2048xf32>
    %get3A_511 = vector.shape_cast %get3A_510 : vector<1x512x2048xf32> to vector<512x2048xf32>
    %dot_general3A_512 = arith.constant dense<0.000000e+00> : vector<8x512xf32>
    %dot_general3A_513 = tpu.matmul %get3A_506, %get3A_511, %dot_general3A_512 {dimension_numbers = #tpu.dot_dimension_numbers<[1], [1], [0], [0], [0, 0, 1, 0], [], []>, transpose_lhs_hint = false} : vector<8x2048xf32>, vector<512x2048xf32>, vector<8x512xf32> -> vector<8x512xf32>
    %swap3A_514 = arith.constant 0 : index
    %swap3A_515 = arith.constant 3584 : index
    %swap3A_516 = vector.load %arg2[%swap3A_514, %swap3A_515] : memref<8x16384xf32, #tpu.memory_space<vmem>>, vector<8x512xf32>
    tpu.vector_store %arg2[%swap3A_514, %swap3A_515], %dot_general3A_513 {strides = array<i32>} : memref<8x16384xf32, #tpu.memory_space<vmem>>, vector<8x512xf32>,
    %dma_start3A_517 = arith.constant 3 : i32
    %dma_start3A_518 = arith.constant 3 : i32
    %dma_start3A_519 = tpu.memref_slice %arg4[%dma_start3A_518] : memref<4x!tpu.dma_semaphore, #tpu.memory_space<semaphore_mem>> -> memref<1x!tpu.dma_semaphore, #tpu.memory_space<semaphore_mem>>
    %dma_start3A_520 = tpu.memref_squeeze %dma_start3A_519 : memref<1x!tpu.dma_semaphore, #tpu.memory_space<semaphore_mem>> -> memref<!tpu.dma_semaphore, #tpu.memory_space<semaphore_mem>>
    %dma_start3A_521 = arith.constant 0 : i32
    %dma_start3A_522 = arith.constant 0 : i32
    %dma_start3A_523 = tpu.memref_slice %arg3[%dma_start3A_517, %dma_start3A_521, %dma_start3A_522] : memref<4x512x2048xf32, #tpu.memory_space<vmem>> -> memref<1x256x2048xf32, #tpu.memory_space<vmem>>
    %dma_start3A_524 = tpu.memref_squeeze %dma_start3A_523 : memref<1x256x2048xf32, #tpu.memory_space<vmem>> -> memref<256x2048xf32, #tpu.memory_space<vmem>>
    %dma_start3A_525 = arith.constant 5632 : i32
    %dma_start3A_526 = arith.constant 0 : i32
    %dma_start3A_527 = tpu.memref_slice %arg0[%dma_start3A_525, %dma_start3A_526] : memref<16384x2048xf32, #tpu.memory_space<hbm>> -> memref<256x2048xf32, #tpu.memory_space<hbm>>
    tpu.enqueue_dma source(%dma_start3A_527 : memref<256x2048xf32, #tpu.memory_space<hbm>>) target(%dma_start3A_524 : memref<256x2048xf32, #tpu.memory_space<vmem>>) target_semaphore(%dma_start3A_520 : memref<!tpu.dma_semaphore, #tpu.memory_space<semaphore_mem>>)
    %dma_start3A_528 = arith.constant 3 : i32
    %dma_start3A_529 = arith.constant 3 : i32
    %dma_start3A_530 = tpu.memref_slice %arg5[%dma_start3A_529] : memref<4x!tpu.dma_semaphore, #tpu.memory_space<semaphore_mem>> -> memref<1x!tpu.dma_semaphore, #tpu.memory_space<semaphore_mem>>
    %dma_start3A_531 = tpu.memref_squeeze %dma_start3A_530 : memref<1x!tpu.dma_semaphore, #tpu.memory_space<semaphore_mem>> -> memref<!tpu.dma_semaphore, #tpu.memory_space<semaphore_mem>>
    %dma_start3A_532 = arith.constant 256 : i32
    %dma_start3A_533 = arith.constant 0 : i32
    %dma_start3A_534 = tpu.memref_slice %arg3[%dma_start3A_528, %dma_start3A_532, %dma_start3A_533] : memref<4x512x2048xf32, #tpu.memory_space<vmem>> -> memref<1x256x2048xf32, #tpu.memory_space<vmem>>
    %dma_start3A_535 = tpu.memref_squeeze %dma_start3A_534 : memref<1x256x2048xf32, #tpu.memory_space<vmem>> -> memref<256x2048xf32, #tpu.memory_space<vmem>>
    %dma_start3A_536 = arith.constant 5888 : i32
    %dma_start3A_537 = arith.constant 0 : i32
    %dma_start3A_538 = tpu.memref_slice %arg0[%dma_start3A_536, %dma_start3A_537] : memref<16384x2048xf32, #tpu.memory_space<hbm>> -> memref<256x2048xf32, #tpu.memory_space<hbm>>
    tpu.enqueue_dma source(%dma_start3A_538 : memref<256x2048xf32, #tpu.memory_space<hbm>>) target(%dma_start3A_535 : memref<256x2048xf32, #tpu.memory_space<vmem>>) target_semaphore(%dma_start3A_531 : memref<!tpu.dma_semaphore, #tpu.memory_space<semaphore_mem>>)
    %dma_wait3A_539 = arith.constant 0 : i32
    %dma_wait3A_540 = arith.constant 0 : i32
    %dma_wait3A_541 = tpu.memref_slice %arg4[%dma_wait3A_540] : memref<4x!tpu.dma_semaphore, #tpu.memory_space<semaphore_mem>> -> memref<1x!tpu.dma_semaphore, #tpu.memory_space<semaphore_mem>>
    %dma_wait3A_542 = tpu.memref_squeeze %dma_wait3A_541 : memref<1x!tpu.dma_semaphore, #tpu.memory_space<semaphore_mem>> -> memref<!tpu.dma_semaphore, #tpu.memory_space<semaphore_mem>>
    %dma_wait3A_543 = arith.constant 0 : i32
    %dma_wait3A_544 = arith.constant 0 : i32
    %dma_wait3A_545 = tpu.memref_slice %arg3[%dma_wait3A_539, %dma_wait3A_543, %dma_wait3A_544] : memref<4x512x2048xf32, #tpu.memory_space<vmem>> -> memref<1x256x2048xf32, #tpu.memory_space<vmem>>
    %dma_wait3A_546 = tpu.memref_squeeze %dma_wait3A_545 : memref<1x256x2048xf32, #tpu.memory_space<vmem>> -> memref<256x2048xf32, #tpu.memory_space<vmem>>
    %dma_wait3A_547 = arith.constant 4096 : i32
    %dma_wait3A_548 = arith.constant 0 : i32
    %dma_wait3A_549 = tpu.memref_slice %arg0[%dma_wait3A_547, %dma_wait3A_548] : memref<16384x2048xf32, #tpu.memory_space<hbm>> -> memref<256x2048xf32, #tpu.memory_space<hbm>>
    tpu.wait_dma2 semaphore(%dma_wait3A_542 : memref<!tpu.dma_semaphore, #tpu.memory_space<semaphore_mem>>) src(%dma_wait3A_549 : memref<256x2048xf32, #tpu.memory_space<hbm>>) dst(%dma_wait3A_546 : memref<256x2048xf32, #tpu.memory_space<vmem>>)
    %dma_wait3A_550 = arith.constant 0 : i32
    %dma_wait3A_551 = arith.constant 0 : i32
    %dma_wait3A_552 = tpu.memref_slice %arg5[%dma_wait3A_551] : memref<4x!tpu.dma_semaphore, #tpu.memory_space<semaphore_mem>> -> memref<1x!tpu.dma_semaphore, #tpu.memory_space<semaphore_mem>>
    %dma_wait3A_553 = tpu.memref_squeeze %dma_wait3A_552 : memref<1x!tpu.dma_semaphore, #tpu.memory_space<semaphore_mem>> -> memref<!tpu.dma_semaphore, #tpu.memory_space<semaphore_mem>>
    %dma_wait3A_554 = arith.constant 256 : i32
    %dma_wait3A_555 = arith.constant 0 : i32
    %dma_wait3A_556 = tpu.memref_slice %arg3[%dma_wait3A_550, %dma_wait3A_554, %dma_wait3A_555] : memref<4x512x2048xf32, #tpu.memory_space<vmem>> -> memref<1x256x2048xf32, #tpu.memory_space<vmem>>
    %dma_wait3A_557 = tpu.memref_squeeze %dma_wait3A_556 : memref<1x256x2048xf32, #tpu.memory_space<vmem>> -> memref<256x2048xf32, #tpu.memory_space<vmem>>
    %dma_wait3A_558 = arith.constant 4352 : i32
    %dma_wait3A_559 = arith.constant 0 : i32
    %dma_wait3A_560 = tpu.memref_slice %arg0[%dma_wait3A_558, %dma_wait3A_559] : memref<16384x2048xf32, #tpu.memory_space<hbm>> -> memref<256x2048xf32, #tpu.memory_space<hbm>>
    tpu.wait_dma2 semaphore(%dma_wait3A_553 : memref<!tpu.dma_semaphore, #tpu.memory_space<semaphore_mem>>) src(%dma_wait3A_560 : memref<256x2048xf32, #tpu.memory_space<hbm>>) dst(%dma_wait3A_557 : memref<256x2048xf32, #tpu.memory_space<vmem>>)
    %get3A_561 = arith.constant 0 : index
    %get3A_562 = arith.constant 0 : index
    %get3A_563 = vector.load %arg1[%get3A_561, %get3A_562] : memref<8x2048xf32, #tpu.memory_space<vmem>>, vector<8x2048xf32>
    %get3A_564 = arith.constant 0 : index
    %get3A_565 = arith.constant 0 : index
    %get3A_566 = arith.constant 0 : index
    %get3A_567 = vector.load %arg3[%get3A_564, %get3A_565, %get3A_566] : memref<4x512x2048xf32, #tpu.memory_space<vmem>>, vector<1x512x2048xf32>
    %get3A_568 = vector.shape_cast %get3A_567 : vector<1x512x2048xf32> to vector<512x2048xf32>
    %dot_general3A_569 = arith.constant dense<0.000000e+00> : vector<8x512xf32>
    %dot_general3A_570 = tpu.matmul %get3A_563, %get3A_568, %dot_general3A_569 {dimension_numbers = #tpu.dot_dimension_numbers<[1], [1], [0], [0], [0, 0, 1, 0], [], []>, transpose_lhs_hint = false} : vector<8x2048xf32>, vector<512x2048xf32>, vector<8x512xf32> -> vector<8x512xf32>
    %swap3A_571 = arith.constant 0 : index
    %swap3A_572 = arith.constant 4096 : index
    %swap3A_573 = vector.load %arg2[%swap3A_571, %swap3A_572] : memref<8x16384xf32, #tpu.memory_space<vmem>>, vector<8x512xf32>
    tpu.vector_store %arg2[%swap3A_571, %swap3A_572], %dot_general3A_570 {strides = array<i32>} : memref<8x16384xf32, #tpu.memory_space<vmem>>, vector<8x512xf32>,
    %dma_start3A_574 = arith.constant 0 : i32
    %dma_start3A_575 = arith.constant 0 : i32
    %dma_start3A_576 = tpu.memref_slice %arg4[%dma_start3A_575] : memref<4x!tpu.dma_semaphore, #tpu.memory_space<semaphore_mem>> -> memref<1x!tpu.dma_semaphore, #tpu.memory_space<semaphore_mem>>
    %dma_start3A_577 = tpu.memref_squeeze %dma_start3A_576 : memref<1x!tpu.dma_semaphore, #tpu.memory_space<semaphore_mem>> -> memref<!tpu.dma_semaphore, #tpu.memory_space<semaphore_mem>>
    %dma_start3A_578 = arith.constant 0 : i32
    %dma_start3A_579 = arith.constant 0 : i32
    %dma_start3A_580 = tpu.memref_slice %arg3[%dma_start3A_574, %dma_start3A_578, %dma_start3A_579] : memref<4x512x2048xf32, #tpu.memory_space<vmem>> -> memref<1x256x2048xf32, #tpu.memory_space<vmem>>
    %dma_start3A_581 = tpu.memref_squeeze %dma_start3A_580 : memref<1x256x2048xf32, #tpu.memory_space<vmem>> -> memref<256x2048xf32, #tpu.memory_space<vmem>>
    %dma_start3A_582 = arith.constant 6144 : i32
    %dma_start3A_583 = arith.constant 0 : i32
    %dma_start3A_584 = tpu.memref_slice %arg0[%dma_start3A_582, %dma_start3A_583] : memref<16384x2048xf32, #tpu.memory_space<hbm>> -> memref<256x2048xf32, #tpu.memory_space<hbm>>
    tpu.enqueue_dma source(%dma_start3A_584 : memref<256x2048xf32, #tpu.memory_space<hbm>>) target(%dma_start3A_581 : memref<256x2048xf32, #tpu.memory_space<vmem>>) target_semaphore(%dma_start3A_577 : memref<!tpu.dma_semaphore, #tpu.memory_space<semaphore_mem>>)
    %dma_start3A_585 = arith.constant 0 : i32
    %dma_start3A_586 = arith.constant 0 : i32
    %dma_start3A_587 = tpu.memref_slice %arg5[%dma_start3A_586] : memref<4x!tpu.dma_semaphore, #tpu.memory_space<semaphore_mem>> -> memref<1x!tpu.dma_semaphore, #tpu.memory_space<semaphore_mem>>
    %dma_start3A_588 = tpu.memref_squeeze %dma_start3A_587 : memref<1x!tpu.dma_semaphore, #tpu.memory_space<semaphore_mem>> -> memref<!tpu.dma_semaphore, #tpu.memory_space<semaphore_mem>>
    %dma_start3A_589 = arith.constant 256 : i32
    %dma_start3A_590 = arith.constant 0 : i32
    %dma_start3A_591 = tpu.memref_slice %arg3[%dma_start3A_585, %dma_start3A_589, %dma_start3A_590] : memref<4x512x2048xf32, #tpu.memory_space<vmem>> -> memref<1x256x2048xf32, #tpu.memory_space<vmem>>
    %dma_start3A_592 = tpu.memref_squeeze %dma_start3A_591 : memref<1x256x2048xf32, #tpu.memory_space<vmem>> -> memref<256x2048xf32, #tpu.memory_space<vmem>>
    %dma_start3A_593 = arith.constant 6400 : i32
    %dma_start3A_594 = arith.constant 0 : i32
    %dma_start3A_595 = tpu.memref_slice %arg0[%dma_start3A_593, %dma_start3A_594] : memref<16384x2048xf32, #tpu.memory_space<hbm>> -> memref<256x2048xf32, #tpu.memory_space<hbm>>
    tpu.enqueue_dma source(%dma_start3A_595 : memref<256x2048xf32, #tpu.memory_space<hbm>>) target(%dma_start3A_592 : memref<256x2048xf32, #tpu.memory_space<vmem>>) target_semaphore(%dma_start3A_588 : memref<!tpu.dma_semaphore, #tpu.memory_space<semaphore_mem>>)
    %dma_wait3A_596 = arith.constant 1 : i32
    %dma_wait3A_597 = arith.constant 1 : i32
    %dma_wait3A_598 = tpu.memref_slice %arg4[%dma_wait3A_597] : memref<4x!tpu.dma_semaphore, #tpu.memory_space<semaphore_mem>> -> memref<1x!tpu.dma_semaphore, #tpu.memory_space<semaphore_mem>>
    %dma_wait3A_599 = tpu.memref_squeeze %dma_wait3A_598 : memref<1x!tpu.dma_semaphore, #tpu.memory_space<semaphore_mem>> -> memref<!tpu.dma_semaphore, #tpu.memory_space<semaphore_mem>>
    %dma_wait3A_600 = arith.constant 0 : i32
    %dma_wait3A_601 = arith.constant 0 : i32
    %dma_wait3A_602 = tpu.memref_slice %arg3[%dma_wait3A_596, %dma_wait3A_600, %dma_wait3A_601] : memref<4x512x2048xf32, #tpu.memory_space<vmem>> -> memref<1x256x2048xf32, #tpu.memory_space<vmem>>
    %dma_wait3A_603 = tpu.memref_squeeze %dma_wait3A_602 : memref<1x256x2048xf32, #tpu.memory_space<vmem>> -> memref<256x2048xf32, #tpu.memory_space<vmem>>
    %dma_wait3A_604 = arith.constant 4608 : i32
    %dma_wait3A_605 = arith.constant 0 : i32
    %dma_wait3A_606 = tpu.memref_slice %arg0[%dma_wait3A_604, %dma_wait3A_605] : memref<16384x2048xf32, #tpu.memory_space<hbm>> -> memref<256x2048xf32, #tpu.memory_space<hbm>>
    tpu.wait_dma2 semaphore(%dma_wait3A_599 : memref<!tpu.dma_semaphore, #tpu.memory_space<semaphore_mem>>) src(%dma_wait3A_606 : memref<256x2048xf32, #tpu.memory_space<hbm>>) dst(%dma_wait3A_603 : memref<256x2048xf32, #tpu.memory_space<vmem>>)
    %dma_wait3A_607 = arith.constant 1 : i32
    %dma_wait3A_608 = arith.constant 1 : i32
    %dma_wait3A_609 = tpu.memref_slice %arg5[%dma_wait3A_608] : memref<4x!tpu.dma_semaphore, #tpu.memory_space<semaphore_mem>> -> memref<1x!tpu.dma_semaphore, #tpu.memory_space<semaphore_mem>>
    %dma_wait3A_610 = tpu.memref_squeeze %dma_wait3A_609 : memref<1x!tpu.dma_semaphore, #tpu.memory_space<semaphore_mem>> -> memref<!tpu.dma_semaphore, #tpu.memory_space<semaphore_mem>>
    %dma_wait3A_611 = arith.constant 256 : i32
    %dma_wait3A_612 = arith.constant 0 : i32
    %dma_wait3A_613 = tpu.memref_slice %arg3[%dma_wait3A_607, %dma_wait3A_611, %dma_wait3A_612] : memref<4x512x2048xf32, #tpu.memory_space<vmem>> -> memref<1x256x2048xf32, #tpu.memory_space<vmem>>
    %dma_wait3A_614 = tpu.memref_squeeze %dma_wait3A_613 : memref<1x256x2048xf32, #tpu.memory_space<vmem>> -> memref<256x2048xf32, #tpu.memory_space<vmem>>
    %dma_wait3A_615 = arith.constant 4864 : i32
    %dma_wait3A_616 = arith.constant 0 : i32
    %dma_wait3A_617 = tpu.memref_slice %arg0[%dma_wait3A_615, %dma_wait3A_616] : memref<16384x2048xf32, #tpu.memory_space<hbm>> -> memref<256x2048xf32, #tpu.memory_space<hbm>>
    tpu.wait_dma2 semaphore(%dma_wait3A_610 : memref<!tpu.dma_semaphore, #tpu.memory_space<semaphore_mem>>) src(%dma_wait3A_617 : memref<256x2048xf32, #tpu.memory_space<hbm>>) dst(%dma_wait3A_614 : memref<256x2048xf32, #tpu.memory_space<vmem>>)
    %get3A_618 = arith.constant 0 : index
    %get3A_619 = arith.constant 0 : index
    %get3A_620 = vector.load %arg1[%get3A_618, %get3A_619] : memref<8x2048xf32, #tpu.memory_space<vmem>>, vector<8x2048xf32>
    %get3A_621 = arith.constant 1 : index
    %get3A_622 = arith.constant 0 : index
    %get3A_623 = arith.constant 0 : index
    %get3A_624 = vector.load %arg3[%get3A_621, %get3A_622, %get3A_623] : memref<4x512x2048xf32, #tpu.memory_space<vmem>>, vector<1x512x2048xf32>
    %get3A_625 = vector.shape_cast %get3A_624 : vector<1x512x2048xf32> to vector<512x2048xf32>
    %dot_general3A_626 = arith.constant dense<0.000000e+00> : vector<8x512xf32>
    %dot_general3A_627 = tpu.matmul %get3A_620, %get3A_625, %dot_general3A_626 {dimension_numbers = #tpu.dot_dimension_numbers<[1], [1], [0], [0], [0, 0, 1, 0], [], []>, transpose_lhs_hint = false} : vector<8x2048xf32>, vector<512x2048xf32>, vector<8x512xf32> -> vector<8x512xf32>
    %swap3A_628 = arith.constant 0 : index
    %swap3A_629 = arith.constant 4608 : index
    %swap3A_630 = vector.load %arg2[%swap3A_628, %swap3A_629] : memref<8x16384xf32, #tpu.memory_space<vmem>>, vector<8x512xf32>
    tpu.vector_store %arg2[%swap3A_628, %swap3A_629], %dot_general3A_627 {strides = array<i32>} : memref<8x16384xf32, #tpu.memory_space<vmem>>, vector<8x512xf32>,
    %dma_start3A_631 = arith.constant 1 : i32
    %dma_start3A_632 = arith.constant 1 : i32
    %dma_start3A_633 = tpu.memref_slice %arg4[%dma_start3A_632] : memref<4x!tpu.dma_semaphore, #tpu.memory_space<semaphore_mem>> -> memref<1x!tpu.dma_semaphore, #tpu.memory_space<semaphore_mem>>
    %dma_start3A_634 = tpu.memref_squeeze %dma_start3A_633 : memref<1x!tpu.dma_semaphore, #tpu.memory_space<semaphore_mem>> -> memref<!tpu.dma_semaphore, #tpu.memory_space<semaphore_mem>>
    %dma_start3A_635 = arith.constant 0 : i32
    %dma_start3A_636 = arith.constant 0 : i32
    %dma_start3A_637 = tpu.memref_slice %arg3[%dma_start3A_631, %dma_start3A_635, %dma_start3A_636] : memref<4x512x2048xf32, #tpu.memory_space<vmem>> -> memref<1x256x2048xf32, #tpu.memory_space<vmem>>
    %dma_start3A_638 = tpu.memref_squeeze %dma_start3A_637 : memref<1x256x2048xf32, #tpu.memory_space<vmem>> -> memref<256x2048xf32, #tpu.memory_space<vmem>>
    %dma_start3A_639 = arith.constant 6656 : i32
    %dma_start3A_640 = arith.constant 0 : i32
    %dma_start3A_641 = tpu.memref_slice %arg0[%dma_start3A_639, %dma_start3A_640] : memref<16384x2048xf32, #tpu.memory_space<hbm>> -> memref<256x2048xf32, #tpu.memory_space<hbm>>
    tpu.enqueue_dma source(%dma_start3A_641 : memref<256x2048xf32, #tpu.memory_space<hbm>>) target(%dma_start3A_638 : memref<256x2048xf32, #tpu.memory_space<vmem>>) target_semaphore(%dma_start3A_634 : memref<!tpu.dma_semaphore, #tpu.memory_space<semaphore_mem>>)
    %dma_start3A_642 = arith.constant 1 : i32
    %dma_start3A_643 = arith.constant 1 : i32
    %dma_start3A_644 = tpu.memref_slice %arg5[%dma_start3A_643] : memref<4x!tpu.dma_semaphore, #tpu.memory_space<semaphore_mem>> -> memref<1x!tpu.dma_semaphore, #tpu.memory_space<semaphore_mem>>
    %dma_start3A_645 = tpu.memref_squeeze %dma_start3A_644 : memref<1x!tpu.dma_semaphore, #tpu.memory_space<semaphore_mem>> -> memref<!tpu.dma_semaphore, #tpu.memory_space<semaphore_mem>>
    %dma_start3A_646 = arith.constant 256 : i32
    %dma_start3A_647 = arith.constant 0 : i32
    %dma_start3A_648 = tpu.memref_slice %arg3[%dma_start3A_642, %dma_start3A_646, %dma_start3A_647] : memref<4x512x2048xf32, #tpu.memory_space<vmem>> -> memref<1x256x2048xf32, #tpu.memory_space<vmem>>
    %dma_start3A_649 = tpu.memref_squeeze %dma_start3A_648 : memref<1x256x2048xf32, #tpu.memory_space<vmem>> -> memref<256x2048xf32, #tpu.memory_space<vmem>>
    %dma_start3A_650 = arith.constant 6912 : i32
    %dma_start3A_651 = arith.constant 0 : i32
    %dma_start3A_652 = tpu.memref_slice %arg0[%dma_start3A_650, %dma_start3A_651] : memref<16384x2048xf32, #tpu.memory_space<hbm>> -> memref<256x2048xf32, #tpu.memory_space<hbm>>
    tpu.enqueue_dma source(%dma_start3A_652 : memref<256x2048xf32, #tpu.memory_space<hbm>>) target(%dma_start3A_649 : memref<256x2048xf32, #tpu.memory_space<vmem>>) target_semaphore(%dma_start3A_645 : memref<!tpu.dma_semaphore, #tpu.memory_space<semaphore_mem>>)
    %dma_wait3A_653 = arith.constant 2 : i32
    %dma_wait3A_654 = arith.constant 2 : i32
    %dma_wait3A_655 = tpu.memref_slice %arg4[%dma_wait3A_654] : memref<4x!tpu.dma_semaphore, #tpu.memory_space<semaphore_mem>> -> memref<1x!tpu.dma_semaphore, #tpu.memory_space<semaphore_mem>>
    %dma_wait3A_656 = tpu.memref_squeeze %dma_wait3A_655 : memref<1x!tpu.dma_semaphore, #tpu.memory_space<semaphore_mem>> -> memref<!tpu.dma_semaphore, #tpu.memory_space<semaphore_mem>>
    %dma_wait3A_657 = arith.constant 0 : i32
    %dma_wait3A_658 = arith.constant 0 : i32
    %dma_wait3A_659 = tpu.memref_slice %arg3[%dma_wait3A_653, %dma_wait3A_657, %dma_wait3A_658] : memref<4x512x2048xf32, #tpu.memory_space<vmem>> -> memref<1x256x2048xf32, #tpu.memory_space<vmem>>
    %dma_wait3A_660 = tpu.memref_squeeze %dma_wait3A_659 : memref<1x256x2048xf32, #tpu.memory_space<vmem>> -> memref<256x2048xf32, #tpu.memory_space<vmem>>
    %dma_wait3A_661 = arith.constant 5120 : i32
    %dma_wait3A_662 = arith.constant 0 : i32
    %dma_wait3A_663 = tpu.memref_slice %arg0[%dma_wait3A_661, %dma_wait3A_662] : memref<16384x2048xf32, #tpu.memory_space<hbm>> -> memref<256x2048xf32, #tpu.memory_space<hbm>>
    tpu.wait_dma2 semaphore(%dma_wait3A_656 : memref<!tpu.dma_semaphore, #tpu.memory_space<semaphore_mem>>) src(%dma_wait3A_663 : memref<256x2048xf32, #tpu.memory_space<hbm>>) dst(%dma_wait3A_660 : memref<256x2048xf32, #tpu.memory_space<vmem>>)
    %dma_wait3A_664 = arith.constant 2 : i32
    %dma_wait3A_665 = arith.constant 2 : i32
    %dma_wait3A_666 = tpu.memref_slice %arg5[%dma_wait3A_665] : memref<4x!tpu.dma_semaphore, #tpu.memory_space<semaphore_mem>> -> memref<1x!tpu.dma_semaphore, #tpu.memory_space<semaphore_mem>>
    %dma_wait3A_667 = tpu.memref_squeeze %dma_wait3A_666 : memref<1x!tpu.dma_semaphore, #tpu.memory_space<semaphore_mem>> -> memref<!tpu.dma_semaphore, #tpu.memory_space<semaphore_mem>>
    %dma_wait3A_668 = arith.constant 256 : i32
    %dma_wait3A_669 = arith.constant 0 : i32
    %dma_wait3A_670 = tpu.memref_slice %arg3[%dma_wait3A_664, %dma_wait3A_668, %dma_wait3A_669] : memref<4x512x2048xf32, #tpu.memory_space<vmem>> -> memref<1x256x2048xf32, #tpu.memory_space<vmem>>
    %dma_wait3A_671 = tpu.memref_squeeze %dma_wait3A_670 : memref<1x256x2048xf32, #tpu.memory_space<vmem>> -> memref<256x2048xf32, #tpu.memory_space<vmem>>
    %dma_wait3A_672 = arith.constant 5376 : i32
    %dma_wait3A_673 = arith.constant 0 : i32
    %dma_wait3A_674 = tpu.memref_slice %arg0[%dma_wait3A_672, %dma_wait3A_673] : memref<16384x2048xf32, #tpu.memory_space<hbm>> -> memref<256x2048xf32, #tpu.memory_space<hbm>>
    tpu.wait_dma2 semaphore(%dma_wait3A_667 : memref<!tpu.dma_semaphore, #tpu.memory_space<semaphore_mem>>) src(%dma_wait3A_674 : memref<256x2048xf32, #tpu.memory_space<hbm>>) dst(%dma_wait3A_671 : memref<256x2048xf32, #tpu.memory_space<vmem>>)
    %get3A_675 = arith.constant 0 : index
    %get3A_676 = arith.constant 0 : index
    %get3A_677 = vector.load %arg1[%get3A_675, %get3A_676] : memref<8x2048xf32, #tpu.memory_space<vmem>>, vector<8x2048xf32>
    %get3A_678 = arith.constant 2 : index
    %get3A_679 = arith.constant 0 : index
    %get3A_680 = arith.constant 0 : index
    %get3A_681 = vector.load %arg3[%get3A_678, %get3A_679, %get3A_680] : memref<4x512x2048xf32, #tpu.memory_space<vmem>>, vector<1x512x2048xf32>
    %get3A_682 = vector.shape_cast %get3A_681 : vector<1x512x2048xf32> to vector<512x2048xf32>
    %dot_general3A_683 = arith.constant dense<0.000000e+00> : vector<8x512xf32>
    %dot_general3A_684 = tpu.matmul %get3A_677, %get3A_682, %dot_general3A_683 {dimension_numbers = #tpu.dot_dimension_numbers<[1], [1], [0], [0], [0, 0, 1, 0], [], []>, transpose_lhs_hint = false} : vector<8x2048xf32>, vector<512x2048xf32>, vector<8x512xf32> -> vector<8x512xf32>
    %swap3A_685 = arith.constant 0 : index
    %swap3A_686 = arith.constant 5120 : index
    %swap3A_687 = vector.load %arg2[%swap3A_685, %swap3A_686] : memref<8x16384xf32, #tpu.memory_space<vmem>>, vector<8x512xf32>
    tpu.vector_store %arg2[%swap3A_685, %swap3A_686], %dot_general3A_684 {strides = array<i32>} : memref<8x16384xf32, #tpu.memory_space<vmem>>, vector<8x512xf32>,
    %dma_start3A_688 = arith.constant 2 : i32
    %dma_start3A_689 = arith.constant 2 : i32
    %dma_start3A_690 = tpu.memref_slice %arg4[%dma_start3A_689] : memref<4x!tpu.dma_semaphore, #tpu.memory_space<semaphore_mem>> -> memref<1x!tpu.dma_semaphore, #tpu.memory_space<semaphore_mem>>
    %dma_start3A_691 = tpu.memref_squeeze %dma_start3A_690 : memref<1x!tpu.dma_semaphore, #tpu.memory_space<semaphore_mem>> -> memref<!tpu.dma_semaphore, #tpu.memory_space<semaphore_mem>>
    %dma_start3A_692 = arith.constant 0 : i32
    %dma_start3A_693 = arith.constant 0 : i32
    %dma_start3A_694 = tpu.memref_slice %arg3[%dma_start3A_688, %dma_start3A_692, %dma_start3A_693] : memref<4x512x2048xf32, #tpu.memory_space<vmem>> -> memref<1x256x2048xf32, #tpu.memory_space<vmem>>
    %dma_start3A_695 = tpu.memref_squeeze %dma_start3A_694 : memref<1x256x2048xf32, #tpu.memory_space<vmem>> -> memref<256x2048xf32, #tpu.memory_space<vmem>>
    %dma_start3A_696 = arith.constant 7168 : i32
    %dma_start3A_697 = arith.constant 0 : i32
    %dma_start3A_698 = tpu.memref_slice %arg0[%dma_start3A_696, %dma_start3A_697] : memref<16384x2048xf32, #tpu.memory_space<hbm>> -> memref<256x2048xf32, #tpu.memory_space<hbm>>
    tpu.enqueue_dma source(%dma_start3A_698 : memref<256x2048xf32, #tpu.memory_space<hbm>>) target(%dma_start3A_695 : memref<256x2048xf32, #tpu.memory_space<vmem>>) target_semaphore(%dma_start3A_691 : memref<!tpu.dma_semaphore, #tpu.memory_space<semaphore_mem>>)
    %dma_start3A_699 = arith.constant 2 : i32
    %dma_start3A_700 = arith.constant 2 : i32
    %dma_start3A_701 = tpu.memref_slice %arg5[%dma_start3A_700] : memref<4x!tpu.dma_semaphore, #tpu.memory_space<semaphore_mem>> -> memref<1x!tpu.dma_semaphore, #tpu.memory_space<semaphore_mem>>
    %dma_start3A_702 = tpu.memref_squeeze %dma_start3A_701 : memref<1x!tpu.dma_semaphore, #tpu.memory_space<semaphore_mem>> -> memref<!tpu.dma_semaphore, #tpu.memory_space<semaphore_mem>>
    %dma_start3A_703 = arith.constant 256 : i32
    %dma_start3A_704 = arith.constant 0 : i32
    %dma_start3A_705 = tpu.memref_slice %arg3[%dma_start3A_699, %dma_start3A_703, %dma_start3A_704] : memref<4x512x2048xf32, #tpu.memory_space<vmem>> -> memref<1x256x2048xf32, #tpu.memory_space<vmem>>
    %dma_start3A_706 = tpu.memref_squeeze %dma_start3A_705 : memref<1x256x2048xf32, #tpu.memory_space<vmem>> -> memref<256x2048xf32, #tpu.memory_space<vmem>>
    %dma_start3A_707 = arith.constant 7424 : i32
    %dma_start3A_708 = arith.constant 0 : i32
    %dma_start3A_709 = tpu.memref_slice %arg0[%dma_start3A_707, %dma_start3A_708] : memref<16384x2048xf32, #tpu.memory_space<hbm>> -> memref<256x2048xf32, #tpu.memory_space<hbm>>
    tpu.enqueue_dma source(%dma_start3A_709 : memref<256x2048xf32, #tpu.memory_space<hbm>>) target(%dma_start3A_706 : memref<256x2048xf32, #tpu.memory_space<vmem>>) target_semaphore(%dma_start3A_702 : memref<!tpu.dma_semaphore, #tpu.memory_space<semaphore_mem>>)
    %dma_wait3A_710 = arith.constant 3 : i32
    %dma_wait3A_711 = arith.constant 3 : i32
    %dma_wait3A_712 = tpu.memref_slice %arg4[%dma_wait3A_711] : memref<4x!tpu.dma_semaphore, #tpu.memory_space<semaphore_mem>> -> memref<1x!tpu.dma_semaphore, #tpu.memory_space<semaphore_mem>>
    %dma_wait3A_713 = tpu.memref_squeeze %dma_wait3A_712 : memref<1x!tpu.dma_semaphore, #tpu.memory_space<semaphore_mem>> -> memref<!tpu.dma_semaphore, #tpu.memory_space<semaphore_mem>>
    %dma_wait3A_714 = arith.constant 0 : i32
    %dma_wait3A_715 = arith.constant 0 : i32
    %dma_wait3A_716 = tpu.memref_slice %arg3[%dma_wait3A_710, %dma_wait3A_714, %dma_wait3A_715] : memref<4x512x2048xf32, #tpu.memory_space<vmem>> -> memref<1x256x2048xf32, #tpu.memory_space<vmem>>
    %dma_wait3A_717 = tpu.memref_squeeze %dma_wait3A_716 : memref<1x256x2048xf32, #tpu.memory_space<vmem>> -> memref<256x2048xf32, #tpu.memory_space<vmem>>
    %dma_wait3A_718 = arith.constant 5632 : i32
    %dma_wait3A_719 = arith.constant 0 : i32
    %dma_wait3A_720 = tpu.memref_slice %arg0[%dma_wait3A_718, %dma_wait3A_719] : memref<16384x2048xf32, #tpu.memory_space<hbm>> -> memref<256x2048xf32, #tpu.memory_space<hbm>>
    tpu.wait_dma2 semaphore(%dma_wait3A_713 : memref<!tpu.dma_semaphore, #tpu.memory_space<semaphore_mem>>) src(%dma_wait3A_720 : memref<256x2048xf32, #tpu.memory_space<hbm>>) dst(%dma_wait3A_717 : memref<256x2048xf32, #tpu.memory_space<vmem>>)
    %dma_wait3A_721 = arith.constant 3 : i32
    %dma_wait3A_722 = arith.constant 3 : i32
    %dma_wait3A_723 = tpu.memref_slice %arg5[%dma_wait3A_722] : memref<4x!tpu.dma_semaphore, #tpu.memory_space<semaphore_mem>> -> memref<1x!tpu.dma_semaphore, #tpu.memory_space<semaphore_mem>>
    %dma_wait3A_724 = tpu.memref_squeeze %dma_wait3A_723 : memref<1x!tpu.dma_semaphore, #tpu.memory_space<semaphore_mem>> -> memref<!tpu.dma_semaphore, #tpu.memory_space<semaphore_mem>>
    %dma_wait3A_725 = arith.constant 256 : i32
    %dma_wait3A_726 = arith.constant 0 : i32
    %dma_wait3A_727 = tpu.memref_slice %arg3[%dma_wait3A_721, %dma_wait3A_725, %dma_wait3A_726] : memref<4x512x2048xf32, #tpu.memory_space<vmem>> -> memref<1x256x2048xf32, #tpu.memory_space<vmem>>
    %dma_wait3A_728 = tpu.memref_squeeze %dma_wait3A_727 : memref<1x256x2048xf32, #tpu.memory_space<vmem>> -> memref<256x2048xf32, #tpu.memory_space<vmem>>
    %dma_wait3A_729 = arith.constant 5888 : i32
    %dma_wait3A_730 = arith.constant 0 : i32
    %dma_wait3A_731 = tpu.memref_slice %arg0[%dma_wait3A_729, %dma_wait3A_730] : memref<16384x2048xf32, #tpu.memory_space<hbm>> -> memref<256x2048xf32, #tpu.memory_space<hbm>>
    tpu.wait_dma2 semaphore(%dma_wait3A_724 : memref<!tpu.dma_semaphore, #tpu.memory_space<semaphore_mem>>) src(%dma_wait3A_731 : memref<256x2048xf32, #tpu.memory_space<hbm>>) dst(%dma_wait3A_728 : memref<256x2048xf32, #tpu.memory_space<vmem>>)
    %get3A_732 = arith.constant 0 : index
    %get3A_733 = arith.constant 0 : index
    %get3A_734 = vector.load %arg1[%get3A_732, %get3A_733] : memref<8x2048xf32, #tpu.memory_space<vmem>>, vector<8x2048xf32>
    %get3A_735 = arith.constant 3 : index
    %get3A_736 = arith.constant 0 : index
    %get3A_737 = arith.constant 0 : index
    %get3A_738 = vector.load %arg3[%get3A_735, %get3A_736, %get3A_737] : memref<4x512x2048xf32, #tpu.memory_space<vmem>>, vector<1x512x2048xf32>
    %get3A_739 = vector.shape_cast %get3A_738 : vector<1x512x2048xf32> to vector<512x2048xf32>
    %dot_general3A_740 = arith.constant dense<0.000000e+00> : vector<8x512xf32>
    %dot_general3A_741 = tpu.matmul %get3A_734, %get3A_739, %dot_general3A_740 {dimension_numbers = #tpu.dot_dimension_numbers<[1], [1], [0], [0], [0, 0, 1, 0], [], []>, transpose_lhs_hint = false} : vector<8x2048xf32>, vector<512x2048xf32>, vector<8x512xf32> -> vector<8x512xf32>
    %swap3A_742 = arith.constant 0 : index
    %swap3A_743 = arith.constant 5632 : index
    %swap3A_744 = vector.load %arg2[%swap3A_742, %swap3A_743] : memref<8x16384xf32, #tpu.memory_space<vmem>>, vector<8x512xf32>
    tpu.vector_store %arg2[%swap3A_742, %swap3A_743], %dot_general3A_741 {strides = array<i32>} : memref<8x16384xf32, #tpu.memory_space<vmem>>, vector<8x512xf32>,
    %dma_start3A_745 = arith.constant 3 : i32
    %dma_start3A_746 = arith.constant 3 : i32
    %dma_start3A_747 = tpu.memref_slice %arg4[%dma_start3A_746] : memref<4x!tpu.dma_semaphore, #tpu.memory_space<semaphore_mem>> -> memref<1x!tpu.dma_semaphore, #tpu.memory_space<semaphore_mem>>
    %dma_start3A_748 = tpu.memref_squeeze %dma_start3A_747 : memref<1x!tpu.dma_semaphore, #tpu.memory_space<semaphore_mem>> -> memref<!tpu.dma_semaphore, #tpu.memory_space<semaphore_mem>>
    %dma_start3A_749 = arith.constant 0 : i32
    %dma_start3A_750 = arith.constant 0 : i32
    %dma_start3A_751 = tpu.memref_slice %arg3[%dma_start3A_745, %dma_start3A_749, %dma_start3A_750] : memref<4x512x2048xf32, #tpu.memory_space<vmem>> -> memref<1x256x2048xf32, #tpu.memory_space<vmem>>
    %dma_start3A_752 = tpu.memref_squeeze %dma_start3A_751 : memref<1x256x2048xf32, #tpu.memory_space<vmem>> -> memref<256x2048xf32, #tpu.memory_space<vmem>>
    %dma_start3A_753 = arith.constant 7680 : i32
    %dma_start3A_754 = arith.constant 0 : i32
    %dma_start3A_755 = tpu.memref_slice %arg0[%dma_start3A_753, %dma_start3A_754] : memref<16384x2048xf32, #tpu.memory_space<hbm>> -> memref<256x2048xf32, #tpu.memory_space<hbm>>
    tpu.enqueue_dma source(%dma_start3A_755 : memref<256x2048xf32, #tpu.memory_space<hbm>>) target(%dma_start3A_752 : memref<256x2048xf32, #tpu.memory_space<vmem>>) target_semaphore(%dma_start3A_748 : memref<!tpu.dma_semaphore, #tpu.memory_space<semaphore_mem>>)
    %dma_start3A_756 = arith.constant 3 : i32
    %dma_start3A_757 = arith.constant 3 : i32
    %dma_start3A_758 = tpu.memref_slice %arg5[%dma_start3A_757] : memref<4x!tpu.dma_semaphore, #tpu.memory_space<semaphore_mem>> -> memref<1x!tpu.dma_semaphore, #tpu.memory_space<semaphore_mem>>
    %dma_start3A_759 = tpu.memref_squeeze %dma_start3A_758 : memref<1x!tpu.dma_semaphore, #tpu.memory_space<semaphore_mem>> -> memref<!tpu.dma_semaphore, #tpu.memory_space<semaphore_mem>>
    %dma_start3A_760 = arith.constant 256 : i32
    %dma_start3A_761 = arith.constant 0 : i32
    %dma_start3A_762 = tpu.memref_slice %arg3[%dma_start3A_756, %dma_start3A_760, %dma_start3A_761] : memref<4x512x2048xf32, #tpu.memory_space<vmem>> -> memref<1x256x2048xf32, #tpu.memory_space<vmem>>
    %dma_start3A_763 = tpu.memref_squeeze %dma_start3A_762 : memref<1x256x2048xf32, #tpu.memory_space<vmem>> -> memref<256x2048xf32, #tpu.memory_space<vmem>>
    %dma_start3A_764 = arith.constant 7936 : i32
    %dma_start3A_765 = arith.constant 0 : i32
    %dma_start3A_766 = tpu.memref_slice %arg0[%dma_start3A_764, %dma_start3A_765] : memref<16384x2048xf32, #tpu.memory_space<hbm>> -> memref<256x2048xf32, #tpu.memory_space<hbm>>
    tpu.enqueue_dma source(%dma_start3A_766 : memref<256x2048xf32, #tpu.memory_space<hbm>>) target(%dma_start3A_763 : memref<256x2048xf32, #tpu.memory_space<vmem>>) target_semaphore(%dma_start3A_759 : memref<!tpu.dma_semaphore, #tpu.memory_space<semaphore_mem>>)
    %dma_wait3A_767 = arith.constant 0 : i32
    %dma_wait3A_768 = arith.constant 0 : i32
    %dma_wait3A_769 = tpu.memref_slice %arg4[%dma_wait3A_768] : memref<4x!tpu.dma_semaphore, #tpu.memory_space<semaphore_mem>> -> memref<1x!tpu.dma_semaphore, #tpu.memory_space<semaphore_mem>>
    %dma_wait3A_770 = tpu.memref_squeeze %dma_wait3A_769 : memref<1x!tpu.dma_semaphore, #tpu.memory_space<semaphore_mem>> -> memref<!tpu.dma_semaphore, #tpu.memory_space<semaphore_mem>>
    %dma_wait3A_771 = arith.constant 0 : i32
    %dma_wait3A_772 = arith.constant 0 : i32
    %dma_wait3A_773 = tpu.memref_slice %arg3[%dma_wait3A_767, %dma_wait3A_771, %dma_wait3A_772] : memref<4x512x2048xf32, #tpu.memory_space<vmem>> -> memref<1x256x2048xf32, #tpu.memory_space<vmem>>
    %dma_wait3A_774 = tpu.memref_squeeze %dma_wait3A_773 : memref<1x256x2048xf32, #tpu.memory_space<vmem>> -> memref<256x2048xf32, #tpu.memory_space<vmem>>
    %dma_wait3A_775 = arith.constant 6144 : i32
    %dma_wait3A_776 = arith.constant 0 : i32
    %dma_wait3A_777 = tpu.memref_slice %arg0[%dma_wait3A_775, %dma_wait3A_776] : memref<16384x2048xf32, #tpu.memory_space<hbm>> -> memref<256x2048xf32, #tpu.memory_space<hbm>>
    tpu.wait_dma2 semaphore(%dma_wait3A_770 : memref<!tpu.dma_semaphore, #tpu.memory_space<semaphore_mem>>) src(%dma_wait3A_777 : memref<256x2048xf32, #tpu.memory_space<hbm>>) dst(%dma_wait3A_774 : memref<256x2048xf32, #tpu.memory_space<vmem>>)
    %dma_wait3A_778 = arith.constant 0 : i32
    %dma_wait3A_779 = arith.constant 0 : i32
    %dma_wait3A_780 = tpu.memref_slice %arg5[%dma_wait3A_779] : memref<4x!tpu.dma_semaphore, #tpu.memory_space<semaphore_mem>> -> memref<1x!tpu.dma_semaphore, #tpu.memory_space<semaphore_mem>>
    %dma_wait3A_781 = tpu.memref_squeeze %dma_wait3A_780 : memref<1x!tpu.dma_semaphore, #tpu.memory_space<semaphore_mem>> -> memref<!tpu.dma_semaphore, #tpu.memory_space<semaphore_mem>>
    %dma_wait3A_782 = arith.constant 256 : i32
    %dma_wait3A_783 = arith.constant 0 : i32
    %dma_wait3A_784 = tpu.memref_slice %arg3[%dma_wait3A_778, %dma_wait3A_782, %dma_wait3A_783] : memref<4x512x2048xf32, #tpu.memory_space<vmem>> -> memref<1x256x2048xf32, #tpu.memory_space<vmem>>
    %dma_wait3A_785 = tpu.memref_squeeze %dma_wait3A_784 : memref<1x256x2048xf32, #tpu.memory_space<vmem>> -> memref<256x2048xf32, #tpu.memory_space<vmem>>
    %dma_wait3A_786 = arith.constant 6400 : i32
    %dma_wait3A_787 = arith.constant 0 : i32
    %dma_wait3A_788 = tpu.memref_slice %arg0[%dma_wait3A_786, %dma_wait3A_787] : memref<16384x2048xf32, #tpu.memory_space<hbm>> -> memref<256x2048xf32, #tpu.memory_space<hbm>>
    tpu.wait_dma2 semaphore(%dma_wait3A_781 : memref<!tpu.dma_semaphore, #tpu.memory_space<semaphore_mem>>) src(%dma_wait3A_788 : memref<256x2048xf32, #tpu.memory_space<hbm>>) dst(%dma_wait3A_785 : memref<256x2048xf32, #tpu.memory_space<vmem>>)
    %get3A_789 = arith.constant 0 : index
    %get3A_790 = arith.constant 0 : index
    %get3A_791 = vector.load %arg1[%get3A_789, %get3A_790] : memref<8x2048xf32, #tpu.memory_space<vmem>>, vector<8x2048xf32>
    %get3A_792 = arith.constant 0 : index
    %get3A_793 = arith.constant 0 : index
    %get3A_794 = arith.constant 0 : index
    %get3A_795 = vector.load %arg3[%get3A_792, %get3A_793, %get3A_794] : memref<4x512x2048xf32, #tpu.memory_space<vmem>>, vector<1x512x2048xf32>
    %get3A_796 = vector.shape_cast %get3A_795 : vector<1x512x2048xf32> to vector<512x2048xf32>
    %dot_general3A_797 = arith.constant dense<0.000000e+00> : vector<8x512xf32>
    %dot_general3A_798 = tpu.matmul %get3A_791, %get3A_796, %dot_general3A_797 {dimension_numbers = #tpu.dot_dimension_numbers<[1], [1], [0], [0], [0, 0, 1, 0], [], []>, transpose_lhs_hint = false} : vector<8x2048xf32>, vector<512x2048xf32>, vector<8x512xf32> -> vector<8x512xf32>
    %swap3A_799 = arith.constant 0 : index
    %swap3A_800 = arith.constant 6144 : index
    %swap3A_801 = vector.load %arg2[%swap3A_799, %swap3A_800] : memref<8x16384xf32, #tpu.memory_space<vmem>>, vector<8x512xf32>
    tpu.vector_store %arg2[%swap3A_799, %swap3A_800], %dot_general3A_798 {strides = array<i32>} : memref<8x16384xf32, #tpu.memory_space<vmem>>, vector<8x512xf32>,
    %dma_start3A_802 = arith.constant 0 : i32
    %dma_start3A_803 = arith.constant 0 : i32
    %dma_start3A_804 = tpu.memref_slice %arg4[%dma_start3A_803] : memref<4x!tpu.dma_semaphore, #tpu.memory_space<semaphore_mem>> -> memref<1x!tpu.dma_semaphore, #tpu.memory_space<semaphore_mem>>
    %dma_start3A_805 = tpu.memref_squeeze %dma_start3A_804 : memref<1x!tpu.dma_semaphore, #tpu.memory_space<semaphore_mem>> -> memref<!tpu.dma_semaphore, #tpu.memory_space<semaphore_mem>>
    %dma_start3A_806 = arith.constant 0 : i32
    %dma_start3A_807 = arith.constant 0 : i32
    %dma_start3A_808 = tpu.memref_slice %arg3[%dma_start3A_802, %dma_start3A_806, %dma_start3A_807] : memref<4x512x2048xf32, #tpu.memory_space<vmem>> -> memref<1x256x2048xf32, #tpu.memory_space<vmem>>
    %dma_start3A_809 = tpu.memref_squeeze %dma_start3A_808 : memref<1x256x2048xf32, #tpu.memory_space<vmem>> -> memref<256x2048xf32, #tpu.memory_space<vmem>>
    %dma_start3A_810 = arith.constant 8192 : i32
    %dma_start3A_811 = arith.constant 0 : i32
    %dma_start3A_812 = tpu.memref_slice %arg0[%dma_start3A_810, %dma_start3A_811] : memref<16384x2048xf32, #tpu.memory_space<hbm>> -> memref<256x2048xf32, #tpu.memory_space<hbm>>
    tpu.enqueue_dma source(%dma_start3A_812 : memref<256x2048xf32, #tpu.memory_space<hbm>>) target(%dma_start3A_809 : memref<256x2048xf32, #tpu.memory_space<vmem>>) target_semaphore(%dma_start3A_805 : memref<!tpu.dma_semaphore, #tpu.memory_space<semaphore_mem>>)
    %dma_start3A_813 = arith.constant 0 : i32
    %dma_start3A_814 = arith.constant 0 : i32
    %dma_start3A_815 = tpu.memref_slice %arg5[%dma_start3A_814] : memref<4x!tpu.dma_semaphore, #tpu.memory_space<semaphore_mem>> -> memref<1x!tpu.dma_semaphore, #tpu.memory_space<semaphore_mem>>
    %dma_start3A_816 = tpu.memref_squeeze %dma_start3A_815 : memref<1x!tpu.dma_semaphore, #tpu.memory_space<semaphore_mem>> -> memref<!tpu.dma_semaphore, #tpu.memory_space<semaphore_mem>>
    %dma_start3A_817 = arith.constant 256 : i32
    %dma_start3A_818 = arith.constant 0 : i32
    %dma_start3A_819 = tpu.memref_slice %arg3[%dma_start3A_813, %dma_start3A_817, %dma_start3A_818] : memref<4x512x2048xf32, #tpu.memory_space<vmem>> -> memref<1x256x2048xf32, #tpu.memory_space<vmem>>
    %dma_start3A_820 = tpu.memref_squeeze %dma_start3A_819 : memref<1x256x2048xf32, #tpu.memory_space<vmem>> -> memref<256x2048xf32, #tpu.memory_space<vmem>>
    %dma_start3A_821 = arith.constant 8448 : i32
    %dma_start3A_822 = arith.constant 0 : i32
    %dma_start3A_823 = tpu.memref_slice %arg0[%dma_start3A_821, %dma_start3A_822] : memref<16384x2048xf32, #tpu.memory_space<hbm>> -> memref<256x2048xf32, #tpu.memory_space<hbm>>
    tpu.enqueue_dma source(%dma_start3A_823 : memref<256x2048xf32, #tpu.memory_space<hbm>>) target(%dma_start3A_820 : memref<256x2048xf32, #tpu.memory_space<vmem>>) target_semaphore(%dma_start3A_816 : memref<!tpu.dma_semaphore, #tpu.memory_space<semaphore_mem>>)
    %dma_wait3A_824 = arith.constant 1 : i32
    %dma_wait3A_825 = arith.constant 1 : i32
    %dma_wait3A_826 = tpu.memref_slice %arg4[%dma_wait3A_825] : memref<4x!tpu.dma_semaphore, #tpu.memory_space<semaphore_mem>> -> memref<1x!tpu.dma_semaphore, #tpu.memory_space<semaphore_mem>>
    %dma_wait3A_827 = tpu.memref_squeeze %dma_wait3A_826 : memref<1x!tpu.dma_semaphore, #tpu.memory_space<semaphore_mem>> -> memref<!tpu.dma_semaphore, #tpu.memory_space<semaphore_mem>>
    %dma_wait3A_828 = arith.constant 0 : i32
    %dma_wait3A_829 = arith.constant 0 : i32
    %dma_wait3A_830 = tpu.memref_slice %arg3[%dma_wait3A_824, %dma_wait3A_828, %dma_wait3A_829] : memref<4x512x2048xf32, #tpu.memory_space<vmem>> -> memref<1x256x2048xf32, #tpu.memory_space<vmem>>
    %dma_wait3A_831 = tpu.memref_squeeze %dma_wait3A_830 : memref<1x256x2048xf32, #tpu.memory_space<vmem>> -> memref<256x2048xf32, #tpu.memory_space<vmem>>
    %dma_wait3A_832 = arith.constant 6656 : i32
    %dma_wait3A_833 = arith.constant 0 : i32
    %dma_wait3A_834 = tpu.memref_slice %arg0[%dma_wait3A_832, %dma_wait3A_833] : memref<16384x2048xf32, #tpu.memory_space<hbm>> -> memref<256x2048xf32, #tpu.memory_space<hbm>>
    tpu.wait_dma2 semaphore(%dma_wait3A_827 : memref<!tpu.dma_semaphore, #tpu.memory_space<semaphore_mem>>) src(%dma_wait3A_834 : memref<256x2048xf32, #tpu.memory_space<hbm>>) dst(%dma_wait3A_831 : memref<256x2048xf32, #tpu.memory_space<vmem>>)
    %dma_wait3A_835 = arith.constant 1 : i32
    %dma_wait3A_836 = arith.constant 1 : i32
    %dma_wait3A_837 = tpu.memref_slice %arg5[%dma_wait3A_836] : memref<4x!tpu.dma_semaphore, #tpu.memory_space<semaphore_mem>> -> memref<1x!tpu.dma_semaphore, #tpu.memory_space<semaphore_mem>>
    %dma_wait3A_838 = tpu.memref_squeeze %dma_wait3A_837 : memref<1x!tpu.dma_semaphore, #tpu.memory_space<semaphore_mem>> -> memref<!tpu.dma_semaphore, #tpu.memory_space<semaphore_mem>>
    %dma_wait3A_839 = arith.constant 256 : i32
    %dma_wait3A_840 = arith.constant 0 : i32
    %dma_wait3A_841 = tpu.memref_slice %arg3[%dma_wait3A_835, %dma_wait3A_839, %dma_wait3A_840] : memref<4x512x2048xf32, #tpu.memory_space<vmem>> -> memref<1x256x2048xf32, #tpu.memory_space<vmem>>
    %dma_wait3A_842 = tpu.memref_squeeze %dma_wait3A_841 : memref<1x256x2048xf32, #tpu.memory_space<vmem>> -> memref<256x2048xf32, #tpu.memory_space<vmem>>
    %dma_wait3A_843 = arith.constant 6912 : i32
    %dma_wait3A_844 = arith.constant 0 : i32
    %dma_wait3A_845 = tpu.memref_slice %arg0[%dma_wait3A_843, %dma_wait3A_844] : memref<16384x2048xf32, #tpu.memory_space<hbm>> -> memref<256x2048xf32, #tpu.memory_space<hbm>>
    tpu.wait_dma2 semaphore(%dma_wait3A_838 : memref<!tpu.dma_semaphore, #tpu.memory_space<semaphore_mem>>) src(%dma_wait3A_845 : memref<256x2048xf32, #tpu.memory_space<hbm>>) dst(%dma_wait3A_842 : memref<256x2048xf32, #tpu.memory_space<vmem>>)
    %get3A_846 = arith.constant 0 : index
    %get3A_847 = arith.constant 0 : index
    %get3A_848 = vector.load %arg1[%get3A_846, %get3A_847] : memref<8x2048xf32, #tpu.memory_space<vmem>>, vector<8x2048xf32>
    %get3A_849 = arith.constant 1 : index
    %get3A_850 = arith.constant 0 : index
    %get3A_851 = arith.constant 0 : index
    %get3A_852 = vector.load %arg3[%get3A_849, %get3A_850, %get3A_851] : memref<4x512x2048xf32, #tpu.memory_space<vmem>>, vector<1x512x2048xf32>
    %get3A_853 = vector.shape_cast %get3A_852 : vector<1x512x2048xf32> to vector<512x2048xf32>
    %dot_general3A_854 = arith.constant dense<0.000000e+00> : vector<8x512xf32>
    %dot_general3A_855 = tpu.matmul %get3A_848, %get3A_853, %dot_general3A_854 {dimension_numbers = #tpu.dot_dimension_numbers<[1], [1], [0], [0], [0, 0, 1, 0], [], []>, transpose_lhs_hint = false} : vector<8x2048xf32>, vector<512x2048xf32>, vector<8x512xf32> -> vector<8x512xf32>
    %swap3A_856 = arith.constant 0 : index
    %swap3A_857 = arith.constant 6656 : index
    %swap3A_858 = vector.load %arg2[%swap3A_856, %swap3A_857] : memref<8x16384xf32, #tpu.memory_space<vmem>>, vector<8x512xf32>
    tpu.vector_store %arg2[%swap3A_856, %swap3A_857], %dot_general3A_855 {strides = array<i32>} : memref<8x16384xf32, #tpu.memory_space<vmem>>, vector<8x512xf32>,
    %dma_start3A_859 = arith.constant 1 : i32
    %dma_start3A_860 = arith.constant 1 : i32
    %dma_start3A_861 = tpu.memref_slice %arg4[%dma_start3A_860] : memref<4x!tpu.dma_semaphore, #tpu.memory_space<semaphore_mem>> -> memref<1x!tpu.dma_semaphore, #tpu.memory_space<semaphore_mem>>
    %dma_start3A_862 = tpu.memref_squeeze %dma_start3A_861 : memref<1x!tpu.dma_semaphore, #tpu.memory_space<semaphore_mem>> -> memref<!tpu.dma_semaphore, #tpu.memory_space<semaphore_mem>>
    %dma_start3A_863 = arith.constant 0 : i32
    %dma_start3A_864 = arith.constant 0 : i32
    %dma_start3A_865 = tpu.memref_slice %arg3[%dma_start3A_859, %dma_start3A_863, %dma_start3A_864] : memref<4x512x2048xf32, #tpu.memory_space<vmem>> -> memref<1x256x2048xf32, #tpu.memory_space<vmem>>
    %dma_start3A_866 = tpu.memref_squeeze %dma_start3A_865 : memref<1x256x2048xf32, #tpu.memory_space<vmem>> -> memref<256x2048xf32, #tpu.memory_space<vmem>>
    %dma_start3A_867 = arith.constant 8704 : i32
    %dma_start3A_868 = arith.constant 0 : i32
    %dma_start3A_869 = tpu.memref_slice %arg0[%dma_start3A_867, %dma_start3A_868] : memref<16384x2048xf32, #tpu.memory_space<hbm>> -> memref<256x2048xf32, #tpu.memory_space<hbm>>
    tpu.enqueue_dma source(%dma_start3A_869 : memref<256x2048xf32, #tpu.memory_space<hbm>>) target(%dma_start3A_866 : memref<256x2048xf32, #tpu.memory_space<vmem>>) target_semaphore(%dma_start3A_862 : memref<!tpu.dma_semaphore, #tpu.memory_space<semaphore_mem>>)
    %dma_start3A_870 = arith.constant 1 : i32
    %dma_start3A_871 = arith.constant 1 : i32
    %dma_start3A_872 = tpu.memref_slice %arg5[%dma_start3A_871] : memref<4x!tpu.dma_semaphore, #tpu.memory_space<semaphore_mem>> -> memref<1x!tpu.dma_semaphore, #tpu.memory_space<semaphore_mem>>
    %dma_start3A_873 = tpu.memref_squeeze %dma_start3A_872 : memref<1x!tpu.dma_semaphore, #tpu.memory_space<semaphore_mem>> -> memref<!tpu.dma_semaphore, #tpu.memory_space<semaphore_mem>>
    %dma_start3A_874 = arith.constant 256 : i32
    %dma_start3A_875 = arith.constant 0 : i32
    %dma_start3A_876 = tpu.memref_slice %arg3[%dma_start3A_870, %dma_start3A_874, %dma_start3A_875] : memref<4x512x2048xf32, #tpu.memory_space<vmem>> -> memref<1x256x2048xf32, #tpu.memory_space<vmem>>
    %dma_start3A_877 = tpu.memref_squeeze %dma_start3A_876 : memref<1x256x2048xf32, #tpu.memory_space<vmem>> -> memref<256x2048xf32, #tpu.memory_space<vmem>>
    %dma_start3A_878 = arith.constant 8960 : i32
    %dma_start3A_879 = arith.constant 0 : i32
    %dma_start3A_880 = tpu.memref_slice %arg0[%dma_start3A_878, %dma_start3A_879] : memref<16384x2048xf32, #tpu.memory_space<hbm>> -> memref<256x2048xf32, #tpu.memory_space<hbm>>
    tpu.enqueue_dma source(%dma_start3A_880 : memref<256x2048xf32, #tpu.memory_space<hbm>>) target(%dma_start3A_877 : memref<256x2048xf32, #tpu.memory_space<vmem>>) target_semaphore(%dma_start3A_873 : memref<!tpu.dma_semaphore, #tpu.memory_space<semaphore_mem>>)
    %dma_wait3A_881 = arith.constant 2 : i32
    %dma_wait3A_882 = arith.constant 2 : i32
    %dma_wait3A_883 = tpu.memref_slice %arg4[%dma_wait3A_882] : memref<4x!tpu.dma_semaphore, #tpu.memory_space<semaphore_mem>> -> memref<1x!tpu.dma_semaphore, #tpu.memory_space<semaphore_mem>>
    %dma_wait3A_884 = tpu.memref_squeeze %dma_wait3A_883 : memref<1x!tpu.dma_semaphore, #tpu.memory_space<semaphore_mem>> -> memref<!tpu.dma_semaphore, #tpu.memory_space<semaphore_mem>>
    %dma_wait3A_885 = arith.constant 0 : i32
    %dma_wait3A_886 = arith.constant 0 : i32
    %dma_wait3A_887 = tpu.memref_slice %arg3[%dma_wait3A_881, %dma_wait3A_885, %dma_wait3A_886] : memref<4x512x2048xf32, #tpu.memory_space<vmem>> -> memref<1x256x2048xf32, #tpu.memory_space<vmem>>
    %dma_wait3A_888 = tpu.memref_squeeze %dma_wait3A_887 : memref<1x256x2048xf32, #tpu.memory_space<vmem>> -> memref<256x2048xf32, #tpu.memory_space<vmem>>
    %dma_wait3A_889 = arith.constant 7168 : i32
    %dma_wait3A_890 = arith.constant 0 : i32
    %dma_wait3A_891 = tpu.memref_slice %arg0[%dma_wait3A_889, %dma_wait3A_890] : memref<16384x2048xf32, #tpu.memory_space<hbm>> -> memref<256x2048xf32, #tpu.memory_space<hbm>>
    tpu.wait_dma2 semaphore(%dma_wait3A_884 : memref<!tpu.dma_semaphore, #tpu.memory_space<semaphore_mem>>) src(%dma_wait3A_891 : memref<256x2048xf32, #tpu.memory_space<hbm>>) dst(%dma_wait3A_888 : memref<256x2048xf32, #tpu.memory_space<vmem>>)
    %dma_wait3A_892 = arith.constant 2 : i32
    %dma_wait3A_893 = arith.constant 2 : i32
    %dma_wait3A_894 = tpu.memref_slice %arg5[%dma_wait3A_893] : memref<4x!tpu.dma_semaphore, #tpu.memory_space<semaphore_mem>> -> memref<1x!tpu.dma_semaphore, #tpu.memory_space<semaphore_mem>>
    %dma_wait3A_895 = tpu.memref_squeeze %dma_wait3A_894 : memref<1x!tpu.dma_semaphore, #tpu.memory_space<semaphore_mem>> -> memref<!tpu.dma_semaphore, #tpu.memory_space<semaphore_mem>>
    %dma_wait3A_896 = arith.constant 256 : i32
    %dma_wait3A_897 = arith.constant 0 : i32
    %dma_wait3A_898 = tpu.memref_slice %arg3[%dma_wait3A_892, %dma_wait3A_896, %dma_wait3A_897] : memref<4x512x2048xf32, #tpu.memory_space<vmem>> -> memref<1x256x2048xf32, #tpu.memory_space<vmem>>
    %dma_wait3A_899 = tpu.memref_squeeze %dma_wait3A_898 : memref<1x256x2048xf32, #tpu.memory_space<vmem>> -> memref<256x2048xf32, #tpu.memory_space<vmem>>
    %dma_wait3A_900 = arith.constant 7424 : i32
    %dma_wait3A_901 = arith.constant 0 : i32
    %dma_wait3A_902 = tpu.memref_slice %arg0[%dma_wait3A_900, %dma_wait3A_901] : memref<16384x2048xf32, #tpu.memory_space<hbm>> -> memref<256x2048xf32, #tpu.memory_space<hbm>>
    tpu.wait_dma2 semaphore(%dma_wait3A_895 : memref<!tpu.dma_semaphore, #tpu.memory_space<semaphore_mem>>) src(%dma_wait3A_902 : memref<256x2048xf32, #tpu.memory_space<hbm>>) dst(%dma_wait3A_899 : memref<256x2048xf32, #tpu.memory_space<vmem>>)
    %get3A_903 = arith.constant 0 : index
    %get3A_904 = arith.constant 0 : index
    %get3A_905 = vector.load %arg1[%get3A_903, %get3A_904] : memref<8x2048xf32, #tpu.memory_space<vmem>>, vector<8x2048xf32>
    %get3A_906 = arith.constant 2 : index
    %get3A_907 = arith.constant 0 : index
    %get3A_908 = arith.constant 0 : index
    %get3A_909 = vector.load %arg3[%get3A_906, %get3A_907, %get3A_908] : memref<4x512x2048xf32, #tpu.memory_space<vmem>>, vector<1x512x2048xf32>
    %get3A_910 = vector.shape_cast %get3A_909 : vector<1x512x2048xf32> to vector<512x2048xf32>
    %dot_general3A_911 = arith.constant dense<0.000000e+00> : vector<8x512xf32>
    %dot_general3A_912 = tpu.matmul %get3A_905, %get3A_910, %dot_general3A_911 {dimension_numbers = #tpu.dot_dimension_numbers<[1], [1], [0], [0], [0, 0, 1, 0], [], []>, transpose_lhs_hint = false} : vector<8x2048xf32>, vector<512x2048xf32>, vector<8x512xf32> -> vector<8x512xf32>
    %swap3A_913 = arith.constant 0 : index
    %swap3A_914 = arith.constant 7168 : index
    %swap3A_915 = vector.load %arg2[%swap3A_913, %swap3A_914] : memref<8x16384xf32, #tpu.memory_space<vmem>>, vector<8x512xf32>
    tpu.vector_store %arg2[%swap3A_913, %swap3A_914], %dot_general3A_912 {strides = array<i32>} : memref<8x16384xf32, #tpu.memory_space<vmem>>, vector<8x512xf32>,
    %dma_start3A_916 = arith.constant 2 : i32
    %dma_start3A_917 = arith.constant 2 : i32
    %dma_start3A_918 = tpu.memref_slice %arg4[%dma_start3A_917] : memref<4x!tpu.dma_semaphore, #tpu.memory_space<semaphore_mem>> -> memref<1x!tpu.dma_semaphore, #tpu.memory_space<semaphore_mem>>
    %dma_start3A_919 = tpu.memref_squeeze %dma_start3A_918 : memref<1x!tpu.dma_semaphore, #tpu.memory_space<semaphore_mem>> -> memref<!tpu.dma_semaphore, #tpu.memory_space<semaphore_mem>>
    %dma_start3A_920 = arith.constant 0 : i32
    %dma_start3A_921 = arith.constant 0 : i32
    %dma_start3A_922 = tpu.memref_slice %arg3[%dma_start3A_916, %dma_start3A_920, %dma_start3A_921] : memref<4x512x2048xf32, #tpu.memory_space<vmem>> -> memref<1x256x2048xf32, #tpu.memory_space<vmem>>
    %dma_start3A_923 = tpu.memref_squeeze %dma_start3A_922 : memref<1x256x2048xf32, #tpu.memory_space<vmem>> -> memref<256x2048xf32, #tpu.memory_space<vmem>>
    %dma_start3A_924 = arith.constant 9216 : i32
    %dma_start3A_925 = arith.constant 0 : i32
    %dma_start3A_926 = tpu.memref_slice %arg0[%dma_start3A_924, %dma_start3A_925] : memref<16384x2048xf32, #tpu.memory_space<hbm>> -> memref<256x2048xf32, #tpu.memory_space<hbm>>
    tpu.enqueue_dma source(%dma_start3A_926 : memref<256x2048xf32, #tpu.memory_space<hbm>>) target(%dma_start3A_923 : memref<256x2048xf32, #tpu.memory_space<vmem>>) target_semaphore(%dma_start3A_919 : memref<!tpu.dma_semaphore, #tpu.memory_space<semaphore_mem>>)
    %dma_start3A_927 = arith.constant 2 : i32
    %dma_start3A_928 = arith.constant 2 : i32
    %dma_start3A_929 = tpu.memref_slice %arg5[%dma_start3A_928] : memref<4x!tpu.dma_semaphore, #tpu.memory_space<semaphore_mem>> -> memref<1x!tpu.dma_semaphore, #tpu.memory_space<semaphore_mem>>
    %dma_start3A_930 = tpu.memref_squeeze %dma_start3A_929 : memref<1x!tpu.dma_semaphore, #tpu.memory_space<semaphore_mem>> -> memref<!tpu.dma_semaphore, #tpu.memory_space<semaphore_mem>>
    %dma_start3A_931 = arith.constant 256 : i32
    %dma_start3A_932 = arith.constant 0 : i32
    %dma_start3A_933 = tpu.memref_slice %arg3[%dma_start3A_927, %dma_start3A_931, %dma_start3A_932] : memref<4x512x2048xf32, #tpu.memory_space<vmem>> -> memref<1x256x2048xf32, #tpu.memory_space<vmem>>
    %dma_start3A_934 = tpu.memref_squeeze %dma_start3A_933 : memref<1x256x2048xf32, #tpu.memory_space<vmem>> -> memref<256x2048xf32, #tpu.memory_space<vmem>>
    %dma_start3A_935 = arith.constant 9472 : i32
    %dma_start3A_936 = arith.constant 0 : i32
    %dma_start3A_937 = tpu.memref_slice %arg0[%dma_start3A_935, %dma_start3A_936] : memref<16384x2048xf32, #tpu.memory_space<hbm>> -> memref<256x2048xf32, #tpu.memory_space<hbm>>
    tpu.enqueue_dma source(%dma_start3A_937 : memref<256x2048xf32, #tpu.memory_space<hbm>>) target(%dma_start3A_934 : memref<256x2048xf32, #tpu.memory_space<vmem>>) target_semaphore(%dma_start3A_930 : memref<!tpu.dma_semaphore, #tpu.memory_space<semaphore_mem>>)
    %dma_wait3A_938 = arith.constant 3 : i32
    %dma_wait3A_939 = arith.constant 3 : i32
    %dma_wait3A_940 = tpu.memref_slice %arg4[%dma_wait3A_939] : memref<4x!tpu.dma_semaphore, #tpu.memory_space<semaphore_mem>> -> memref<1x!tpu.dma_semaphore, #tpu.memory_space<semaphore_mem>>
    %dma_wait3A_941 = tpu.memref_squeeze %dma_wait3A_940 : memref<1x!tpu.dma_semaphore, #tpu.memory_space<semaphore_mem>> -> memref<!tpu.dma_semaphore, #tpu.memory_space<semaphore_mem>>
    %dma_wait3A_942 = arith.constant 0 : i32
    %dma_wait3A_943 = arith.constant 0 : i32
    %dma_wait3A_944 = tpu.memref_slice %arg3[%dma_wait3A_938, %dma_wait3A_942, %dma_wait3A_943] : memref<4x512x2048xf32, #tpu.memory_space<vmem>> -> memref<1x256x2048xf32, #tpu.memory_space<vmem>>
    %dma_wait3A_945 = tpu.memref_squeeze %dma_wait3A_944 : memref<1x256x2048xf32, #tpu.memory_space<vmem>> -> memref<256x2048xf32, #tpu.memory_space<vmem>>
    %dma_wait3A_946 = arith.constant 7680 : i32
    %dma_wait3A_947 = arith.constant 0 : i32
    %dma_wait3A_948 = tpu.memref_slice %arg0[%dma_wait3A_946, %dma_wait3A_947] : memref<16384x2048xf32, #tpu.memory_space<hbm>> -> memref<256x2048xf32, #tpu.memory_space<hbm>>
    tpu.wait_dma2 semaphore(%dma_wait3A_941 : memref<!tpu.dma_semaphore, #tpu.memory_space<semaphore_mem>>) src(%dma_wait3A_948 : memref<256x2048xf32, #tpu.memory_space<hbm>>) dst(%dma_wait3A_945 : memref<256x2048xf32, #tpu.memory_space<vmem>>)
    %dma_wait3A_949 = arith.constant 3 : i32
    %dma_wait3A_950 = arith.constant 3 : i32
    %dma_wait3A_951 = tpu.memref_slice %arg5[%dma_wait3A_950] : memref<4x!tpu.dma_semaphore, #tpu.memory_space<semaphore_mem>> -> memref<1x!tpu.dma_semaphore, #tpu.memory_space<semaphore_mem>>
    %dma_wait3A_952 = tpu.memref_squeeze %dma_wait3A_951 : memref<1x!tpu.dma_semaphore, #tpu.memory_space<semaphore_mem>> -> memref<!tpu.dma_semaphore, #tpu.memory_space<semaphore_mem>>
    %dma_wait3A_953 = arith.constant 256 : i32
    %dma_wait3A_954 = arith.constant 0 : i32
    %dma_wait3A_955 = tpu.memref_slice %arg3[%dma_wait3A_949, %dma_wait3A_953, %dma_wait3A_954] : memref<4x512x2048xf32, #tpu.memory_space<vmem>> -> memref<1x256x2048xf32, #tpu.memory_space<vmem>>
    %dma_wait3A_956 = tpu.memref_squeeze %dma_wait3A_955 : memref<1x256x2048xf32, #tpu.memory_space<vmem>> -> memref<256x2048xf32, #tpu.memory_space<vmem>>
    %dma_wait3A_957 = arith.constant 7936 : i32
    %dma_wait3A_958 = arith.constant 0 : i32
    %dma_wait3A_959 = tpu.memref_slice %arg0[%dma_wait3A_957, %dma_wait3A_958] : memref<16384x2048xf32, #tpu.memory_space<hbm>> -> memref<256x2048xf32, #tpu.memory_space<hbm>>
    tpu.wait_dma2 semaphore(%dma_wait3A_952 : memref<!tpu.dma_semaphore, #tpu.memory_space<semaphore_mem>>) src(%dma_wait3A_959 : memref<256x2048xf32, #tpu.memory_space<hbm>>) dst(%dma_wait3A_956 : memref<256x2048xf32, #tpu.memory_space<vmem>>)
    %get3A_960 = arith.constant 0 : index
    %get3A_961 = arith.constant 0 : index
    %get3A_962 = vector.load %arg1[%get3A_960, %get3A_961] : memref<8x2048xf32, #tpu.memory_space<vmem>>, vector<8x2048xf32>
    %get3A_963 = arith.constant 3 : index
    %get3A_964 = arith.constant 0 : index
    %get3A_965 = arith.constant 0 : index
    %get3A_966 = vector.load %arg3[%get3A_963, %get3A_964, %get3A_965] : memref<4x512x2048xf32, #tpu.memory_space<vmem>>, vector<1x512x2048xf32>
    %get3A_967 = vector.shape_cast %get3A_966 : vector<1x512x2048xf32> to vector<512x2048xf32>
    %dot_general3A_968 = arith.constant dense<0.000000e+00> : vector<8x512xf32>
    %dot_general3A_969 = tpu.matmul %get3A_962, %get3A_967, %dot_general3A_968 {dimension_numbers = #tpu.dot_dimension_numbers<[1], [1], [0], [0], [0, 0, 1, 0], [], []>, transpose_lhs_hint = false} : vector<8x2048xf32>, vector<512x2048xf32>, vector<8x512xf32> -> vector<8x512xf32>
    %swap3A_970 = arith.constant 0 : index
    %swap3A_971 = arith.constant 7680 : index
    %swap3A_972 = vector.load %arg2[%swap3A_970, %swap3A_971] : memref<8x16384xf32, #tpu.memory_space<vmem>>, vector<8x512xf32>
    tpu.vector_store %arg2[%swap3A_970, %swap3A_971], %dot_general3A_969 {strides = array<i32>} : memref<8x16384xf32, #tpu.memory_space<vmem>>, vector<8x512xf32>,
    %dma_start3A_973 = arith.constant 3 : i32
    %dma_start3A_974 = arith.constant 3 : i32
    %dma_start3A_975 = tpu.memref_slice %arg4[%dma_start3A_974] : memref<4x!tpu.dma_semaphore, #tpu.memory_space<semaphore_mem>> -> memref<1x!tpu.dma_semaphore, #tpu.memory_space<semaphore_mem>>
    %dma_start3A_976 = tpu.memref_squeeze %dma_start3A_975 : memref<1x!tpu.dma_semaphore, #tpu.memory_space<semaphore_mem>> -> memref<!tpu.dma_semaphore, #tpu.memory_space<semaphore_mem>>
    %dma_start3A_977 = arith.constant 0 : i32
    %dma_start3A_978 = arith.constant 0 : i32
    %dma_start3A_979 = tpu.memref_slice %arg3[%dma_start3A_973, %dma_start3A_977, %dma_start3A_978] : memref<4x512x2048xf32, #tpu.memory_space<vmem>> -> memref<1x256x2048xf32, #tpu.memory_space<vmem>>
    %dma_start3A_980 = tpu.memref_squeeze %dma_start3A_979 : memref<1x256x2048xf32, #tpu.memory_space<vmem>> -> memref<256x2048xf32, #tpu.memory_space<vmem>>
    %dma_start3A_981 = arith.constant 9728 : i32
    %dma_start3A_982 = arith.constant 0 : i32
    %dma_start3A_983 = tpu.memref_slice %arg0[%dma_start3A_981, %dma_start3A_982] : memref<16384x2048xf32, #tpu.memory_space<hbm>> -> memref<256x2048xf32, #tpu.memory_space<hbm>>
    tpu.enqueue_dma source(%dma_start3A_983 : memref<256x2048xf32, #tpu.memory_space<hbm>>) target(%dma_start3A_980 : memref<256x2048xf32, #tpu.memory_space<vmem>>) target_semaphore(%dma_start3A_976 : memref<!tpu.dma_semaphore, #tpu.memory_space<semaphore_mem>>)
    %dma_start3A_984 = arith.constant 3 : i32
    %dma_start3A_985 = arith.constant 3 : i32
    %dma_start3A_986 = tpu.memref_slice %arg5[%dma_start3A_985] : memref<4x!tpu.dma_semaphore, #tpu.memory_space<semaphore_mem>> -> memref<1x!tpu.dma_semaphore, #tpu.memory_space<semaphore_mem>>
    %dma_start3A_987 = tpu.memref_squeeze %dma_start3A_986 : memref<1x!tpu.dma_semaphore, #tpu.memory_space<semaphore_mem>> -> memref<!tpu.dma_semaphore, #tpu.memory_space<semaphore_mem>>
    %dma_start3A_988 = arith.constant 256 : i32
    %dma_start3A_989 = arith.constant 0 : i32
    %dma_start3A_990 = tpu.memref_slice %arg3[%dma_start3A_984, %dma_start3A_988, %dma_start3A_989] : memref<4x512x2048xf32, #tpu.memory_space<vmem>> -> memref<1x256x2048xf32, #tpu.memory_space<vmem>>
    %dma_start3A_991 = tpu.memref_squeeze %dma_start3A_990 : memref<1x256x2048xf32, #tpu.memory_space<vmem>> -> memref<256x2048xf32, #tpu.memory_space<vmem>>
    %dma_start3A_992 = arith.constant 9984 : i32
    %dma_start3A_993 = arith.constant 0 : i32
    %dma_start3A_994 = tpu.memref_slice %arg0[%dma_start3A_992, %dma_start3A_993] : memref<16384x2048xf32, #tpu.memory_space<hbm>> -> memref<256x2048xf32, #tpu.memory_space<hbm>>
    tpu.enqueue_dma source(%dma_start3A_994 : memref<256x2048xf32, #tpu.memory_space<hbm>>) target(%dma_start3A_991 : memref<256x2048xf32, #tpu.memory_space<vmem>>) target_semaphore(%dma_start3A_987 : memref<!tpu.dma_semaphore, #tpu.memory_space<semaphore_mem>>)
    %dma_wait3A_995 = arith.constant 0 : i32
    %dma_wait3A_996 = arith.constant 0 : i32
    %dma_wait3A_997 = tpu.memref_slice %arg4[%dma_wait3A_996] : memref<4x!tpu.dma_semaphore, #tpu.memory_space<semaphore_mem>> -> memref<1x!tpu.dma_semaphore, #tpu.memory_space<semaphore_mem>>
    %dma_wait3A_998 = tpu.memref_squeeze %dma_wait3A_997 : memref<1x!tpu.dma_semaphore, #tpu.memory_space<semaphore_mem>> -> memref<!tpu.dma_semaphore, #tpu.memory_space<semaphore_mem>>
    %dma_wait3A_999 = arith.constant 0 : i32
    %dma_wait3A_1000 = arith.constant 0 : i32
    %dma_wait3A_1001 = tpu.memref_slice %arg3[%dma_wait3A_995, %dma_wait3A_999, %dma_wait3A_1000] : memref<4x512x2048xf32, #tpu.memory_space<vmem>> -> memref<1x256x2048xf32, #tpu.memory_space<vmem>>
    %dma_wait3A_1002 = tpu.memref_squeeze %dma_wait3A_1001 : memref<1x256x2048xf32, #tpu.memory_space<vmem>> -> memref<256x2048xf32, #tpu.memory_space<vmem>>
    %dma_wait3A_1003 = arith.constant 8192 : i32
    %dma_wait3A_1004 = arith.constant 0 : i32
    %dma_wait3A_1005 = tpu.memref_slice %arg0[%dma_wait3A_1003, %dma_wait3A_1004] : memref<16384x2048xf32, #tpu.memory_space<hbm>> -> memref<256x2048xf32, #tpu.memory_space<hbm>>
    tpu.wait_dma2 semaphore(%dma_wait3A_998 : memref<!tpu.dma_semaphore, #tpu.memory_space<semaphore_mem>>) src(%dma_wait3A_1005 : memref<256x2048xf32, #tpu.memory_space<hbm>>) dst(%dma_wait3A_1002 : memref<256x2048xf32, #tpu.memory_space<vmem>>)
    %dma_wait3A_1006 = arith.constant 0 : i32
    %dma_wait3A_1007 = arith.constant 0 : i32
    %dma_wait3A_1008 = tpu.memref_slice %arg5[%dma_wait3A_1007] : memref<4x!tpu.dma_semaphore, #tpu.memory_space<semaphore_mem>> -> memref<1x!tpu.dma_semaphore, #tpu.memory_space<semaphore_mem>>
    %dma_wait3A_1009 = tpu.memref_squeeze %dma_wait3A_1008 : memref<1x!tpu.dma_semaphore, #tpu.memory_space<semaphore_mem>> -> memref<!tpu.dma_semaphore, #tpu.memory_space<semaphore_mem>>
    %dma_wait3A_1010 = arith.constant 256 : i32
    %dma_wait3A_1011 = arith.constant 0 : i32
    %dma_wait3A_1012 = tpu.memref_slice %arg3[%dma_wait3A_1006, %dma_wait3A_1010, %dma_wait3A_1011] : memref<4x512x2048xf32, #tpu.memory_space<vmem>> -> memref<1x256x2048xf32, #tpu.memory_space<vmem>>
    %dma_wait3A_1013 = tpu.memref_squeeze %dma_wait3A_1012 : memref<1x256x2048xf32, #tpu.memory_space<vmem>> -> memref<256x2048xf32, #tpu.memory_space<vmem>>
    %dma_wait3A_1014 = arith.constant 8448 : i32
    %dma_wait3A_1015 = arith.constant 0 : i32
    %dma_wait3A_1016 = tpu.memref_slice %arg0[%dma_wait3A_1014, %dma_wait3A_1015] : memref<16384x2048xf32, #tpu.memory_space<hbm>> -> memref<256x2048xf32, #tpu.memory_space<hbm>>
    tpu.wait_dma2 semaphore(%dma_wait3A_1009 : memref<!tpu.dma_semaphore, #tpu.memory_space<semaphore_mem>>) src(%dma_wait3A_1016 : memref<256x2048xf32, #tpu.memory_space<hbm>>) dst(%dma_wait3A_1013 : memref<256x2048xf32, #tpu.memory_space<vmem>>)
    %get3A_1017 = arith.constant 0 : index
    %get3A_1018 = arith.constant 0 : index
    %get3A_1019 = vector.load %arg1[%get3A_1017, %get3A_1018] : memref<8x2048xf32, #tpu.memory_space<vmem>>, vector<8x2048xf32>
    %get3A_1020 = arith.constant 0 : index
    %get3A_1021 = arith.constant 0 : index
    %get3A_1022 = arith.constant 0 : index
    %get3A_1023 = vector.load %arg3[%get3A_1020, %get3A_1021, %get3A_1022] : memref<4x512x2048xf32, #tpu.memory_space<vmem>>, vector<1x512x2048xf32>
    %get3A_1024 = vector.shape_cast %get3A_1023 : vector<1x512x2048xf32> to vector<512x2048xf32>
    %dot_general3A_1025 = arith.constant dense<0.000000e+00> : vector<8x512xf32>
    %dot_general3A_1026 = tpu.matmul %get3A_1019, %get3A_1024, %dot_general3A_1025 {dimension_numbers = #tpu.dot_dimension_numbers<[1], [1], [0], [0], [0, 0, 1, 0], [], []>, transpose_lhs_hint = false} : vector<8x2048xf32>, vector<512x2048xf32>, vector<8x512xf32> -> vector<8x512xf32>
    %swap3A_1027 = arith.constant 0 : index
    %swap3A_1028 = arith.constant 8192 : index
    %swap3A_1029 = vector.load %arg2[%swap3A_1027, %swap3A_1028] : memref<8x16384xf32, #tpu.memory_space<vmem>>, vector<8x512xf32>
    tpu.vector_store %arg2[%swap3A_1027, %swap3A_1028], %dot_general3A_1026 {strides = array<i32>} : memref<8x16384xf32, #tpu.memory_space<vmem>>, vector<8x512xf32>,
    %dma_start3A_1030 = arith.constant 0 : i32
    %dma_start3A_1031 = arith.constant 0 : i32
    %dma_start3A_1032 = tpu.memref_slice %arg4[%dma_start3A_1031] : memref<4x!tpu.dma_semaphore, #tpu.memory_space<semaphore_mem>> -> memref<1x!tpu.dma_semaphore, #tpu.memory_space<semaphore_mem>>
    %dma_start3A_1033 = tpu.memref_squeeze %dma_start3A_1032 : memref<1x!tpu.dma_semaphore, #tpu.memory_space<semaphore_mem>> -> memref<!tpu.dma_semaphore, #tpu.memory_space<semaphore_mem>>
    %dma_start3A_1034 = arith.constant 0 : i32
    %dma_start3A_1035 = arith.constant 0 : i32
    %dma_start3A_1036 = tpu.memref_slice %arg3[%dma_start3A_1030, %dma_start3A_1034, %dma_start3A_1035] : memref<4x512x2048xf32, #tpu.memory_space<vmem>> -> memref<1x256x2048xf32, #tpu.memory_space<vmem>>
    %dma_start3A_1037 = tpu.memref_squeeze %dma_start3A_1036 : memref<1x256x2048xf32, #tpu.memory_space<vmem>> -> memref<256x2048xf32, #tpu.memory_space<vmem>>
    %dma_start3A_1038 = arith.constant 10240 : i32
    %dma_start3A_1039 = arith.constant 0 : i32
    %dma_start3A_1040 = tpu.memref_slice %arg0[%dma_start3A_1038, %dma_start3A_1039] : memref<16384x2048xf32, #tpu.memory_space<hbm>> -> memref<256x2048xf32, #tpu.memory_space<hbm>>
    tpu.enqueue_dma source(%dma_start3A_1040 : memref<256x2048xf32, #tpu.memory_space<hbm>>) target(%dma_start3A_1037 : memref<256x2048xf32, #tpu.memory_space<vmem>>) target_semaphore(%dma_start3A_1033 : memref<!tpu.dma_semaphore, #tpu.memory_space<semaphore_mem>>)
    %dma_start3A_1041 = arith.constant 0 : i32
    %dma_start3A_1042 = arith.constant 0 : i32
    %dma_start3A_1043 = tpu.memref_slice %arg5[%dma_start3A_1042] : memref<4x!tpu.dma_semaphore, #tpu.memory_space<semaphore_mem>> -> memref<1x!tpu.dma_semaphore, #tpu.memory_space<semaphore_mem>>
    %dma_start3A_1044 = tpu.memref_squeeze %dma_start3A_1043 : memref<1x!tpu.dma_semaphore, #tpu.memory_space<semaphore_mem>> -> memref<!tpu.dma_semaphore, #tpu.memory_space<semaphore_mem>>
    %dma_start3A_1045 = arith.constant 256 : i32
    %dma_start3A_1046 = arith.constant 0 : i32
    %dma_start3A_1047 = tpu.memref_slice %arg3[%dma_start3A_1041, %dma_start3A_1045, %dma_start3A_1046] : memref<4x512x2048xf32, #tpu.memory_space<vmem>> -> memref<1x256x2048xf32, #tpu.memory_space<vmem>>
    %dma_start3A_1048 = tpu.memref_squeeze %dma_start3A_1047 : memref<1x256x2048xf32, #tpu.memory_space<vmem>> -> memref<256x2048xf32, #tpu.memory_space<vmem>>
    %dma_start3A_1049 = arith.constant 10496 : i32
    %dma_start3A_1050 = arith.constant 0 : i32
    %dma_start3A_1051 = tpu.memref_slice %arg0[%dma_start3A_1049, %dma_start3A_1050] : memref<16384x2048xf32, #tpu.memory_space<hbm>> -> memref<256x2048xf32, #tpu.memory_space<hbm>>
    tpu.enqueue_dma source(%dma_start3A_1051 : memref<256x2048xf32, #tpu.memory_space<hbm>>) target(%dma_start3A_1048 : memref<256x2048xf32, #tpu.memory_space<vmem>>) target_semaphore(%dma_start3A_1044 : memref<!tpu.dma_semaphore, #tpu.memory_space<semaphore_mem>>)
    %dma_wait3A_1052 = arith.constant 1 : i32
    %dma_wait3A_1053 = arith.constant 1 : i32
    %dma_wait3A_1054 = tpu.memref_slice %arg4[%dma_wait3A_1053] : memref<4x!tpu.dma_semaphore, #tpu.memory_space<semaphore_mem>> -> memref<1x!tpu.dma_semaphore, #tpu.memory_space<semaphore_mem>>
    %dma_wait3A_1055 = tpu.memref_squeeze %dma_wait3A_1054 : memref<1x!tpu.dma_semaphore, #tpu.memory_space<semaphore_mem>> -> memref<!tpu.dma_semaphore, #tpu.memory_space<semaphore_mem>>
    %dma_wait3A_1056 = arith.constant 0 : i32
    %dma_wait3A_1057 = arith.constant 0 : i32
    %dma_wait3A_1058 = tpu.memref_slice %arg3[%dma_wait3A_1052, %dma_wait3A_1056, %dma_wait3A_1057] : memref<4x512x2048xf32, #tpu.memory_space<vmem>> -> memref<1x256x2048xf32, #tpu.memory_space<vmem>>
    %dma_wait3A_1059 = tpu.memref_squeeze %dma_wait3A_1058 : memref<1x256x2048xf32, #tpu.memory_space<vmem>> -> memref<256x2048xf32, #tpu.memory_space<vmem>>
    %dma_wait3A_1060 = arith.constant 8704 : i32
    %dma_wait3A_1061 = arith.constant 0 : i32
    %dma_wait3A_1062 = tpu.memref_slice %arg0[%dma_wait3A_1060, %dma_wait3A_1061] : memref<16384x2048xf32, #tpu.memory_space<hbm>> -> memref<256x2048xf32, #tpu.memory_space<hbm>>
    tpu.wait_dma2 semaphore(%dma_wait3A_1055 : memref<!tpu.dma_semaphore, #tpu.memory_space<semaphore_mem>>) src(%dma_wait3A_1062 : memref<256x2048xf32, #tpu.memory_space<hbm>>) dst(%dma_wait3A_1059 : memref<256x2048xf32, #tpu.memory_space<vmem>>)
    %dma_wait3A_1063 = arith.constant 1 : i32
    %dma_wait3A_1064 = arith.constant 1 : i32
    %dma_wait3A_1065 = tpu.memref_slice %arg5[%dma_wait3A_1064] : memref<4x!tpu.dma_semaphore, #tpu.memory_space<semaphore_mem>> -> memref<1x!tpu.dma_semaphore, #tpu.memory_space<semaphore_mem>>
    %dma_wait3A_1066 = tpu.memref_squeeze %dma_wait3A_1065 : memref<1x!tpu.dma_semaphore, #tpu.memory_space<semaphore_mem>> -> memref<!tpu.dma_semaphore, #tpu.memory_space<semaphore_mem>>
    %dma_wait3A_1067 = arith.constant 256 : i32
    %dma_wait3A_1068 = arith.constant 0 : i32
    %dma_wait3A_1069 = tpu.memref_slice %arg3[%dma_wait3A_1063, %dma_wait3A_1067, %dma_wait3A_1068] : memref<4x512x2048xf32, #tpu.memory_space<vmem>> -> memref<1x256x2048xf32, #tpu.memory_space<vmem>>
    %dma_wait3A_1070 = tpu.memref_squeeze %dma_wait3A_1069 : memref<1x256x2048xf32, #tpu.memory_space<vmem>> -> memref<256x2048xf32, #tpu.memory_space<vmem>>
    %dma_wait3A_1071 = arith.constant 8960 : i32
    %dma_wait3A_1072 = arith.constant 0 : i32
    %dma_wait3A_1073 = tpu.memref_slice %arg0[%dma_wait3A_1071, %dma_wait3A_1072] : memref<16384x2048xf32, #tpu.memory_space<hbm>> -> memref<256x2048xf32, #tpu.memory_space<hbm>>
    tpu.wait_dma2 semaphore(%dma_wait3A_1066 : memref<!tpu.dma_semaphore, #tpu.memory_space<semaphore_mem>>) src(%dma_wait3A_1073 : memref<256x2048xf32, #tpu.memory_space<hbm>>) dst(%dma_wait3A_1070 : memref<256x2048xf32, #tpu.memory_space<vmem>>)
    %get3A_1074 = arith.constant 0 : index
    %get3A_1075 = arith.constant 0 : index
    %get3A_1076 = vector.load %arg1[%get3A_1074, %get3A_1075] : memref<8x2048xf32, #tpu.memory_space<vmem>>, vector<8x2048xf32>
    %get3A_1077 = arith.constant 1 : index
    %get3A_1078 = arith.constant 0 : index
    %get3A_1079 = arith.constant 0 : index
    %get3A_1080 = vector.load %arg3[%get3A_1077, %get3A_1078, %get3A_1079] : memref<4x512x2048xf32, #tpu.memory_space<vmem>>, vector<1x512x2048xf32>
    %get3A_1081 = vector.shape_cast %get3A_1080 : vector<1x512x2048xf32> to vector<512x2048xf32>
    %dot_general3A_1082 = arith.constant dense<0.000000e+00> : vector<8x512xf32>
    %dot_general3A_1083 = tpu.matmul %get3A_1076, %get3A_1081, %dot_general3A_1082 {dimension_numbers = #tpu.dot_dimension_numbers<[1], [1], [0], [0], [0, 0, 1, 0], [], []>, transpose_lhs_hint = false} : vector<8x2048xf32>, vector<512x2048xf32>, vector<8x512xf32> -> vector<8x512xf32>
    %swap3A_1084 = arith.constant 0 : index
    %swap3A_1085 = arith.constant 8704 : index
    %swap3A_1086 = vector.load %arg2[%swap3A_1084, %swap3A_1085] : memref<8x16384xf32, #tpu.memory_space<vmem>>, vector<8x512xf32>
    tpu.vector_store %arg2[%swap3A_1084, %swap3A_1085], %dot_general3A_1083 {strides = array<i32>} : memref<8x16384xf32, #tpu.memory_space<vmem>>, vector<8x512xf32>,
    %dma_start3A_1087 = arith.constant 1 : i32
    %dma_start3A_1088 = arith.constant 1 : i32
    %dma_start3A_1089 = tpu.memref_slice %arg4[%dma_start3A_1088] : memref<4x!tpu.dma_semaphore, #tpu.memory_space<semaphore_mem>> -> memref<1x!tpu.dma_semaphore, #tpu.memory_space<semaphore_mem>>
    %dma_start3A_1090 = tpu.memref_squeeze %dma_start3A_1089 : memref<1x!tpu.dma_semaphore, #tpu.memory_space<semaphore_mem>> -> memref<!tpu.dma_semaphore, #tpu.memory_space<semaphore_mem>>
    %dma_start3A_1091 = arith.constant 0 : i32
    %dma_start3A_1092 = arith.constant 0 : i32
    %dma_start3A_1093 = tpu.memref_slice %arg3[%dma_start3A_1087, %dma_start3A_1091, %dma_start3A_1092] : memref<4x512x2048xf32, #tpu.memory_space<vmem>> -> memref<1x256x2048xf32, #tpu.memory_space<vmem>>
    %dma_start3A_1094 = tpu.memref_squeeze %dma_start3A_1093 : memref<1x256x2048xf32, #tpu.memory_space<vmem>> -> memref<256x2048xf32, #tpu.memory_space<vmem>>
    %dma_start3A_1095 = arith.constant 10752 : i32
    %dma_start3A_1096 = arith.constant 0 : i32
    %dma_start3A_1097 = tpu.memref_slice %arg0[%dma_start3A_1095, %dma_start3A_1096] : memref<16384x2048xf32, #tpu.memory_space<hbm>> -> memref<256x2048xf32, #tpu.memory_space<hbm>>
    tpu.enqueue_dma source(%dma_start3A_1097 : memref<256x2048xf32, #tpu.memory_space<hbm>>) target(%dma_start3A_1094 : memref<256x2048xf32, #tpu.memory_space<vmem>>) target_semaphore(%dma_start3A_1090 : memref<!tpu.dma_semaphore, #tpu.memory_space<semaphore_mem>>)
    %dma_start3A_1098 = arith.constant 1 : i32
    %dma_start3A_1099 = arith.constant 1 : i32
    %dma_start3A_1100 = tpu.memref_slice %arg5[%dma_start3A_1099] : memref<4x!tpu.dma_semaphore, #tpu.memory_space<semaphore_mem>> -> memref<1x!tpu.dma_semaphore, #tpu.memory_space<semaphore_mem>>
    %dma_start3A_1101 = tpu.memref_squeeze %dma_start3A_1100 : memref<1x!tpu.dma_semaphore, #tpu.memory_space<semaphore_mem>> -> memref<!tpu.dma_semaphore, #tpu.memory_space<semaphore_mem>>
    %dma_start3A_1102 = arith.constant 256 : i32
    %dma_start3A_1103 = arith.constant 0 : i32
    %dma_start3A_1104 = tpu.memref_slice %arg3[%dma_start3A_1098, %dma_start3A_1102, %dma_start3A_1103] : memref<4x512x2048xf32, #tpu.memory_space<vmem>> -> memref<1x256x2048xf32, #tpu.memory_space<vmem>>
    %dma_start3A_1105 = tpu.memref_squeeze %dma_start3A_1104 : memref<1x256x2048xf32, #tpu.memory_space<vmem>> -> memref<256x2048xf32, #tpu.memory_space<vmem>>
    %dma_start3A_1106 = arith.constant 11008 : i32
    %dma_start3A_1107 = arith.constant 0 : i32
    %dma_start3A_1108 = tpu.memref_slice %arg0[%dma_start3A_1106, %dma_start3A_1107] : memref<16384x2048xf32, #tpu.memory_space<hbm>> -> memref<256x2048xf32, #tpu.memory_space<hbm>>
    tpu.enqueue_dma source(%dma_start3A_1108 : memref<256x2048xf32, #tpu.memory_space<hbm>>) target(%dma_start3A_1105 : memref<256x2048xf32, #tpu.memory_space<vmem>>) target_semaphore(%dma_start3A_1101 : memref<!tpu.dma_semaphore, #tpu.memory_space<semaphore_mem>>)
    %dma_wait3A_1109 = arith.constant 2 : i32
    %dma_wait3A_1110 = arith.constant 2 : i32
    %dma_wait3A_1111 = tpu.memref_slice %arg4[%dma_wait3A_1110] : memref<4x!tpu.dma_semaphore, #tpu.memory_space<semaphore_mem>> -> memref<1x!tpu.dma_semaphore, #tpu.memory_space<semaphore_mem>>
    %dma_wait3A_1112 = tpu.memref_squeeze %dma_wait3A_1111 : memref<1x!tpu.dma_semaphore, #tpu.memory_space<semaphore_mem>> -> memref<!tpu.dma_semaphore, #tpu.memory_space<semaphore_mem>>
    %dma_wait3A_1113 = arith.constant 0 : i32
    %dma_wait3A_1114 = arith.constant 0 : i32
    %dma_wait3A_1115 = tpu.memref_slice %arg3[%dma_wait3A_1109, %dma_wait3A_1113, %dma_wait3A_1114] : memref<4x512x2048xf32, #tpu.memory_space<vmem>> -> memref<1x256x2048xf32, #tpu.memory_space<vmem>>
    %dma_wait3A_1116 = tpu.memref_squeeze %dma_wait3A_1115 : memref<1x256x2048xf32, #tpu.memory_space<vmem>> -> memref<256x2048xf32, #tpu.memory_space<vmem>>
    %dma_wait3A_1117 = arith.constant 9216 : i32
    %dma_wait3A_1118 = arith.constant 0 : i32
    %dma_wait3A_1119 = tpu.memref_slice %arg0[%dma_wait3A_1117, %dma_wait3A_1118] : memref<16384x2048xf32, #tpu.memory_space<hbm>> -> memref<256x2048xf32, #tpu.memory_space<hbm>>
    tpu.wait_dma2 semaphore(%dma_wait3A_1112 : memref<!tpu.dma_semaphore, #tpu.memory_space<semaphore_mem>>) src(%dma_wait3A_1119 : memref<256x2048xf32, #tpu.memory_space<hbm>>) dst(%dma_wait3A_1116 : memref<256x2048xf32, #tpu.memory_space<vmem>>)
    %dma_wait3A_1120 = arith.constant 2 : i32
    %dma_wait3A_1121 = arith.constant 2 : i32
    %dma_wait3A_1122 = tpu.memref_slice %arg5[%dma_wait3A_1121] : memref<4x!tpu.dma_semaphore, #tpu.memory_space<semaphore_mem>> -> memref<1x!tpu.dma_semaphore, #tpu.memory_space<semaphore_mem>>
    %dma_wait3A_1123 = tpu.memref_squeeze %dma_wait3A_1122 : memref<1x!tpu.dma_semaphore, #tpu.memory_space<semaphore_mem>> -> memref<!tpu.dma_semaphore, #tpu.memory_space<semaphore_mem>>
    %dma_wait3A_1124 = arith.constant 256 : i32
    %dma_wait3A_1125 = arith.constant 0 : i32
    %dma_wait3A_1126 = tpu.memref_slice %arg3[%dma_wait3A_1120, %dma_wait3A_1124, %dma_wait3A_1125] : memref<4x512x2048xf32, #tpu.memory_space<vmem>> -> memref<1x256x2048xf32, #tpu.memory_space<vmem>>
    %dma_wait3A_1127 = tpu.memref_squeeze %dma_wait3A_1126 : memref<1x256x2048xf32, #tpu.memory_space<vmem>> -> memref<256x2048xf32, #tpu.memory_space<vmem>>
    %dma_wait3A_1128 = arith.constant 9472 : i32
    %dma_wait3A_1129 = arith.constant 0 : i32
    %dma_wait3A_1130 = tpu.memref_slice %arg0[%dma_wait3A_1128, %dma_wait3A_1129] : memref<16384x2048xf32, #tpu.memory_space<hbm>> -> memref<256x2048xf32, #tpu.memory_space<hbm>>
    tpu.wait_dma2 semaphore(%dma_wait3A_1123 : memref<!tpu.dma_semaphore, #tpu.memory_space<semaphore_mem>>) src(%dma_wait3A_1130 : memref<256x2048xf32, #tpu.memory_space<hbm>>) dst(%dma_wait3A_1127 : memref<256x2048xf32, #tpu.memory_space<vmem>>)
    %get3A_1131 = arith.constant 0 : index
    %get3A_1132 = arith.constant 0 : index
    %get3A_1133 = vector.load %arg1[%get3A_1131, %get3A_1132] : memref<8x2048xf32, #tpu.memory_space<vmem>>, vector<8x2048xf32>
    %get3A_1134 = arith.constant 2 : index
    %get3A_1135 = arith.constant 0 : index
    %get3A_1136 = arith.constant 0 : index
    %get3A_1137 = vector.load %arg3[%get3A_1134, %get3A_1135, %get3A_1136] : memref<4x512x2048xf32, #tpu.memory_space<vmem>>, vector<1x512x2048xf32>
    %get3A_1138 = vector.shape_cast %get3A_1137 : vector<1x512x2048xf32> to vector<512x2048xf32>
    %dot_general3A_1139 = arith.constant dense<0.000000e+00> : vector<8x512xf32>
    %dot_general3A_1140 = tpu.matmul %get3A_1133, %get3A_1138, %dot_general3A_1139 {dimension_numbers = #tpu.dot_dimension_numbers<[1], [1], [0], [0], [0, 0, 1, 0], [], []>, transpose_lhs_hint = false} : vector<8x2048xf32>, vector<512x2048xf32>, vector<8x512xf32> -> vector<8x512xf32>
    %swap3A_1141 = arith.constant 0 : index
    %swap3A_1142 = arith.constant 9216 : index
    %swap3A_1143 = vector.load %arg2[%swap3A_1141, %swap3A_1142] : memref<8x16384xf32, #tpu.memory_space<vmem>>, vector<8x512xf32>
    tpu.vector_store %arg2[%swap3A_1141, %swap3A_1142], %dot_general3A_1140 {strides = array<i32>} : memref<8x16384xf32, #tpu.memory_space<vmem>>, vector<8x512xf32>,
    %dma_start3A_1144 = arith.constant 2 : i32
    %dma_start3A_1145 = arith.constant 2 : i32
    %dma_start3A_1146 = tpu.memref_slice %arg4[%dma_start3A_1145] : memref<4x!tpu.dma_semaphore, #tpu.memory_space<semaphore_mem>> -> memref<1x!tpu.dma_semaphore, #tpu.memory_space<semaphore_mem>>
    %dma_start3A_1147 = tpu.memref_squeeze %dma_start3A_1146 : memref<1x!tpu.dma_semaphore, #tpu.memory_space<semaphore_mem>> -> memref<!tpu.dma_semaphore, #tpu.memory_space<semaphore_mem>>
    %dma_start3A_1148 = arith.constant 0 : i32
    %dma_start3A_1149 = arith.constant 0 : i32
    %dma_start3A_1150 = tpu.memref_slice %arg3[%dma_start3A_1144, %dma_start3A_1148, %dma_start3A_1149] : memref<4x512x2048xf32, #tpu.memory_space<vmem>> -> memref<1x256x2048xf32, #tpu.memory_space<vmem>>
    %dma_start3A_1151 = tpu.memref_squeeze %dma_start3A_1150 : memref<1x256x2048xf32, #tpu.memory_space<vmem>> -> memref<256x2048xf32, #tpu.memory_space<vmem>>
    %dma_start3A_1152 = arith.constant 11264 : i32
    %dma_start3A_1153 = arith.constant 0 : i32
    %dma_start3A_1154 = tpu.memref_slice %arg0[%dma_start3A_1152, %dma_start3A_1153] : memref<16384x2048xf32, #tpu.memory_space<hbm>> -> memref<256x2048xf32, #tpu.memory_space<hbm>>
    tpu.enqueue_dma source(%dma_start3A_1154 : memref<256x2048xf32, #tpu.memory_space<hbm>>) target(%dma_start3A_1151 : memref<256x2048xf32, #tpu.memory_space<vmem>>) target_semaphore(%dma_start3A_1147 : memref<!tpu.dma_semaphore, #tpu.memory_space<semaphore_mem>>)
    %dma_start3A_1155 = arith.constant 2 : i32
    %dma_start3A_1156 = arith.constant 2 : i32
    %dma_start3A_1157 = tpu.memref_slice %arg5[%dma_start3A_1156] : memref<4x!tpu.dma_semaphore, #tpu.memory_space<semaphore_mem>> -> memref<1x!tpu.dma_semaphore, #tpu.memory_space<semaphore_mem>>
    %dma_start3A_1158 = tpu.memref_squeeze %dma_start3A_1157 : memref<1x!tpu.dma_semaphore, #tpu.memory_space<semaphore_mem>> -> memref<!tpu.dma_semaphore, #tpu.memory_space<semaphore_mem>>
    %dma_start3A_1159 = arith.constant 256 : i32
    %dma_start3A_1160 = arith.constant 0 : i32
    %dma_start3A_1161 = tpu.memref_slice %arg3[%dma_start3A_1155, %dma_start3A_1159, %dma_start3A_1160] : memref<4x512x2048xf32, #tpu.memory_space<vmem>> -> memref<1x256x2048xf32, #tpu.memory_space<vmem>>
    %dma_start3A_1162 = tpu.memref_squeeze %dma_start3A_1161 : memref<1x256x2048xf32, #tpu.memory_space<vmem>> -> memref<256x2048xf32, #tpu.memory_space<vmem>>
    %dma_start3A_1163 = arith.constant 11520 : i32
    %dma_start3A_1164 = arith.constant 0 : i32
    %dma_start3A_1165 = tpu.memref_slice %arg0[%dma_start3A_1163, %dma_start3A_1164] : memref<16384x2048xf32, #tpu.memory_space<hbm>> -> memref<256x2048xf32, #tpu.memory_space<hbm>>
    tpu.enqueue_dma source(%dma_start3A_1165 : memref<256x2048xf32, #tpu.memory_space<hbm>>) target(%dma_start3A_1162 : memref<256x2048xf32, #tpu.memory_space<vmem>>) target_semaphore(%dma_start3A_1158 : memref<!tpu.dma_semaphore, #tpu.memory_space<semaphore_mem>>)
    %dma_wait3A_1166 = arith.constant 3 : i32
    %dma_wait3A_1167 = arith.constant 3 : i32
    %dma_wait3A_1168 = tpu.memref_slice %arg4[%dma_wait3A_1167] : memref<4x!tpu.dma_semaphore, #tpu.memory_space<semaphore_mem>> -> memref<1x!tpu.dma_semaphore, #tpu.memory_space<semaphore_mem>>
    %dma_wait3A_1169 = tpu.memref_squeeze %dma_wait3A_1168 : memref<1x!tpu.dma_semaphore, #tpu.memory_space<semaphore_mem>> -> memref<!tpu.dma_semaphore, #tpu.memory_space<semaphore_mem>>
    %dma_wait3A_1170 = arith.constant 0 : i32
    %dma_wait3A_1171 = arith.constant 0 : i32
    %dma_wait3A_1172 = tpu.memref_slice %arg3[%dma_wait3A_1166, %dma_wait3A_1170, %dma_wait3A_1171] : memref<4x512x2048xf32, #tpu.memory_space<vmem>> -> memref<1x256x2048xf32, #tpu.memory_space<vmem>>
    %dma_wait3A_1173 = tpu.memref_squeeze %dma_wait3A_1172 : memref<1x256x2048xf32, #tpu.memory_space<vmem>> -> memref<256x2048xf32, #tpu.memory_space<vmem>>
    %dma_wait3A_1174 = arith.constant 9728 : i32
    %dma_wait3A_1175 = arith.constant 0 : i32
    %dma_wait3A_1176 = tpu.memref_slice %arg0[%dma_wait3A_1174, %dma_wait3A_1175] : memref<16384x2048xf32, #tpu.memory_space<hbm>> -> memref<256x2048xf32, #tpu.memory_space<hbm>>
    tpu.wait_dma2 semaphore(%dma_wait3A_1169 : memref<!tpu.dma_semaphore, #tpu.memory_space<semaphore_mem>>) src(%dma_wait3A_1176 : memref<256x2048xf32, #tpu.memory_space<hbm>>) dst(%dma_wait3A_1173 : memref<256x2048xf32, #tpu.memory_space<vmem>>)
    %dma_wait3A_1177 = arith.constant 3 : i32
    %dma_wait3A_1178 = arith.constant 3 : i32
    %dma_wait3A_1179 = tpu.memref_slice %arg5[%dma_wait3A_1178] : memref<4x!tpu.dma_semaphore, #tpu.memory_space<semaphore_mem>> -> memref<1x!tpu.dma_semaphore, #tpu.memory_space<semaphore_mem>>
    %dma_wait3A_1180 = tpu.memref_squeeze %dma_wait3A_1179 : memref<1x!tpu.dma_semaphore, #tpu.memory_space<semaphore_mem>> -> memref<!tpu.dma_semaphore, #tpu.memory_space<semaphore_mem>>
    %dma_wait3A_1181 = arith.constant 256 : i32
    %dma_wait3A_1182 = arith.constant 0 : i32
    %dma_wait3A_1183 = tpu.memref_slice %arg3[%dma_wait3A_1177, %dma_wait3A_1181, %dma_wait3A_1182] : memref<4x512x2048xf32, #tpu.memory_space<vmem>> -> memref<1x256x2048xf32, #tpu.memory_space<vmem>>
    %dma_wait3A_1184 = tpu.memref_squeeze %dma_wait3A_1183 : memref<1x256x2048xf32, #tpu.memory_space<vmem>> -> memref<256x2048xf32, #tpu.memory_space<vmem>>
    %dma_wait3A_1185 = arith.constant 9984 : i32
    %dma_wait3A_1186 = arith.constant 0 : i32
    %dma_wait3A_1187 = tpu.memref_slice %arg0[%dma_wait3A_1185, %dma_wait3A_1186] : memref<16384x2048xf32, #tpu.memory_space<hbm>> -> memref<256x2048xf32, #tpu.memory_space<hbm>>
    tpu.wait_dma2 semaphore(%dma_wait3A_1180 : memref<!tpu.dma_semaphore, #tpu.memory_space<semaphore_mem>>) src(%dma_wait3A_1187 : memref<256x2048xf32, #tpu.memory_space<hbm>>) dst(%dma_wait3A_1184 : memref<256x2048xf32, #tpu.memory_space<vmem>>)
    %get3A_1188 = arith.constant 0 : index
    %get3A_1189 = arith.constant 0 : index
    %get3A_1190 = vector.load %arg1[%get3A_1188, %get3A_1189] : memref<8x2048xf32, #tpu.memory_space<vmem>>, vector<8x2048xf32>
    %get3A_1191 = arith.constant 3 : index
    %get3A_1192 = arith.constant 0 : index
    %get3A_1193 = arith.constant 0 : index
    %get3A_1194 = vector.load %arg3[%get3A_1191, %get3A_1192, %get3A_1193] : memref<4x512x2048xf32, #tpu.memory_space<vmem>>, vector<1x512x2048xf32>
    %get3A_1195 = vector.shape_cast %get3A_1194 : vector<1x512x2048xf32> to vector<512x2048xf32>
    %dot_general3A_1196 = arith.constant dense<0.000000e+00> : vector<8x512xf32>
    %dot_general3A_1197 = tpu.matmul %get3A_1190, %get3A_1195, %dot_general3A_1196 {dimension_numbers = #tpu.dot_dimension_numbers<[1], [1], [0], [0], [0, 0, 1, 0], [], []>, transpose_lhs_hint = false} : vector<8x2048xf32>, vector<512x2048xf32>, vector<8x512xf32> -> vector<8x512xf32>
    %swap3A_1198 = arith.constant 0 : index
    %swap3A_1199 = arith.constant 9728 : index
    %swap3A_1200 = vector.load %arg2[%swap3A_1198, %swap3A_1199] : memref<8x16384xf32, #tpu.memory_space<vmem>>, vector<8x512xf32>
    tpu.vector_store %arg2[%swap3A_1198, %swap3A_1199], %dot_general3A_1197 {strides = array<i32>} : memref<8x16384xf32, #tpu.memory_space<vmem>>, vector<8x512xf32>,
    %dma_start3A_1201 = arith.constant 3 : i32
    %dma_start3A_1202 = arith.constant 3 : i32
    %dma_start3A_1203 = tpu.memref_slice %arg4[%dma_start3A_1202] : memref<4x!tpu.dma_semaphore, #tpu.memory_space<semaphore_mem>> -> memref<1x!tpu.dma_semaphore, #tpu.memory_space<semaphore_mem>>
    %dma_start3A_1204 = tpu.memref_squeeze %dma_start3A_1203 : memref<1x!tpu.dma_semaphore, #tpu.memory_space<semaphore_mem>> -> memref<!tpu.dma_semaphore, #tpu.memory_space<semaphore_mem>>
    %dma_start3A_1205 = arith.constant 0 : i32
    %dma_start3A_1206 = arith.constant 0 : i32
    %dma_start3A_1207 = tpu.memref_slice %arg3[%dma_start3A_1201, %dma_start3A_1205, %dma_start3A_1206] : memref<4x512x2048xf32, #tpu.memory_space<vmem>> -> memref<1x256x2048xf32, #tpu.memory_space<vmem>>
    %dma_start3A_1208 = tpu.memref_squeeze %dma_start3A_1207 : memref<1x256x2048xf32, #tpu.memory_space<vmem>> -> memref<256x2048xf32, #tpu.memory_space<vmem>>
    %dma_start3A_1209 = arith.constant 11776 : i32
    %dma_start3A_1210 = arith.constant 0 : i32
    %dma_start3A_1211 = tpu.memref_slice %arg0[%dma_start3A_1209, %dma_start3A_1210] : memref<16384x2048xf32, #tpu.memory_space<hbm>> -> memref<256x2048xf32, #tpu.memory_space<hbm>>
    tpu.enqueue_dma source(%dma_start3A_1211 : memref<256x2048xf32, #tpu.memory_space<hbm>>) target(%dma_start3A_1208 : memref<256x2048xf32, #tpu.memory_space<vmem>>) target_semaphore(%dma_start3A_1204 : memref<!tpu.dma_semaphore, #tpu.memory_space<semaphore_mem>>)
    %dma_start3A_1212 = arith.constant 3 : i32
    %dma_start3A_1213 = arith.constant 3 : i32
    %dma_start3A_1214 = tpu.memref_slice %arg5[%dma_start3A_1213] : memref<4x!tpu.dma_semaphore, #tpu.memory_space<semaphore_mem>> -> memref<1x!tpu.dma_semaphore, #tpu.memory_space<semaphore_mem>>
    %dma_start3A_1215 = tpu.memref_squeeze %dma_start3A_1214 : memref<1x!tpu.dma_semaphore, #tpu.memory_space<semaphore_mem>> -> memref<!tpu.dma_semaphore, #tpu.memory_space<semaphore_mem>>
    %dma_start3A_1216 = arith.constant 256 : i32
    %dma_start3A_1217 = arith.constant 0 : i32
    %dma_start3A_1218 = tpu.memref_slice %arg3[%dma_start3A_1212, %dma_start3A_1216, %dma_start3A_1217] : memref<4x512x2048xf32, #tpu.memory_space<vmem>> -> memref<1x256x2048xf32, #tpu.memory_space<vmem>>
    %dma_start3A_1219 = tpu.memref_squeeze %dma_start3A_1218 : memref<1x256x2048xf32, #tpu.memory_space<vmem>> -> memref<256x2048xf32, #tpu.memory_space<vmem>>
    %dma_start3A_1220 = arith.constant 12032 : i32
    %dma_start3A_1221 = arith.constant 0 : i32
    %dma_start3A_1222 = tpu.memref_slice %arg0[%dma_start3A_1220, %dma_start3A_1221] : memref<16384x2048xf32, #tpu.memory_space<hbm>> -> memref<256x2048xf32, #tpu.memory_space<hbm>>
    tpu.enqueue_dma source(%dma_start3A_1222 : memref<256x2048xf32, #tpu.memory_space<hbm>>) target(%dma_start3A_1219 : memref<256x2048xf32, #tpu.memory_space<vmem>>) target_semaphore(%dma_start3A_1215 : memref<!tpu.dma_semaphore, #tpu.memory_space<semaphore_mem>>)
    %dma_wait3A_1223 = arith.constant 0 : i32
    %dma_wait3A_1224 = arith.constant 0 : i32
    %dma_wait3A_1225 = tpu.memref_slice %arg4[%dma_wait3A_1224] : memref<4x!tpu.dma_semaphore, #tpu.memory_space<semaphore_mem>> -> memref<1x!tpu.dma_semaphore, #tpu.memory_space<semaphore_mem>>
    %dma_wait3A_1226 = tpu.memref_squeeze %dma_wait3A_1225 : memref<1x!tpu.dma_semaphore, #tpu.memory_space<semaphore_mem>> -> memref<!tpu.dma_semaphore, #tpu.memory_space<semaphore_mem>>
    %dma_wait3A_1227 = arith.constant 0 : i32
    %dma_wait3A_1228 = arith.constant 0 : i32
    %dma_wait3A_1229 = tpu.memref_slice %arg3[%dma_wait3A_1223, %dma_wait3A_1227, %dma_wait3A_1228] : memref<4x512x2048xf32, #tpu.memory_space<vmem>> -> memref<1x256x2048xf32, #tpu.memory_space<vmem>>
    %dma_wait3A_1230 = tpu.memref_squeeze %dma_wait3A_1229 : memref<1x256x2048xf32, #tpu.memory_space<vmem>> -> memref<256x2048xf32, #tpu.memory_space<vmem>>
    %dma_wait3A_1231 = arith.constant 10240 : i32
    %dma_wait3A_1232 = arith.constant 0 : i32
    %dma_wait3A_1233 = tpu.memref_slice %arg0[%dma_wait3A_1231, %dma_wait3A_1232] : memref<16384x2048xf32, #tpu.memory_space<hbm>> -> memref<256x2048xf32, #tpu.memory_space<hbm>>
    tpu.wait_dma2 semaphore(%dma_wait3A_1226 : memref<!tpu.dma_semaphore, #tpu.memory_space<semaphore_mem>>) src(%dma_wait3A_1233 : memref<256x2048xf32, #tpu.memory_space<hbm>>) dst(%dma_wait3A_1230 : memref<256x2048xf32, #tpu.memory_space<vmem>>)
    %dma_wait3A_1234 = arith.constant 0 : i32
    %dma_wait3A_1235 = arith.constant 0 : i32
    %dma_wait3A_1236 = tpu.memref_slice %arg5[%dma_wait3A_1235] : memref<4x!tpu.dma_semaphore, #tpu.memory_space<semaphore_mem>> -> memref<1x!tpu.dma_semaphore, #tpu.memory_space<semaphore_mem>>
    %dma_wait3A_1237 = tpu.memref_squeeze %dma_wait3A_1236 : memref<1x!tpu.dma_semaphore, #tpu.memory_space<semaphore_mem>> -> memref<!tpu.dma_semaphore, #tpu.memory_space<semaphore_mem>>
    %dma_wait3A_1238 = arith.constant 256 : i32
    %dma_wait3A_1239 = arith.constant 0 : i32
    %dma_wait3A_1240 = tpu.memref_slice %arg3[%dma_wait3A_1234, %dma_wait3A_1238, %dma_wait3A_1239] : memref<4x512x2048xf32, #tpu.memory_space<vmem>> -> memref<1x256x2048xf32, #tpu.memory_space<vmem>>
    %dma_wait3A_1241 = tpu.memref_squeeze %dma_wait3A_1240 : memref<1x256x2048xf32, #tpu.memory_space<vmem>> -> memref<256x2048xf32, #tpu.memory_space<vmem>>
    %dma_wait3A_1242 = arith.constant 10496 : i32
    %dma_wait3A_1243 = arith.constant 0 : i32
    %dma_wait3A_1244 = tpu.memref_slice %arg0[%dma_wait3A_1242, %dma_wait3A_1243] : memref<16384x2048xf32, #tpu.memory_space<hbm>> -> memref<256x2048xf32, #tpu.memory_space<hbm>>
    tpu.wait_dma2 semaphore(%dma_wait3A_1237 : memref<!tpu.dma_semaphore, #tpu.memory_space<semaphore_mem>>) src(%dma_wait3A_1244 : memref<256x2048xf32, #tpu.memory_space<hbm>>) dst(%dma_wait3A_1241 : memref<256x2048xf32, #tpu.memory_space<vmem>>)
    %get3A_1245 = arith.constant 0 : index
    %get3A_1246 = arith.constant 0 : index
    %get3A_1247 = vector.load %arg1[%get3A_1245, %get3A_1246] : memref<8x2048xf32, #tpu.memory_space<vmem>>, vector<8x2048xf32>
    %get3A_1248 = arith.constant 0 : index
    %get3A_1249 = arith.constant 0 : index
    %get3A_1250 = arith.constant 0 : index
    %get3A_1251 = vector.load %arg3[%get3A_1248, %get3A_1249, %get3A_1250] : memref<4x512x2048xf32, #tpu.memory_space<vmem>>, vector<1x512x2048xf32>
    %get3A_1252 = vector.shape_cast %get3A_1251 : vector<1x512x2048xf32> to vector<512x2048xf32>
    %dot_general3A_1253 = arith.constant dense<0.000000e+00> : vector<8x512xf32>
    %dot_general3A_1254 = tpu.matmul %get3A_1247, %get3A_1252, %dot_general3A_1253 {dimension_numbers = #tpu.dot_dimension_numbers<[1], [1], [0], [0], [0, 0, 1, 0], [], []>, transpose_lhs_hint = false} : vector<8x2048xf32>, vector<512x2048xf32>, vector<8x512xf32> -> vector<8x512xf32>
    %swap3A_1255 = arith.constant 0 : index
    %swap3A_1256 = arith.constant 10240 : index
    %swap3A_1257 = vector.load %arg2[%swap3A_1255, %swap3A_1256] : memref<8x16384xf32, #tpu.memory_space<vmem>>, vector<8x512xf32>
    tpu.vector_store %arg2[%swap3A_1255, %swap3A_1256], %dot_general3A_1254 {strides = array<i32>} : memref<8x16384xf32, #tpu.memory_space<vmem>>, vector<8x512xf32>,
    %dma_start3A_1258 = arith.constant 0 : i32
    %dma_start3A_1259 = arith.constant 0 : i32
    %dma_start3A_1260 = tpu.memref_slice %arg4[%dma_start3A_1259] : memref<4x!tpu.dma_semaphore, #tpu.memory_space<semaphore_mem>> -> memref<1x!tpu.dma_semaphore, #tpu.memory_space<semaphore_mem>>
    %dma_start3A_1261 = tpu.memref_squeeze %dma_start3A_1260 : memref<1x!tpu.dma_semaphore, #tpu.memory_space<semaphore_mem>> -> memref<!tpu.dma_semaphore, #tpu.memory_space<semaphore_mem>>
    %dma_start3A_1262 = arith.constant 0 : i32
    %dma_start3A_1263 = arith.constant 0 : i32
    %dma_start3A_1264 = tpu.memref_slice %arg3[%dma_start3A_1258, %dma_start3A_1262, %dma_start3A_1263] : memref<4x512x2048xf32, #tpu.memory_space<vmem>> -> memref<1x256x2048xf32, #tpu.memory_space<vmem>>
    %dma_start3A_1265 = tpu.memref_squeeze %dma_start3A_1264 : memref<1x256x2048xf32, #tpu.memory_space<vmem>> -> memref<256x2048xf32, #tpu.memory_space<vmem>>
    %dma_start3A_1266 = arith.constant 12288 : i32
    %dma_start3A_1267 = arith.constant 0 : i32
    %dma_start3A_1268 = tpu.memref_slice %arg0[%dma_start3A_1266, %dma_start3A_1267] : memref<16384x2048xf32, #tpu.memory_space<hbm>> -> memref<256x2048xf32, #tpu.memory_space<hbm>>
    tpu.enqueue_dma source(%dma_start3A_1268 : memref<256x2048xf32, #tpu.memory_space<hbm>>) target(%dma_start3A_1265 : memref<256x2048xf32, #tpu.memory_space<vmem>>) target_semaphore(%dma_start3A_1261 : memref<!tpu.dma_semaphore, #tpu.memory_space<semaphore_mem>>)
    %dma_start3A_1269 = arith.constant 0 : i32
    %dma_start3A_1270 = arith.constant 0 : i32
    %dma_start3A_1271 = tpu.memref_slice %arg5[%dma_start3A_1270] : memref<4x!tpu.dma_semaphore, #tpu.memory_space<semaphore_mem>> -> memref<1x!tpu.dma_semaphore, #tpu.memory_space<semaphore_mem>>
    %dma_start3A_1272 = tpu.memref_squeeze %dma_start3A_1271 : memref<1x!tpu.dma_semaphore, #tpu.memory_space<semaphore_mem>> -> memref<!tpu.dma_semaphore, #tpu.memory_space<semaphore_mem>>
    %dma_start3A_1273 = arith.constant 256 : i32
    %dma_start3A_1274 = arith.constant 0 : i32
    %dma_start3A_1275 = tpu.memref_slice %arg3[%dma_start3A_1269, %dma_start3A_1273, %dma_start3A_1274] : memref<4x512x2048xf32, #tpu.memory_space<vmem>> -> memref<1x256x2048xf32, #tpu.memory_space<vmem>>
    %dma_start3A_1276 = tpu.memref_squeeze %dma_start3A_1275 : memref<1x256x2048xf32, #tpu.memory_space<vmem>> -> memref<256x2048xf32, #tpu.memory_space<vmem>>
    %dma_start3A_1277 = arith.constant 12544 : i32
    %dma_start3A_1278 = arith.constant 0 : i32
    %dma_start3A_1279 = tpu.memref_slice %arg0[%dma_start3A_1277, %dma_start3A_1278] : memref<16384x2048xf32, #tpu.memory_space<hbm>> -> memref<256x2048xf32, #tpu.memory_space<hbm>>
    tpu.enqueue_dma source(%dma_start3A_1279 : memref<256x2048xf32, #tpu.memory_space<hbm>>) target(%dma_start3A_1276 : memref<256x2048xf32, #tpu.memory_space<vmem>>) target_semaphore(%dma_start3A_1272 : memref<!tpu.dma_semaphore, #tpu.memory_space<semaphore_mem>>)
    %dma_wait3A_1280 = arith.constant 1 : i32
    %dma_wait3A_1281 = arith.constant 1 : i32
    %dma_wait3A_1282 = tpu.memref_slice %arg4[%dma_wait3A_1281] : memref<4x!tpu.dma_semaphore, #tpu.memory_space<semaphore_mem>> -> memref<1x!tpu.dma_semaphore, #tpu.memory_space<semaphore_mem>>
    %dma_wait3A_1283 = tpu.memref_squeeze %dma_wait3A_1282 : memref<1x!tpu.dma_semaphore, #tpu.memory_space<semaphore_mem>> -> memref<!tpu.dma_semaphore, #tpu.memory_space<semaphore_mem>>
    %dma_wait3A_1284 = arith.constant 0 : i32
    %dma_wait3A_1285 = arith.constant 0 : i32
    %dma_wait3A_1286 = tpu.memref_slice %arg3[%dma_wait3A_1280, %dma_wait3A_1284, %dma_wait3A_1285] : memref<4x512x2048xf32, #tpu.memory_space<vmem>> -> memref<1x256x2048xf32, #tpu.memory_space<vmem>>
    %dma_wait3A_1287 = tpu.memref_squeeze %dma_wait3A_1286 : memref<1x256x2048xf32, #tpu.memory_space<vmem>> -> memref<256x2048xf32, #tpu.memory_space<vmem>>
    %dma_wait3A_1288 = arith.constant 10752 : i32
    %dma_wait3A_1289 = arith.constant 0 : i32
    %dma_wait3A_1290 = tpu.memref_slice %arg0[%dma_wait3A_1288, %dma_wait3A_1289] : memref<16384x2048xf32, #tpu.memory_space<hbm>> -> memref<256x2048xf32, #tpu.memory_space<hbm>>
    tpu.wait_dma2 semaphore(%dma_wait3A_1283 : memref<!tpu.dma_semaphore, #tpu.memory_space<semaphore_mem>>) src(%dma_wait3A_1290 : memref<256x2048xf32, #tpu.memory_space<hbm>>) dst(%dma_wait3A_1287 : memref<256x2048xf32, #tpu.memory_space<vmem>>)
    %dma_wait3A_1291 = arith.constant 1 : i32
    %dma_wait3A_1292 = arith.constant 1 : i32
    %dma_wait3A_1293 = tpu.memref_slice %arg5[%dma_wait3A_1292] : memref<4x!tpu.dma_semaphore, #tpu.memory_space<semaphore_mem>> -> memref<1x!tpu.dma_semaphore, #tpu.memory_space<semaphore_mem>>
    %dma_wait3A_1294 = tpu.memref_squeeze %dma_wait3A_1293 : memref<1x!tpu.dma_semaphore, #tpu.memory_space<semaphore_mem>> -> memref<!tpu.dma_semaphore, #tpu.memory_space<semaphore_mem>>
    %dma_wait3A_1295 = arith.constant 256 : i32
    %dma_wait3A_1296 = arith.constant 0 : i32
    %dma_wait3A_1297 = tpu.memref_slice %arg3[%dma_wait3A_1291, %dma_wait3A_1295, %dma_wait3A_1296] : memref<4x512x2048xf32, #tpu.memory_space<vmem>> -> memref<1x256x2048xf32, #tpu.memory_space<vmem>>
    %dma_wait3A_1298 = tpu.memref_squeeze %dma_wait3A_1297 : memref<1x256x2048xf32, #tpu.memory_space<vmem>> -> memref<256x2048xf32, #tpu.memory_space<vmem>>
    %dma_wait3A_1299 = arith.constant 11008 : i32
    %dma_wait3A_1300 = arith.constant 0 : i32
    %dma_wait3A_1301 = tpu.memref_slice %arg0[%dma_wait3A_1299, %dma_wait3A_1300] : memref<16384x2048xf32, #tpu.memory_space<hbm>> -> memref<256x2048xf32, #tpu.memory_space<hbm>>
    tpu.wait_dma2 semaphore(%dma_wait3A_1294 : memref<!tpu.dma_semaphore, #tpu.memory_space<semaphore_mem>>) src(%dma_wait3A_1301 : memref<256x2048xf32, #tpu.memory_space<hbm>>) dst(%dma_wait3A_1298 : memref<256x2048xf32, #tpu.memory_space<vmem>>)
    %get3A_1302 = arith.constant 0 : index
    %get3A_1303 = arith.constant 0 : index
    %get3A_1304 = vector.load %arg1[%get3A_1302, %get3A_1303] : memref<8x2048xf32, #tpu.memory_space<vmem>>, vector<8x2048xf32>
    %get3A_1305 = arith.constant 1 : index
    %get3A_1306 = arith.constant 0 : index
    %get3A_1307 = arith.constant 0 : index
    %get3A_1308 = vector.load %arg3[%get3A_1305, %get3A_1306, %get3A_1307] : memref<4x512x2048xf32, #tpu.memory_space<vmem>>, vector<1x512x2048xf32>
    %get3A_1309 = vector.shape_cast %get3A_1308 : vector<1x512x2048xf32> to vector<512x2048xf32>
    %dot_general3A_1310 = arith.constant dense<0.000000e+00> : vector<8x512xf32>
    %dot_general3A_1311 = tpu.matmul %get3A_1304, %get3A_1309, %dot_general3A_1310 {dimension_numbers = #tpu.dot_dimension_numbers<[1], [1], [0], [0], [0, 0, 1, 0], [], []>, transpose_lhs_hint = false} : vector<8x2048xf32>, vector<512x2048xf32>, vector<8x512xf32> -> vector<8x512xf32>
    %swap3A_1312 = arith.constant 0 : index
    %swap3A_1313 = arith.constant 10752 : index
    %swap3A_1314 = vector.load %arg2[%swap3A_1312, %swap3A_1313] : memref<8x16384xf32, #tpu.memory_space<vmem>>, vector<8x512xf32>
    tpu.vector_store %arg2[%swap3A_1312, %swap3A_1313], %dot_general3A_1311 {strides = array<i32>} : memref<8x16384xf32, #tpu.memory_space<vmem>>, vector<8x512xf32>,
    %dma_start3A_1315 = arith.constant 1 : i32
    %dma_start3A_1316 = arith.constant 1 : i32
    %dma_start3A_1317 = tpu.memref_slice %arg4[%dma_start3A_1316] : memref<4x!tpu.dma_semaphore, #tpu.memory_space<semaphore_mem>> -> memref<1x!tpu.dma_semaphore, #tpu.memory_space<semaphore_mem>>
    %dma_start3A_1318 = tpu.memref_squeeze %dma_start3A_1317 : memref<1x!tpu.dma_semaphore, #tpu.memory_space<semaphore_mem>> -> memref<!tpu.dma_semaphore, #tpu.memory_space<semaphore_mem>>
    %dma_start3A_1319 = arith.constant 0 : i32
    %dma_start3A_1320 = arith.constant 0 : i32
    %dma_start3A_1321 = tpu.memref_slice %arg3[%dma_start3A_1315, %dma_start3A_1319, %dma_start3A_1320] : memref<4x512x2048xf32, #tpu.memory_space<vmem>> -> memref<1x256x2048xf32, #tpu.memory_space<vmem>>
    %dma_start3A_1322 = tpu.memref_squeeze %dma_start3A_1321 : memref<1x256x2048xf32, #tpu.memory_space<vmem>> -> memref<256x2048xf32, #tpu.memory_space<vmem>>
    %dma_start3A_1323 = arith.constant 12800 : i32
    %dma_start3A_1324 = arith.constant 0 : i32
    %dma_start3A_1325 = tpu.memref_slice %arg0[%dma_start3A_1323, %dma_start3A_1324] : memref<16384x2048xf32, #tpu.memory_space<hbm>> -> memref<256x2048xf32, #tpu.memory_space<hbm>>
    tpu.enqueue_dma source(%dma_start3A_1325 : memref<256x2048xf32, #tpu.memory_space<hbm>>) target(%dma_start3A_1322 : memref<256x2048xf32, #tpu.memory_space<vmem>>) target_semaphore(%dma_start3A_1318 : memref<!tpu.dma_semaphore, #tpu.memory_space<semaphore_mem>>)
    %dma_start3A_1326 = arith.constant 1 : i32
    %dma_start3A_1327 = arith.constant 1 : i32
    %dma_start3A_1328 = tpu.memref_slice %arg5[%dma_start3A_1327] : memref<4x!tpu.dma_semaphore, #tpu.memory_space<semaphore_mem>> -> memref<1x!tpu.dma_semaphore, #tpu.memory_space<semaphore_mem>>
    %dma_start3A_1329 = tpu.memref_squeeze %dma_start3A_1328 : memref<1x!tpu.dma_semaphore, #tpu.memory_space<semaphore_mem>> -> memref<!tpu.dma_semaphore, #tpu.memory_space<semaphore_mem>>
    %dma_start3A_1330 = arith.constant 256 : i32
    %dma_start3A_1331 = arith.constant 0 : i32
    %dma_start3A_1332 = tpu.memref_slice %arg3[%dma_start3A_1326, %dma_start3A_1330, %dma_start3A_1331] : memref<4x512x2048xf32, #tpu.memory_space<vmem>> -> memref<1x256x2048xf32, #tpu.memory_space<vmem>>
    %dma_start3A_1333 = tpu.memref_squeeze %dma_start3A_1332 : memref<1x256x2048xf32, #tpu.memory_space<vmem>> -> memref<256x2048xf32, #tpu.memory_space<vmem>>
    %dma_start3A_1334 = arith.constant 13056 : i32
    %dma_start3A_1335 = arith.constant 0 : i32
    %dma_start3A_1336 = tpu.memref_slice %arg0[%dma_start3A_1334, %dma_start3A_1335] : memref<16384x2048xf32, #tpu.memory_space<hbm>> -> memref<256x2048xf32, #tpu.memory_space<hbm>>
    tpu.enqueue_dma source(%dma_start3A_1336 : memref<256x2048xf32, #tpu.memory_space<hbm>>) target(%dma_start3A_1333 : memref<256x2048xf32, #tpu.memory_space<vmem>>) target_semaphore(%dma_start3A_1329 : memref<!tpu.dma_semaphore, #tpu.memory_space<semaphore_mem>>)
    %dma_wait3A_1337 = arith.constant 2 : i32
    %dma_wait3A_1338 = arith.constant 2 : i32
    %dma_wait3A_1339 = tpu.memref_slice %arg4[%dma_wait3A_1338] : memref<4x!tpu.dma_semaphore, #tpu.memory_space<semaphore_mem>> -> memref<1x!tpu.dma_semaphore, #tpu.memory_space<semaphore_mem>>
    %dma_wait3A_1340 = tpu.memref_squeeze %dma_wait3A_1339 : memref<1x!tpu.dma_semaphore, #tpu.memory_space<semaphore_mem>> -> memref<!tpu.dma_semaphore, #tpu.memory_space<semaphore_mem>>
    %dma_wait3A_1341 = arith.constant 0 : i32
    %dma_wait3A_1342 = arith.constant 0 : i32
    %dma_wait3A_1343 = tpu.memref_slice %arg3[%dma_wait3A_1337, %dma_wait3A_1341, %dma_wait3A_1342] : memref<4x512x2048xf32, #tpu.memory_space<vmem>> -> memref<1x256x2048xf32, #tpu.memory_space<vmem>>
    %dma_wait3A_1344 = tpu.memref_squeeze %dma_wait3A_1343 : memref<1x256x2048xf32, #tpu.memory_space<vmem>> -> memref<256x2048xf32, #tpu.memory_space<vmem>>
    %dma_wait3A_1345 = arith.constant 11264 : i32
    %dma_wait3A_1346 = arith.constant 0 : i32
    %dma_wait3A_1347 = tpu.memref_slice %arg0[%dma_wait3A_1345, %dma_wait3A_1346] : memref<16384x2048xf32, #tpu.memory_space<hbm>> -> memref<256x2048xf32, #tpu.memory_space<hbm>>
    tpu.wait_dma2 semaphore(%dma_wait3A_1340 : memref<!tpu.dma_semaphore, #tpu.memory_space<semaphore_mem>>) src(%dma_wait3A_1347 : memref<256x2048xf32, #tpu.memory_space<hbm>>) dst(%dma_wait3A_1344 : memref<256x2048xf32, #tpu.memory_space<vmem>>)
    %dma_wait3A_1348 = arith.constant 2 : i32
    %dma_wait3A_1349 = arith.constant 2 : i32
    %dma_wait3A_1350 = tpu.memref_slice %arg5[%dma_wait3A_1349] : memref<4x!tpu.dma_semaphore, #tpu.memory_space<semaphore_mem>> -> memref<1x!tpu.dma_semaphore, #tpu.memory_space<semaphore_mem>>
    %dma_wait3A_1351 = tpu.memref_squeeze %dma_wait3A_1350 : memref<1x!tpu.dma_semaphore, #tpu.memory_space<semaphore_mem>> -> memref<!tpu.dma_semaphore, #tpu.memory_space<semaphore_mem>>
    %dma_wait3A_1352 = arith.constant 256 : i32
    %dma_wait3A_1353 = arith.constant 0 : i32
    %dma_wait3A_1354 = tpu.memref_slice %arg3[%dma_wait3A_1348, %dma_wait3A_1352, %dma_wait3A_1353] : memref<4x512x2048xf32, #tpu.memory_space<vmem>> -> memref<1x256x2048xf32, #tpu.memory_space<vmem>>
    %dma_wait3A_1355 = tpu.memref_squeeze %dma_wait3A_1354 : memref<1x256x2048xf32, #tpu.memory_space<vmem>> -> memref<256x2048xf32, #tpu.memory_space<vmem>>
    %dma_wait3A_1356 = arith.constant 11520 : i32
    %dma_wait3A_1357 = arith.constant 0 : i32
    %dma_wait3A_1358 = tpu.memref_slice %arg0[%dma_wait3A_1356, %dma_wait3A_1357] : memref<16384x2048xf32, #tpu.memory_space<hbm>> -> memref<256x2048xf32, #tpu.memory_space<hbm>>
    tpu.wait_dma2 semaphore(%dma_wait3A_1351 : memref<!tpu.dma_semaphore, #tpu.memory_space<semaphore_mem>>) src(%dma_wait3A_1358 : memref<256x2048xf32, #tpu.memory_space<hbm>>) dst(%dma_wait3A_1355 : memref<256x2048xf32, #tpu.memory_space<vmem>>)
    %get3A_1359 = arith.constant 0 : index
    %get3A_1360 = arith.constant 0 : index
    %get3A_1361 = vector.load %arg1[%get3A_1359, %get3A_1360] : memref<8x2048xf32, #tpu.memory_space<vmem>>, vector<8x2048xf32>
    %get3A_1362 = arith.constant 2 : index
    %get3A_1363 = arith.constant 0 : index
    %get3A_1364 = arith.constant 0 : index
    %get3A_1365 = vector.load %arg3[%get3A_1362, %get3A_1363, %get3A_1364] : memref<4x512x2048xf32, #tpu.memory_space<vmem>>, vector<1x512x2048xf32>
    %get3A_1366 = vector.shape_cast %get3A_1365 : vector<1x512x2048xf32> to vector<512x2048xf32>
    %dot_general3A_1367 = arith.constant dense<0.000000e+00> : vector<8x512xf32>
    %dot_general3A_1368 = tpu.matmul %get3A_1361, %get3A_1366, %dot_general3A_1367 {dimension_numbers = #tpu.dot_dimension_numbers<[1], [1], [0], [0], [0, 0, 1, 0], [], []>, transpose_lhs_hint = false} : vector<8x2048xf32>, vector<512x2048xf32>, vector<8x512xf32> -> vector<8x512xf32>
    %swap3A_1369 = arith.constant 0 : index
    %swap3A_1370 = arith.constant 11264 : index
    %swap3A_1371 = vector.load %arg2[%swap3A_1369, %swap3A_1370] : memref<8x16384xf32, #tpu.memory_space<vmem>>, vector<8x512xf32>
    tpu.vector_store %arg2[%swap3A_1369, %swap3A_1370], %dot_general3A_1368 {strides = array<i32>} : memref<8x16384xf32, #tpu.memory_space<vmem>>, vector<8x512xf32>,
    %dma_start3A_1372 = arith.constant 2 : i32
    %dma_start3A_1373 = arith.constant 2 : i32
    %dma_start3A_1374 = tpu.memref_slice %arg4[%dma_start3A_1373] : memref<4x!tpu.dma_semaphore, #tpu.memory_space<semaphore_mem>> -> memref<1x!tpu.dma_semaphore, #tpu.memory_space<semaphore_mem>>
    %dma_start3A_1375 = tpu.memref_squeeze %dma_start3A_1374 : memref<1x!tpu.dma_semaphore, #tpu.memory_space<semaphore_mem>> -> memref<!tpu.dma_semaphore, #tpu.memory_space<semaphore_mem>>
    %dma_start3A_1376 = arith.constant 0 : i32
    %dma_start3A_1377 = arith.constant 0 : i32
    %dma_start3A_1378 = tpu.memref_slice %arg3[%dma_start3A_1372, %dma_start3A_1376, %dma_start3A_1377] : memref<4x512x2048xf32, #tpu.memory_space<vmem>> -> memref<1x256x2048xf32, #tpu.memory_space<vmem>>
    %dma_start3A_1379 = tpu.memref_squeeze %dma_start3A_1378 : memref<1x256x2048xf32, #tpu.memory_space<vmem>> -> memref<256x2048xf32, #tpu.memory_space<vmem>>
    %dma_start3A_1380 = arith.constant 13312 : i32
    %dma_start3A_1381 = arith.constant 0 : i32
    %dma_start3A_1382 = tpu.memref_slice %arg0[%dma_start3A_1380, %dma_start3A_1381] : memref<16384x2048xf32, #tpu.memory_space<hbm>> -> memref<256x2048xf32, #tpu.memory_space<hbm>>
    tpu.enqueue_dma source(%dma_start3A_1382 : memref<256x2048xf32, #tpu.memory_space<hbm>>) target(%dma_start3A_1379 : memref<256x2048xf32, #tpu.memory_space<vmem>>) target_semaphore(%dma_start3A_1375 : memref<!tpu.dma_semaphore, #tpu.memory_space<semaphore_mem>>)
    %dma_start3A_1383 = arith.constant 2 : i32
    %dma_start3A_1384 = arith.constant 2 : i32
    %dma_start3A_1385 = tpu.memref_slice %arg5[%dma_start3A_1384] : memref<4x!tpu.dma_semaphore, #tpu.memory_space<semaphore_mem>> -> memref<1x!tpu.dma_semaphore, #tpu.memory_space<semaphore_mem>>
    %dma_start3A_1386 = tpu.memref_squeeze %dma_start3A_1385 : memref<1x!tpu.dma_semaphore, #tpu.memory_space<semaphore_mem>> -> memref<!tpu.dma_semaphore, #tpu.memory_space<semaphore_mem>>
    %dma_start3A_1387 = arith.constant 256 : i32
    %dma_start3A_1388 = arith.constant 0 : i32
    %dma_start3A_1389 = tpu.memref_slice %arg3[%dma_start3A_1383, %dma_start3A_1387, %dma_start3A_1388] : memref<4x512x2048xf32, #tpu.memory_space<vmem>> -> memref<1x256x2048xf32, #tpu.memory_space<vmem>>
    %dma_start3A_1390 = tpu.memref_squeeze %dma_start3A_1389 : memref<1x256x2048xf32, #tpu.memory_space<vmem>> -> memref<256x2048xf32, #tpu.memory_space<vmem>>
    %dma_start3A_1391 = arith.constant 13568 : i32
    %dma_start3A_1392 = arith.constant 0 : i32
    %dma_start3A_1393 = tpu.memref_slice %arg0[%dma_start3A_1391, %dma_start3A_1392] : memref<16384x2048xf32, #tpu.memory_space<hbm>> -> memref<256x2048xf32, #tpu.memory_space<hbm>>
    tpu.enqueue_dma source(%dma_start3A_1393 : memref<256x2048xf32, #tpu.memory_space<hbm>>) target(%dma_start3A_1390 : memref<256x2048xf32, #tpu.memory_space<vmem>>) target_semaphore(%dma_start3A_1386 : memref<!tpu.dma_semaphore, #tpu.memory_space<semaphore_mem>>)
    %dma_wait3A_1394 = arith.constant 3 : i32
    %dma_wait3A_1395 = arith.constant 3 : i32
    %dma_wait3A_1396 = tpu.memref_slice %arg4[%dma_wait3A_1395] : memref<4x!tpu.dma_semaphore, #tpu.memory_space<semaphore_mem>> -> memref<1x!tpu.dma_semaphore, #tpu.memory_space<semaphore_mem>>
    %dma_wait3A_1397 = tpu.memref_squeeze %dma_wait3A_1396 : memref<1x!tpu.dma_semaphore, #tpu.memory_space<semaphore_mem>> -> memref<!tpu.dma_semaphore, #tpu.memory_space<semaphore_mem>>
    %dma_wait3A_1398 = arith.constant 0 : i32
    %dma_wait3A_1399 = arith.constant 0 : i32
    %dma_wait3A_1400 = tpu.memref_slice %arg3[%dma_wait3A_1394, %dma_wait3A_1398, %dma_wait3A_1399] : memref<4x512x2048xf32, #tpu.memory_space<vmem>> -> memref<1x256x2048xf32, #tpu.memory_space<vmem>>
    %dma_wait3A_1401 = tpu.memref_squeeze %dma_wait3A_1400 : memref<1x256x2048xf32, #tpu.memory_space<vmem>> -> memref<256x2048xf32, #tpu.memory_space<vmem>>
    %dma_wait3A_1402 = arith.constant 11776 : i32
    %dma_wait3A_1403 = arith.constant 0 : i32
    %dma_wait3A_1404 = tpu.memref_slice %arg0[%dma_wait3A_1402, %dma_wait3A_1403] : memref<16384x2048xf32, #tpu.memory_space<hbm>> -> memref<256x2048xf32, #tpu.memory_space<hbm>>
    tpu.wait_dma2 semaphore(%dma_wait3A_1397 : memref<!tpu.dma_semaphore, #tpu.memory_space<semaphore_mem>>) src(%dma_wait3A_1404 : memref<256x2048xf32, #tpu.memory_space<hbm>>) dst(%dma_wait3A_1401 : memref<256x2048xf32, #tpu.memory_space<vmem>>)
    %dma_wait3A_1405 = arith.constant 3 : i32
    %dma_wait3A_1406 = arith.constant 3 : i32
    %dma_wait3A_1407 = tpu.memref_slice %arg5[%dma_wait3A_1406] : memref<4x!tpu.dma_semaphore, #tpu.memory_space<semaphore_mem>> -> memref<1x!tpu.dma_semaphore, #tpu.memory_space<semaphore_mem>>
    %dma_wait3A_1408 = tpu.memref_squeeze %dma_wait3A_1407 : memref<1x!tpu.dma_semaphore, #tpu.memory_space<semaphore_mem>> -> memref<!tpu.dma_semaphore, #tpu.memory_space<semaphore_mem>>
    %dma_wait3A_1409 = arith.constant 256 : i32
    %dma_wait3A_1410 = arith.constant 0 : i32
    %dma_wait3A_1411 = tpu.memref_slice %arg3[%dma_wait3A_1405, %dma_wait3A_1409, %dma_wait3A_1410] : memref<4x512x2048xf32, #tpu.memory_space<vmem>> -> memref<1x256x2048xf32, #tpu.memory_space<vmem>>
    %dma_wait3A_1412 = tpu.memref_squeeze %dma_wait3A_1411 : memref<1x256x2048xf32, #tpu.memory_space<vmem>> -> memref<256x2048xf32, #tpu.memory_space<vmem>>
    %dma_wait3A_1413 = arith.constant 12032 : i32
    %dma_wait3A_1414 = arith.constant 0 : i32
    %dma_wait3A_1415 = tpu.memref_slice %arg0[%dma_wait3A_1413, %dma_wait3A_1414] : memref<16384x2048xf32, #tpu.memory_space<hbm>> -> memref<256x2048xf32, #tpu.memory_space<hbm>>
    tpu.wait_dma2 semaphore(%dma_wait3A_1408 : memref<!tpu.dma_semaphore, #tpu.memory_space<semaphore_mem>>) src(%dma_wait3A_1415 : memref<256x2048xf32, #tpu.memory_space<hbm>>) dst(%dma_wait3A_1412 : memref<256x2048xf32, #tpu.memory_space<vmem>>)
    %get3A_1416 = arith.constant 0 : index
    %get3A_1417 = arith.constant 0 : index
    %get3A_1418 = vector.load %arg1[%get3A_1416, %get3A_1417] : memref<8x2048xf32, #tpu.memory_space<vmem>>, vector<8x2048xf32>
    %get3A_1419 = arith.constant 3 : index
    %get3A_1420 = arith.constant 0 : index
    %get3A_1421 = arith.constant 0 : index
    %get3A_1422 = vector.load %arg3[%get3A_1419, %get3A_1420, %get3A_1421] : memref<4x512x2048xf32, #tpu.memory_space<vmem>>, vector<1x512x2048xf32>
    %get3A_1423 = vector.shape_cast %get3A_1422 : vector<1x512x2048xf32> to vector<512x2048xf32>
    %dot_general3A_1424 = arith.constant dense<0.000000e+00> : vector<8x512xf32>
    %dot_general3A_1425 = tpu.matmul %get3A_1418, %get3A_1423, %dot_general3A_1424 {dimension_numbers = #tpu.dot_dimension_numbers<[1], [1], [0], [0], [0, 0, 1, 0], [], []>, transpose_lhs_hint = false} : vector<8x2048xf32>, vector<512x2048xf32>, vector<8x512xf32> -> vector<8x512xf32>
    %swap3A_1426 = arith.constant 0 : index
    %swap3A_1427 = arith.constant 11776 : index
    %swap3A_1428 = vector.load %arg2[%swap3A_1426, %swap3A_1427] : memref<8x16384xf32, #tpu.memory_space<vmem>>, vector<8x512xf32>
    tpu.vector_store %arg2[%swap3A_1426, %swap3A_1427], %dot_general3A_1425 {strides = array<i32>} : memref<8x16384xf32, #tpu.memory_space<vmem>>, vector<8x512xf32>,
    %dma_start3A_1429 = arith.constant 3 : i32
    %dma_start3A_1430 = arith.constant 3 : i32
    %dma_start3A_1431 = tpu.memref_slice %arg4[%dma_start3A_1430] : memref<4x!tpu.dma_semaphore, #tpu.memory_space<semaphore_mem>> -> memref<1x!tpu.dma_semaphore, #tpu.memory_space<semaphore_mem>>
    %dma_start3A_1432 = tpu.memref_squeeze %dma_start3A_1431 : memref<1x!tpu.dma_semaphore, #tpu.memory_space<semaphore_mem>> -> memref<!tpu.dma_semaphore, #tpu.memory_space<semaphore_mem>>
    %dma_start3A_1433 = arith.constant 0 : i32
    %dma_start3A_1434 = arith.constant 0 : i32
    %dma_start3A_1435 = tpu.memref_slice %arg3[%dma_start3A_1429, %dma_start3A_1433, %dma_start3A_1434] : memref<4x512x2048xf32, #tpu.memory_space<vmem>> -> memref<1x256x2048xf32, #tpu.memory_space<vmem>>
    %dma_start3A_1436 = tpu.memref_squeeze %dma_start3A_1435 : memref<1x256x2048xf32, #tpu.memory_space<vmem>> -> memref<256x2048xf32, #tpu.memory_space<vmem>>
    %dma_start3A_1437 = arith.constant 13824 : i32
    %dma_start3A_1438 = arith.constant 0 : i32
    %dma_start3A_1439 = tpu.memref_slice %arg0[%dma_start3A_1437, %dma_start3A_1438] : memref<16384x2048xf32, #tpu.memory_space<hbm>> -> memref<256x2048xf32, #tpu.memory_space<hbm>>
    tpu.enqueue_dma source(%dma_start3A_1439 : memref<256x2048xf32, #tpu.memory_space<hbm>>) target(%dma_start3A_1436 : memref<256x2048xf32, #tpu.memory_space<vmem>>) target_semaphore(%dma_start3A_1432 : memref<!tpu.dma_semaphore, #tpu.memory_space<semaphore_mem>>)
    %dma_start3A_1440 = arith.constant 3 : i32
    %dma_start3A_1441 = arith.constant 3 : i32
    %dma_start3A_1442 = tpu.memref_slice %arg5[%dma_start3A_1441] : memref<4x!tpu.dma_semaphore, #tpu.memory_space<semaphore_mem>> -> memref<1x!tpu.dma_semaphore, #tpu.memory_space<semaphore_mem>>
    %dma_start3A_1443 = tpu.memref_squeeze %dma_start3A_1442 : memref<1x!tpu.dma_semaphore, #tpu.memory_space<semaphore_mem>> -> memref<!tpu.dma_semaphore, #tpu.memory_space<semaphore_mem>>
    %dma_start3A_1444 = arith.constant 256 : i32
    %dma_start3A_1445 = arith.constant 0 : i32
    %dma_start3A_1446 = tpu.memref_slice %arg3[%dma_start3A_1440, %dma_start3A_1444, %dma_start3A_1445] : memref<4x512x2048xf32, #tpu.memory_space<vmem>> -> memref<1x256x2048xf32, #tpu.memory_space<vmem>>
    %dma_start3A_1447 = tpu.memref_squeeze %dma_start3A_1446 : memref<1x256x2048xf32, #tpu.memory_space<vmem>> -> memref<256x2048xf32, #tpu.memory_space<vmem>>
    %dma_start3A_1448 = arith.constant 14080 : i32
    %dma_start3A_1449 = arith.constant 0 : i32
    %dma_start3A_1450 = tpu.memref_slice %arg0[%dma_start3A_1448, %dma_start3A_1449] : memref<16384x2048xf32, #tpu.memory_space<hbm>> -> memref<256x2048xf32, #tpu.memory_space<hbm>>
    tpu.enqueue_dma source(%dma_start3A_1450 : memref<256x2048xf32, #tpu.memory_space<hbm>>) target(%dma_start3A_1447 : memref<256x2048xf32, #tpu.memory_space<vmem>>) target_semaphore(%dma_start3A_1443 : memref<!tpu.dma_semaphore, #tpu.memory_space<semaphore_mem>>)
    %dma_wait3A_1451 = arith.constant 0 : i32
    %dma_wait3A_1452 = arith.constant 0 : i32
    %dma_wait3A_1453 = tpu.memref_slice %arg4[%dma_wait3A_1452] : memref<4x!tpu.dma_semaphore, #tpu.memory_space<semaphore_mem>> -> memref<1x!tpu.dma_semaphore, #tpu.memory_space<semaphore_mem>>
    %dma_wait3A_1454 = tpu.memref_squeeze %dma_wait3A_1453 : memref<1x!tpu.dma_semaphore, #tpu.memory_space<semaphore_mem>> -> memref<!tpu.dma_semaphore, #tpu.memory_space<semaphore_mem>>
    %dma_wait3A_1455 = arith.constant 0 : i32
    %dma_wait3A_1456 = arith.constant 0 : i32
    %dma_wait3A_1457 = tpu.memref_slice %arg3[%dma_wait3A_1451, %dma_wait3A_1455, %dma_wait3A_1456] : memref<4x512x2048xf32, #tpu.memory_space<vmem>> -> memref<1x256x2048xf32, #tpu.memory_space<vmem>>
    %dma_wait3A_1458 = tpu.memref_squeeze %dma_wait3A_1457 : memref<1x256x2048xf32, #tpu.memory_space<vmem>> -> memref<256x2048xf32, #tpu.memory_space<vmem>>
    %dma_wait3A_1459 = arith.constant 12288 : i32
    %dma_wait3A_1460 = arith.constant 0 : i32
    %dma_wait3A_1461 = tpu.memref_slice %arg0[%dma_wait3A_1459, %dma_wait3A_1460] : memref<16384x2048xf32, #tpu.memory_space<hbm>> -> memref<256x2048xf32, #tpu.memory_space<hbm>>
    tpu.wait_dma2 semaphore(%dma_wait3A_1454 : memref<!tpu.dma_semaphore, #tpu.memory_space<semaphore_mem>>) src(%dma_wait3A_1461 : memref<256x2048xf32, #tpu.memory_space<hbm>>) dst(%dma_wait3A_1458 : memref<256x2048xf32, #tpu.memory_space<vmem>>)
    %dma_wait3A_1462 = arith.constant 0 : i32
    %dma_wait3A_1463 = arith.constant 0 : i32
    %dma_wait3A_1464 = tpu.memref_slice %arg5[%dma_wait3A_1463] : memref<4x!tpu.dma_semaphore, #tpu.memory_space<semaphore_mem>> -> memref<1x!tpu.dma_semaphore, #tpu.memory_space<semaphore_mem>>
    %dma_wait3A_1465 = tpu.memref_squeeze %dma_wait3A_1464 : memref<1x!tpu.dma_semaphore, #tpu.memory_space<semaphore_mem>> -> memref<!tpu.dma_semaphore, #tpu.memory_space<semaphore_mem>>
    %dma_wait3A_1466 = arith.constant 256 : i32
    %dma_wait3A_1467 = arith.constant 0 : i32
    %dma_wait3A_1468 = tpu.memref_slice %arg3[%dma_wait3A_1462, %dma_wait3A_1466, %dma_wait3A_1467] : memref<4x512x2048xf32, #tpu.memory_space<vmem>> -> memref<1x256x2048xf32, #tpu.memory_space<vmem>>
    %dma_wait3A_1469 = tpu.memref_squeeze %dma_wait3A_1468 : memref<1x256x2048xf32, #tpu.memory_space<vmem>> -> memref<256x2048xf32, #tpu.memory_space<vmem>>
    %dma_wait3A_1470 = arith.constant 12544 : i32
    %dma_wait3A_1471 = arith.constant 0 : i32
    %dma_wait3A_1472 = tpu.memref_slice %arg0[%dma_wait3A_1470, %dma_wait3A_1471] : memref<16384x2048xf32, #tpu.memory_space<hbm>> -> memref<256x2048xf32, #tpu.memory_space<hbm>>
    tpu.wait_dma2 semaphore(%dma_wait3A_1465 : memref<!tpu.dma_semaphore, #tpu.memory_space<semaphore_mem>>) src(%dma_wait3A_1472 : memref<256x2048xf32, #tpu.memory_space<hbm>>) dst(%dma_wait3A_1469 : memref<256x2048xf32, #tpu.memory_space<vmem>>)
    %get3A_1473 = arith.constant 0 : index
    %get3A_1474 = arith.constant 0 : index
    %get3A_1475 = vector.load %arg1[%get3A_1473, %get3A_1474] : memref<8x2048xf32, #tpu.memory_space<vmem>>, vector<8x2048xf32>
    %get3A_1476 = arith.constant 0 : index
    %get3A_1477 = arith.constant 0 : index
    %get3A_1478 = arith.constant 0 : index
    %get3A_1479 = vector.load %arg3[%get3A_1476, %get3A_1477, %get3A_1478] : memref<4x512x2048xf32, #tpu.memory_space<vmem>>, vector<1x512x2048xf32>
    %get3A_1480 = vector.shape_cast %get3A_1479 : vector<1x512x2048xf32> to vector<512x2048xf32>
    %dot_general3A_1481 = arith.constant dense<0.000000e+00> : vector<8x512xf32>
    %dot_general3A_1482 = tpu.matmul %get3A_1475, %get3A_1480, %dot_general3A_1481 {dimension_numbers = #tpu.dot_dimension_numbers<[1], [1], [0], [0], [0, 0, 1, 0], [], []>, transpose_lhs_hint = false} : vector<8x2048xf32>, vector<512x2048xf32>, vector<8x512xf32> -> vector<8x512xf32>
    %swap3A_1483 = arith.constant 0 : index
    %swap3A_1484 = arith.constant 12288 : index
    %swap3A_1485 = vector.load %arg2[%swap3A_1483, %swap3A_1484] : memref<8x16384xf32, #tpu.memory_space<vmem>>, vector<8x512xf32>
    tpu.vector_store %arg2[%swap3A_1483, %swap3A_1484], %dot_general3A_1482 {strides = array<i32>} : memref<8x16384xf32, #tpu.memory_space<vmem>>, vector<8x512xf32>,
    %dma_start3A_1486 = arith.constant 0 : i32
    %dma_start3A_1487 = arith.constant 0 : i32
    %dma_start3A_1488 = tpu.memref_slice %arg4[%dma_start3A_1487] : memref<4x!tpu.dma_semaphore, #tpu.memory_space<semaphore_mem>> -> memref<1x!tpu.dma_semaphore, #tpu.memory_space<semaphore_mem>>
    %dma_start3A_1489 = tpu.memref_squeeze %dma_start3A_1488 : memref<1x!tpu.dma_semaphore, #tpu.memory_space<semaphore_mem>> -> memref<!tpu.dma_semaphore, #tpu.memory_space<semaphore_mem>>
    %dma_start3A_1490 = arith.constant 0 : i32
    %dma_start3A_1491 = arith.constant 0 : i32
    %dma_start3A_1492 = tpu.memref_slice %arg3[%dma_start3A_1486, %dma_start3A_1490, %dma_start3A_1491] : memref<4x512x2048xf32, #tpu.memory_space<vmem>> -> memref<1x256x2048xf32, #tpu.memory_space<vmem>>
    %dma_start3A_1493 = tpu.memref_squeeze %dma_start3A_1492 : memref<1x256x2048xf32, #tpu.memory_space<vmem>> -> memref<256x2048xf32, #tpu.memory_space<vmem>>
    %dma_start3A_1494 = arith.constant 14336 : i32
    %dma_start3A_1495 = arith.constant 0 : i32
    %dma_start3A_1496 = tpu.memref_slice %arg0[%dma_start3A_1494, %dma_start3A_1495] : memref<16384x2048xf32, #tpu.memory_space<hbm>> -> memref<256x2048xf32, #tpu.memory_space<hbm>>
    tpu.enqueue_dma source(%dma_start3A_1496 : memref<256x2048xf32, #tpu.memory_space<hbm>>) target(%dma_start3A_1493 : memref<256x2048xf32, #tpu.memory_space<vmem>>) target_semaphore(%dma_start3A_1489 : memref<!tpu.dma_semaphore, #tpu.memory_space<semaphore_mem>>)
    %dma_start3A_1497 = arith.constant 0 : i32
    %dma_start3A_1498 = arith.constant 0 : i32
    %dma_start3A_1499 = tpu.memref_slice %arg5[%dma_start3A_1498] : memref<4x!tpu.dma_semaphore, #tpu.memory_space<semaphore_mem>> -> memref<1x!tpu.dma_semaphore, #tpu.memory_space<semaphore_mem>>
    %dma_start3A_1500 = tpu.memref_squeeze %dma_start3A_1499 : memref<1x!tpu.dma_semaphore, #tpu.memory_space<semaphore_mem>> -> memref<!tpu.dma_semaphore, #tpu.memory_space<semaphore_mem>>
    %dma_start3A_1501 = arith.constant 256 : i32
    %dma_start3A_1502 = arith.constant 0 : i32
    %dma_start3A_1503 = tpu.memref_slice %arg3[%dma_start3A_1497, %dma_start3A_1501, %dma_start3A_1502] : memref<4x512x2048xf32, #tpu.memory_space<vmem>> -> memref<1x256x2048xf32, #tpu.memory_space<vmem>>
    %dma_start3A_1504 = tpu.memref_squeeze %dma_start3A_1503 : memref<1x256x2048xf32, #tpu.memory_space<vmem>> -> memref<256x2048xf32, #tpu.memory_space<vmem>>
    %dma_start3A_1505 = arith.constant 14592 : i32
    %dma_start3A_1506 = arith.constant 0 : i32
    %dma_start3A_1507 = tpu.memref_slice %arg0[%dma_start3A_1505, %dma_start3A_1506] : memref<16384x2048xf32, #tpu.memory_space<hbm>> -> memref<256x2048xf32, #tpu.memory_space<hbm>>
    tpu.enqueue_dma source(%dma_start3A_1507 : memref<256x2048xf32, #tpu.memory_space<hbm>>) target(%dma_start3A_1504 : memref<256x2048xf32, #tpu.memory_space<vmem>>) target_semaphore(%dma_start3A_1500 : memref<!tpu.dma_semaphore, #tpu.memory_space<semaphore_mem>>)
    %dma_wait3A_1508 = arith.constant 1 : i32
    %dma_wait3A_1509 = arith.constant 1 : i32
    %dma_wait3A_1510 = tpu.memref_slice %arg4[%dma_wait3A_1509] : memref<4x!tpu.dma_semaphore, #tpu.memory_space<semaphore_mem>> -> memref<1x!tpu.dma_semaphore, #tpu.memory_space<semaphore_mem>>
    %dma_wait3A_1511 = tpu.memref_squeeze %dma_wait3A_1510 : memref<1x!tpu.dma_semaphore, #tpu.memory_space<semaphore_mem>> -> memref<!tpu.dma_semaphore, #tpu.memory_space<semaphore_mem>>
    %dma_wait3A_1512 = arith.constant 0 : i32
    %dma_wait3A_1513 = arith.constant 0 : i32
    %dma_wait3A_1514 = tpu.memref_slice %arg3[%dma_wait3A_1508, %dma_wait3A_1512, %dma_wait3A_1513] : memref<4x512x2048xf32, #tpu.memory_space<vmem>> -> memref<1x256x2048xf32, #tpu.memory_space<vmem>>
    %dma_wait3A_1515 = tpu.memref_squeeze %dma_wait3A_1514 : memref<1x256x2048xf32, #tpu.memory_space<vmem>> -> memref<256x2048xf32, #tpu.memory_space<vmem>>
    %dma_wait3A_1516 = arith.constant 12800 : i32
    %dma_wait3A_1517 = arith.constant 0 : i32
    %dma_wait3A_1518 = tpu.memref_slice %arg0[%dma_wait3A_1516, %dma_wait3A_1517] : memref<16384x2048xf32, #tpu.memory_space<hbm>> -> memref<256x2048xf32, #tpu.memory_space<hbm>>
    tpu.wait_dma2 semaphore(%dma_wait3A_1511 : memref<!tpu.dma_semaphore, #tpu.memory_space<semaphore_mem>>) src(%dma_wait3A_1518 : memref<256x2048xf32, #tpu.memory_space<hbm>>) dst(%dma_wait3A_1515 : memref<256x2048xf32, #tpu.memory_space<vmem>>)
    %dma_wait3A_1519 = arith.constant 1 : i32
    %dma_wait3A_1520 = arith.constant 1 : i32
    %dma_wait3A_1521 = tpu.memref_slice %arg5[%dma_wait3A_1520] : memref<4x!tpu.dma_semaphore, #tpu.memory_space<semaphore_mem>> -> memref<1x!tpu.dma_semaphore, #tpu.memory_space<semaphore_mem>>
    %dma_wait3A_1522 = tpu.memref_squeeze %dma_wait3A_1521 : memref<1x!tpu.dma_semaphore, #tpu.memory_space<semaphore_mem>> -> memref<!tpu.dma_semaphore, #tpu.memory_space<semaphore_mem>>
    %dma_wait3A_1523 = arith.constant 256 : i32
    %dma_wait3A_1524 = arith.constant 0 : i32
    %dma_wait3A_1525 = tpu.memref_slice %arg3[%dma_wait3A_1519, %dma_wait3A_1523, %dma_wait3A_1524] : memref<4x512x2048xf32, #tpu.memory_space<vmem>> -> memref<1x256x2048xf32, #tpu.memory_space<vmem>>
    %dma_wait3A_1526 = tpu.memref_squeeze %dma_wait3A_1525 : memref<1x256x2048xf32, #tpu.memory_space<vmem>> -> memref<256x2048xf32, #tpu.memory_space<vmem>>
    %dma_wait3A_1527 = arith.constant 13056 : i32
    %dma_wait3A_1528 = arith.constant 0 : i32
    %dma_wait3A_1529 = tpu.memref_slice %arg0[%dma_wait3A_1527, %dma_wait3A_1528] : memref<16384x2048xf32, #tpu.memory_space<hbm>> -> memref<256x2048xf32, #tpu.memory_space<hbm>>
    tpu.wait_dma2 semaphore(%dma_wait3A_1522 : memref<!tpu.dma_semaphore, #tpu.memory_space<semaphore_mem>>) src(%dma_wait3A_1529 : memref<256x2048xf32, #tpu.memory_space<hbm>>) dst(%dma_wait3A_1526 : memref<256x2048xf32, #tpu.memory_space<vmem>>)
    %get3A_1530 = arith.constant 0 : index
    %get3A_1531 = arith.constant 0 : index
    %get3A_1532 = vector.load %arg1[%get3A_1530, %get3A_1531] : memref<8x2048xf32, #tpu.memory_space<vmem>>, vector<8x2048xf32>
    %get3A_1533 = arith.constant 1 : index
    %get3A_1534 = arith.constant 0 : index
    %get3A_1535 = arith.constant 0 : index
    %get3A_1536 = vector.load %arg3[%get3A_1533, %get3A_1534, %get3A_1535] : memref<4x512x2048xf32, #tpu.memory_space<vmem>>, vector<1x512x2048xf32>
    %get3A_1537 = vector.shape_cast %get3A_1536 : vector<1x512x2048xf32> to vector<512x2048xf32>
    %dot_general3A_1538 = arith.constant dense<0.000000e+00> : vector<8x512xf32>
    %dot_general3A_1539 = tpu.matmul %get3A_1532, %get3A_1537, %dot_general3A_1538 {dimension_numbers = #tpu.dot_dimension_numbers<[1], [1], [0], [0], [0, 0, 1, 0], [], []>, transpose_lhs_hint = false} : vector<8x2048xf32>, vector<512x2048xf32>, vector<8x512xf32> -> vector<8x512xf32>
    %swap3A_1540 = arith.constant 0 : index
    %swap3A_1541 = arith.constant 12800 : index
    %swap3A_1542 = vector.load %arg2[%swap3A_1540, %swap3A_1541] : memref<8x16384xf32, #tpu.memory_space<vmem>>, vector<8x512xf32>
    tpu.vector_store %arg2[%swap3A_1540, %swap3A_1541], %dot_general3A_1539 {strides = array<i32>} : memref<8x16384xf32, #tpu.memory_space<vmem>>, vector<8x512xf32>,
    %dma_start3A_1543 = arith.constant 1 : i32
    %dma_start3A_1544 = arith.constant 1 : i32
    %dma_start3A_1545 = tpu.memref_slice %arg4[%dma_start3A_1544] : memref<4x!tpu.dma_semaphore, #tpu.memory_space<semaphore_mem>> -> memref<1x!tpu.dma_semaphore, #tpu.memory_space<semaphore_mem>>
    %dma_start3A_1546 = tpu.memref_squeeze %dma_start3A_1545 : memref<1x!tpu.dma_semaphore, #tpu.memory_space<semaphore_mem>> -> memref<!tpu.dma_semaphore, #tpu.memory_space<semaphore_mem>>
    %dma_start3A_1547 = arith.constant 0 : i32
    %dma_start3A_1548 = arith.constant 0 : i32
    %dma_start3A_1549 = tpu.memref_slice %arg3[%dma_start3A_1543, %dma_start3A_1547, %dma_start3A_1548] : memref<4x512x2048xf32, #tpu.memory_space<vmem>> -> memref<1x256x2048xf32, #tpu.memory_space<vmem>>
    %dma_start3A_1550 = tpu.memref_squeeze %dma_start3A_1549 : memref<1x256x2048xf32, #tpu.memory_space<vmem>> -> memref<256x2048xf32, #tpu.memory_space<vmem>>
    %dma_start3A_1551 = arith.constant 14848 : i32
    %dma_start3A_1552 = arith.constant 0 : i32
    %dma_start3A_1553 = tpu.memref_slice %arg0[%dma_start3A_1551, %dma_start3A_1552] : memref<16384x2048xf32, #tpu.memory_space<hbm>> -> memref<256x2048xf32, #tpu.memory_space<hbm>>
    tpu.enqueue_dma source(%dma_start3A_1553 : memref<256x2048xf32, #tpu.memory_space<hbm>>) target(%dma_start3A_1550 : memref<256x2048xf32, #tpu.memory_space<vmem>>) target_semaphore(%dma_start3A_1546 : memref<!tpu.dma_semaphore, #tpu.memory_space<semaphore_mem>>)
    %dma_start3A_1554 = arith.constant 1 : i32
    %dma_start3A_1555 = arith.constant 1 : i32
    %dma_start3A_1556 = tpu.memref_slice %arg5[%dma_start3A_1555] : memref<4x!tpu.dma_semaphore, #tpu.memory_space<semaphore_mem>> -> memref<1x!tpu.dma_semaphore, #tpu.memory_space<semaphore_mem>>
    %dma_start3A_1557 = tpu.memref_squeeze %dma_start3A_1556 : memref<1x!tpu.dma_semaphore, #tpu.memory_space<semaphore_mem>> -> memref<!tpu.dma_semaphore, #tpu.memory_space<semaphore_mem>>
    %dma_start3A_1558 = arith.constant 256 : i32
    %dma_start3A_1559 = arith.constant 0 : i32
    %dma_start3A_1560 = tpu.memref_slice %arg3[%dma_start3A_1554, %dma_start3A_1558, %dma_start3A_1559] : memref<4x512x2048xf32, #tpu.memory_space<vmem>> -> memref<1x256x2048xf32, #tpu.memory_space<vmem>>
    %dma_start3A_1561 = tpu.memref_squeeze %dma_start3A_1560 : memref<1x256x2048xf32, #tpu.memory_space<vmem>> -> memref<256x2048xf32, #tpu.memory_space<vmem>>
    %dma_start3A_1562 = arith.constant 15104 : i32
    %dma_start3A_1563 = arith.constant 0 : i32
    %dma_start3A_1564 = tpu.memref_slice %arg0[%dma_start3A_1562, %dma_start3A_1563] : memref<16384x2048xf32, #tpu.memory_space<hbm>> -> memref<256x2048xf32, #tpu.memory_space<hbm>>
    tpu.enqueue_dma source(%dma_start3A_1564 : memref<256x2048xf32, #tpu.memory_space<hbm>>) target(%dma_start3A_1561 : memref<256x2048xf32, #tpu.memory_space<vmem>>) target_semaphore(%dma_start3A_1557 : memref<!tpu.dma_semaphore, #tpu.memory_space<semaphore_mem>>)
    %dma_wait3A_1565 = arith.constant 2 : i32
    %dma_wait3A_1566 = arith.constant 2 : i32
    %dma_wait3A_1567 = tpu.memref_slice %arg4[%dma_wait3A_1566] : memref<4x!tpu.dma_semaphore, #tpu.memory_space<semaphore_mem>> -> memref<1x!tpu.dma_semaphore, #tpu.memory_space<semaphore_mem>>
    %dma_wait3A_1568 = tpu.memref_squeeze %dma_wait3A_1567 : memref<1x!tpu.dma_semaphore, #tpu.memory_space<semaphore_mem>> -> memref<!tpu.dma_semaphore, #tpu.memory_space<semaphore_mem>>
    %dma_wait3A_1569 = arith.constant 0 : i32
    %dma_wait3A_1570 = arith.constant 0 : i32
    %dma_wait3A_1571 = tpu.memref_slice %arg3[%dma_wait3A_1565, %dma_wait3A_1569, %dma_wait3A_1570] : memref<4x512x2048xf32, #tpu.memory_space<vmem>> -> memref<1x256x2048xf32, #tpu.memory_space<vmem>>
    %dma_wait3A_1572 = tpu.memref_squeeze %dma_wait3A_1571 : memref<1x256x2048xf32, #tpu.memory_space<vmem>> -> memref<256x2048xf32, #tpu.memory_space<vmem>>
    %dma_wait3A_1573 = arith.constant 13312 : i32
    %dma_wait3A_1574 = arith.constant 0 : i32
    %dma_wait3A_1575 = tpu.memref_slice %arg0[%dma_wait3A_1573, %dma_wait3A_1574] : memref<16384x2048xf32, #tpu.memory_space<hbm>> -> memref<256x2048xf32, #tpu.memory_space<hbm>>
    tpu.wait_dma2 semaphore(%dma_wait3A_1568 : memref<!tpu.dma_semaphore, #tpu.memory_space<semaphore_mem>>) src(%dma_wait3A_1575 : memref<256x2048xf32, #tpu.memory_space<hbm>>) dst(%dma_wait3A_1572 : memref<256x2048xf32, #tpu.memory_space<vmem>>)
    %dma_wait3A_1576 = arith.constant 2 : i32
    %dma_wait3A_1577 = arith.constant 2 : i32
    %dma_wait3A_1578 = tpu.memref_slice %arg5[%dma_wait3A_1577] : memref<4x!tpu.dma_semaphore, #tpu.memory_space<semaphore_mem>> -> memref<1x!tpu.dma_semaphore, #tpu.memory_space<semaphore_mem>>
    %dma_wait3A_1579 = tpu.memref_squeeze %dma_wait3A_1578 : memref<1x!tpu.dma_semaphore, #tpu.memory_space<semaphore_mem>> -> memref<!tpu.dma_semaphore, #tpu.memory_space<semaphore_mem>>
    %dma_wait3A_1580 = arith.constant 256 : i32
    %dma_wait3A_1581 = arith.constant 0 : i32
    %dma_wait3A_1582 = tpu.memref_slice %arg3[%dma_wait3A_1576, %dma_wait3A_1580, %dma_wait3A_1581] : memref<4x512x2048xf32, #tpu.memory_space<vmem>> -> memref<1x256x2048xf32, #tpu.memory_space<vmem>>
    %dma_wait3A_1583 = tpu.memref_squeeze %dma_wait3A_1582 : memref<1x256x2048xf32, #tpu.memory_space<vmem>> -> memref<256x2048xf32, #tpu.memory_space<vmem>>
    %dma_wait3A_1584 = arith.constant 13568 : i32
    %dma_wait3A_1585 = arith.constant 0 : i32
    %dma_wait3A_1586 = tpu.memref_slice %arg0[%dma_wait3A_1584, %dma_wait3A_1585] : memref<16384x2048xf32, #tpu.memory_space<hbm>> -> memref<256x2048xf32, #tpu.memory_space<hbm>>
    tpu.wait_dma2 semaphore(%dma_wait3A_1579 : memref<!tpu.dma_semaphore, #tpu.memory_space<semaphore_mem>>) src(%dma_wait3A_1586 : memref<256x2048xf32, #tpu.memory_space<hbm>>) dst(%dma_wait3A_1583 : memref<256x2048xf32, #tpu.memory_space<vmem>>)
    %get3A_1587 = arith.constant 0 : index
    %get3A_1588 = arith.constant 0 : index
    %get3A_1589 = vector.load %arg1[%get3A_1587, %get3A_1588] : memref<8x2048xf32, #tpu.memory_space<vmem>>, vector<8x2048xf32>
    %get3A_1590 = arith.constant 2 : index
    %get3A_1591 = arith.constant 0 : index
    %get3A_1592 = arith.constant 0 : index
    %get3A_1593 = vector.load %arg3[%get3A_1590, %get3A_1591, %get3A_1592] : memref<4x512x2048xf32, #tpu.memory_space<vmem>>, vector<1x512x2048xf32>
    %get3A_1594 = vector.shape_cast %get3A_1593 : vector<1x512x2048xf32> to vector<512x2048xf32>
    %dot_general3A_1595 = arith.constant dense<0.000000e+00> : vector<8x512xf32>
    %dot_general3A_1596 = tpu.matmul %get3A_1589, %get3A_1594, %dot_general3A_1595 {dimension_numbers = #tpu.dot_dimension_numbers<[1], [1], [0], [0], [0, 0, 1, 0], [], []>, transpose_lhs_hint = false} : vector<8x2048xf32>, vector<512x2048xf32>, vector<8x512xf32> -> vector<8x512xf32>
    %swap3A_1597 = arith.constant 0 : index
    %swap3A_1598 = arith.constant 13312 : index
    %swap3A_1599 = vector.load %arg2[%swap3A_1597, %swap3A_1598] : memref<8x16384xf32, #tpu.memory_space<vmem>>, vector<8x512xf32>
    tpu.vector_store %arg2[%swap3A_1597, %swap3A_1598], %dot_general3A_1596 {strides = array<i32>} : memref<8x16384xf32, #tpu.memory_space<vmem>>, vector<8x512xf32>,
    %dma_start3A_1600 = arith.constant 2 : i32
    %dma_start3A_1601 = arith.constant 2 : i32
    %dma_start3A_1602 = tpu.memref_slice %arg4[%dma_start3A_1601] : memref<4x!tpu.dma_semaphore, #tpu.memory_space<semaphore_mem>> -> memref<1x!tpu.dma_semaphore, #tpu.memory_space<semaphore_mem>>
    %dma_start3A_1603 = tpu.memref_squeeze %dma_start3A_1602 : memref<1x!tpu.dma_semaphore, #tpu.memory_space<semaphore_mem>> -> memref<!tpu.dma_semaphore, #tpu.memory_space<semaphore_mem>>
    %dma_start3A_1604 = arith.constant 0 : i32
    %dma_start3A_1605 = arith.constant 0 : i32
    %dma_start3A_1606 = tpu.memref_slice %arg3[%dma_start3A_1600, %dma_start3A_1604, %dma_start3A_1605] : memref<4x512x2048xf32, #tpu.memory_space<vmem>> -> memref<1x256x2048xf32, #tpu.memory_space<vmem>>
    %dma_start3A_1607 = tpu.memref_squeeze %dma_start3A_1606 : memref<1x256x2048xf32, #tpu.memory_space<vmem>> -> memref<256x2048xf32, #tpu.memory_space<vmem>>
    %dma_start3A_1608 = arith.constant 15360 : i32
    %dma_start3A_1609 = arith.constant 0 : i32
    %dma_start3A_1610 = tpu.memref_slice %arg0[%dma_start3A_1608, %dma_start3A_1609] : memref<16384x2048xf32, #tpu.memory_space<hbm>> -> memref<256x2048xf32, #tpu.memory_space<hbm>>
    tpu.enqueue_dma source(%dma_start3A_1610 : memref<256x2048xf32, #tpu.memory_space<hbm>>) target(%dma_start3A_1607 : memref<256x2048xf32, #tpu.memory_space<vmem>>) target_semaphore(%dma_start3A_1603 : memref<!tpu.dma_semaphore, #tpu.memory_space<semaphore_mem>>)
    %dma_start3A_1611 = arith.constant 2 : i32
    %dma_start3A_1612 = arith.constant 2 : i32
    %dma_start3A_1613 = tpu.memref_slice %arg5[%dma_start3A_1612] : memref<4x!tpu.dma_semaphore, #tpu.memory_space<semaphore_mem>> -> memref<1x!tpu.dma_semaphore, #tpu.memory_space<semaphore_mem>>
    %dma_start3A_1614 = tpu.memref_squeeze %dma_start3A_1613 : memref<1x!tpu.dma_semaphore, #tpu.memory_space<semaphore_mem>> -> memref<!tpu.dma_semaphore, #tpu.memory_space<semaphore_mem>>
    %dma_start3A_1615 = arith.constant 256 : i32
    %dma_start3A_1616 = arith.constant 0 : i32
    %dma_start3A_1617 = tpu.memref_slice %arg3[%dma_start3A_1611, %dma_start3A_1615, %dma_start3A_1616] : memref<4x512x2048xf32, #tpu.memory_space<vmem>> -> memref<1x256x2048xf32, #tpu.memory_space<vmem>>
    %dma_start3A_1618 = tpu.memref_squeeze %dma_start3A_1617 : memref<1x256x2048xf32, #tpu.memory_space<vmem>> -> memref<256x2048xf32, #tpu.memory_space<vmem>>
    %dma_start3A_1619 = arith.constant 15616 : i32
    %dma_start3A_1620 = arith.constant 0 : i32
    %dma_start3A_1621 = tpu.memref_slice %arg0[%dma_start3A_1619, %dma_start3A_1620] : memref<16384x2048xf32, #tpu.memory_space<hbm>> -> memref<256x2048xf32, #tpu.memory_space<hbm>>
    tpu.enqueue_dma source(%dma_start3A_1621 : memref<256x2048xf32, #tpu.memory_space<hbm>>) target(%dma_start3A_1618 : memref<256x2048xf32, #tpu.memory_space<vmem>>) target_semaphore(%dma_start3A_1614 : memref<!tpu.dma_semaphore, #tpu.memory_space<semaphore_mem>>)
    %dma_wait3A_1622 = arith.constant 3 : i32
    %dma_wait3A_1623 = arith.constant 3 : i32
    %dma_wait3A_1624 = tpu.memref_slice %arg4[%dma_wait3A_1623] : memref<4x!tpu.dma_semaphore, #tpu.memory_space<semaphore_mem>> -> memref<1x!tpu.dma_semaphore, #tpu.memory_space<semaphore_mem>>
    %dma_wait3A_1625 = tpu.memref_squeeze %dma_wait3A_1624 : memref<1x!tpu.dma_semaphore, #tpu.memory_space<semaphore_mem>> -> memref<!tpu.dma_semaphore, #tpu.memory_space<semaphore_mem>>
    %dma_wait3A_1626 = arith.constant 0 : i32
    %dma_wait3A_1627 = arith.constant 0 : i32
    %dma_wait3A_1628 = tpu.memref_slice %arg3[%dma_wait3A_1622, %dma_wait3A_1626, %dma_wait3A_1627] : memref<4x512x2048xf32, #tpu.memory_space<vmem>> -> memref<1x256x2048xf32, #tpu.memory_space<vmem>>
    %dma_wait3A_1629 = tpu.memref_squeeze %dma_wait3A_1628 : memref<1x256x2048xf32, #tpu.memory_space<vmem>> -> memref<256x2048xf32, #tpu.memory_space<vmem>>
    %dma_wait3A_1630 = arith.constant 13824 : i32
    %dma_wait3A_1631 = arith.constant 0 : i32
    %dma_wait3A_1632 = tpu.memref_slice %arg0[%dma_wait3A_1630, %dma_wait3A_1631] : memref<16384x2048xf32, #tpu.memory_space<hbm>> -> memref<256x2048xf32, #tpu.memory_space<hbm>>
    tpu.wait_dma2 semaphore(%dma_wait3A_1625 : memref<!tpu.dma_semaphore, #tpu.memory_space<semaphore_mem>>) src(%dma_wait3A_1632 : memref<256x2048xf32, #tpu.memory_space<hbm>>) dst(%dma_wait3A_1629 : memref<256x2048xf32, #tpu.memory_space<vmem>>)
    %dma_wait3A_1633 = arith.constant 3 : i32
    %dma_wait3A_1634 = arith.constant 3 : i32
    %dma_wait3A_1635 = tpu.memref_slice %arg5[%dma_wait3A_1634] : memref<4x!tpu.dma_semaphore, #tpu.memory_space<semaphore_mem>> -> memref<1x!tpu.dma_semaphore, #tpu.memory_space<semaphore_mem>>
    %dma_wait3A_1636 = tpu.memref_squeeze %dma_wait3A_1635 : memref<1x!tpu.dma_semaphore, #tpu.memory_space<semaphore_mem>> -> memref<!tpu.dma_semaphore, #tpu.memory_space<semaphore_mem>>
    %dma_wait3A_1637 = arith.constant 256 : i32
    %dma_wait3A_1638 = arith.constant 0 : i32
    %dma_wait3A_1639 = tpu.memref_slice %arg3[%dma_wait3A_1633, %dma_wait3A_1637, %dma_wait3A_1638] : memref<4x512x2048xf32, #tpu.memory_space<vmem>> -> memref<1x256x2048xf32, #tpu.memory_space<vmem>>
    %dma_wait3A_1640 = tpu.memref_squeeze %dma_wait3A_1639 : memref<1x256x2048xf32, #tpu.memory_space<vmem>> -> memref<256x2048xf32, #tpu.memory_space<vmem>>
    %dma_wait3A_1641 = arith.constant 14080 : i32
    %dma_wait3A_1642 = arith.constant 0 : i32
    %dma_wait3A_1643 = tpu.memref_slice %arg0[%dma_wait3A_1641, %dma_wait3A_1642] : memref<16384x2048xf32, #tpu.memory_space<hbm>> -> memref<256x2048xf32, #tpu.memory_space<hbm>>
    tpu.wait_dma2 semaphore(%dma_wait3A_1636 : memref<!tpu.dma_semaphore, #tpu.memory_space<semaphore_mem>>) src(%dma_wait3A_1643 : memref<256x2048xf32, #tpu.memory_space<hbm>>) dst(%dma_wait3A_1640 : memref<256x2048xf32, #tpu.memory_space<vmem>>)
    %get3A_1644 = arith.constant 0 : index
    %get3A_1645 = arith.constant 0 : index
    %get3A_1646 = vector.load %arg1[%get3A_1644, %get3A_1645] : memref<8x2048xf32, #tpu.memory_space<vmem>>, vector<8x2048xf32>
    %get3A_1647 = arith.constant 3 : index
    %get3A_1648 = arith.constant 0 : index
    %get3A_1649 = arith.constant 0 : index
    %get3A_1650 = vector.load %arg3[%get3A_1647, %get3A_1648, %get3A_1649] : memref<4x512x2048xf32, #tpu.memory_space<vmem>>, vector<1x512x2048xf32>
    %get3A_1651 = vector.shape_cast %get3A_1650 : vector<1x512x2048xf32> to vector<512x2048xf32>
    %dot_general3A_1652 = arith.constant dense<0.000000e+00> : vector<8x512xf32>
    %dot_general3A_1653 = tpu.matmul %get3A_1646, %get3A_1651, %dot_general3A_1652 {dimension_numbers = #tpu.dot_dimension_numbers<[1], [1], [0], [0], [0, 0, 1, 0], [], []>, transpose_lhs_hint = false} : vector<8x2048xf32>, vector<512x2048xf32>, vector<8x512xf32> -> vector<8x512xf32>
    %swap3A_1654 = arith.constant 0 : index
    %swap3A_1655 = arith.constant 13824 : index
    %swap3A_1656 = vector.load %arg2[%swap3A_1654, %swap3A_1655] : memref<8x16384xf32, #tpu.memory_space<vmem>>, vector<8x512xf32>
    tpu.vector_store %arg2[%swap3A_1654, %swap3A_1655], %dot_general3A_1653 {strides = array<i32>} : memref<8x16384xf32, #tpu.memory_space<vmem>>, vector<8x512xf32>,
    %dma_start3A_1657 = arith.constant 3 : i32
    %dma_start3A_1658 = arith.constant 3 : i32
    %dma_start3A_1659 = tpu.memref_slice %arg4[%dma_start3A_1658] : memref<4x!tpu.dma_semaphore, #tpu.memory_space<semaphore_mem>> -> memref<1x!tpu.dma_semaphore, #tpu.memory_space<semaphore_mem>>
    %dma_start3A_1660 = tpu.memref_squeeze %dma_start3A_1659 : memref<1x!tpu.dma_semaphore, #tpu.memory_space<semaphore_mem>> -> memref<!tpu.dma_semaphore, #tpu.memory_space<semaphore_mem>>
    %dma_start3A_1661 = arith.constant 0 : i32
    %dma_start3A_1662 = arith.constant 0 : i32
    %dma_start3A_1663 = tpu.memref_slice %arg3[%dma_start3A_1657, %dma_start3A_1661, %dma_start3A_1662] : memref<4x512x2048xf32, #tpu.memory_space<vmem>> -> memref<1x256x2048xf32, #tpu.memory_space<vmem>>
    %dma_start3A_1664 = tpu.memref_squeeze %dma_start3A_1663 : memref<1x256x2048xf32, #tpu.memory_space<vmem>> -> memref<256x2048xf32, #tpu.memory_space<vmem>>
    %dma_start3A_1665 = arith.constant 15872 : i32
    %dma_start3A_1666 = arith.constant 0 : i32
    %dma_start3A_1667 = tpu.memref_slice %arg0[%dma_start3A_1665, %dma_start3A_1666] : memref<16384x2048xf32, #tpu.memory_space<hbm>> -> memref<256x2048xf32, #tpu.memory_space<hbm>>
    tpu.enqueue_dma source(%dma_start3A_1667 : memref<256x2048xf32, #tpu.memory_space<hbm>>) target(%dma_start3A_1664 : memref<256x2048xf32, #tpu.memory_space<vmem>>) target_semaphore(%dma_start3A_1660 : memref<!tpu.dma_semaphore, #tpu.memory_space<semaphore_mem>>)
    %dma_start3A_1668 = arith.constant 3 : i32
    %dma_start3A_1669 = arith.constant 3 : i32
    %dma_start3A_1670 = tpu.memref_slice %arg5[%dma_start3A_1669] : memref<4x!tpu.dma_semaphore, #tpu.memory_space<semaphore_mem>> -> memref<1x!tpu.dma_semaphore, #tpu.memory_space<semaphore_mem>>
    %dma_start3A_1671 = tpu.memref_squeeze %dma_start3A_1670 : memref<1x!tpu.dma_semaphore, #tpu.memory_space<semaphore_mem>> -> memref<!tpu.dma_semaphore, #tpu.memory_space<semaphore_mem>>
    %dma_start3A_1672 = arith.constant 256 : i32
    %dma_start3A_1673 = arith.constant 0 : i32
    %dma_start3A_1674 = tpu.memref_slice %arg3[%dma_start3A_1668, %dma_start3A_1672, %dma_start3A_1673] : memref<4x512x2048xf32, #tpu.memory_space<vmem>> -> memref<1x256x2048xf32, #tpu.memory_space<vmem>>
    %dma_start3A_1675 = tpu.memref_squeeze %dma_start3A_1674 : memref<1x256x2048xf32, #tpu.memory_space<vmem>> -> memref<256x2048xf32, #tpu.memory_space<vmem>>
    %dma_start3A_1676 = arith.constant 16128 : i32
    %dma_start3A_1677 = arith.constant 0 : i32
    %dma_start3A_1678 = tpu.memref_slice %arg0[%dma_start3A_1676, %dma_start3A_1677] : memref<16384x2048xf32, #tpu.memory_space<hbm>> -> memref<256x2048xf32, #tpu.memory_space<hbm>>
    tpu.enqueue_dma source(%dma_start3A_1678 : memref<256x2048xf32, #tpu.memory_space<hbm>>) target(%dma_start3A_1675 : memref<256x2048xf32, #tpu.memory_space<vmem>>) target_semaphore(%dma_start3A_1671 : memref<!tpu.dma_semaphore, #tpu.memory_space<semaphore_mem>>)
    %dma_wait3A_1679 = arith.constant 0 : i32
    %dma_wait3A_1680 = arith.constant 0 : i32
    %dma_wait3A_1681 = tpu.memref_slice %arg4[%dma_wait3A_1680] : memref<4x!tpu.dma_semaphore, #tpu.memory_space<semaphore_mem>> -> memref<1x!tpu.dma_semaphore, #tpu.memory_space<semaphore_mem>>
    %dma_wait3A_1682 = tpu.memref_squeeze %dma_wait3A_1681 : memref<1x!tpu.dma_semaphore, #tpu.memory_space<semaphore_mem>> -> memref<!tpu.dma_semaphore, #tpu.memory_space<semaphore_mem>>
    %dma_wait3A_1683 = arith.constant 0 : i32
    %dma_wait3A_1684 = arith.constant 0 : i32
    %dma_wait3A_1685 = tpu.memref_slice %arg3[%dma_wait3A_1679, %dma_wait3A_1683, %dma_wait3A_1684] : memref<4x512x2048xf32, #tpu.memory_space<vmem>> -> memref<1x256x2048xf32, #tpu.memory_space<vmem>>
    %dma_wait3A_1686 = tpu.memref_squeeze %dma_wait3A_1685 : memref<1x256x2048xf32, #tpu.memory_space<vmem>> -> memref<256x2048xf32, #tpu.memory_space<vmem>>
    %dma_wait3A_1687 = arith.constant 14336 : i32
    %dma_wait3A_1688 = arith.constant 0 : i32
    %dma_wait3A_1689 = tpu.memref_slice %arg0[%dma_wait3A_1687, %dma_wait3A_1688] : memref<16384x2048xf32, #tpu.memory_space<hbm>> -> memref<256x2048xf32, #tpu.memory_space<hbm>>
    tpu.wait_dma2 semaphore(%dma_wait3A_1682 : memref<!tpu.dma_semaphore, #tpu.memory_space<semaphore_mem>>) src(%dma_wait3A_1689 : memref<256x2048xf32, #tpu.memory_space<hbm>>) dst(%dma_wait3A_1686 : memref<256x2048xf32, #tpu.memory_space<vmem>>)
    %dma_wait3A_1690 = arith.constant 0 : i32
    %dma_wait3A_1691 = arith.constant 0 : i32
    %dma_wait3A_1692 = tpu.memref_slice %arg5[%dma_wait3A_1691] : memref<4x!tpu.dma_semaphore, #tpu.memory_space<semaphore_mem>> -> memref<1x!tpu.dma_semaphore, #tpu.memory_space<semaphore_mem>>
    %dma_wait3A_1693 = tpu.memref_squeeze %dma_wait3A_1692 : memref<1x!tpu.dma_semaphore, #tpu.memory_space<semaphore_mem>> -> memref<!tpu.dma_semaphore, #tpu.memory_space<semaphore_mem>>
    %dma_wait3A_1694 = arith.constant 256 : i32
    %dma_wait3A_1695 = arith.constant 0 : i32
    %dma_wait3A_1696 = tpu.memref_slice %arg3[%dma_wait3A_1690, %dma_wait3A_1694, %dma_wait3A_1695] : memref<4x512x2048xf32, #tpu.memory_space<vmem>> -> memref<1x256x2048xf32, #tpu.memory_space<vmem>>
    %dma_wait3A_1697 = tpu.memref_squeeze %dma_wait3A_1696 : memref<1x256x2048xf32, #tpu.memory_space<vmem>> -> memref<256x2048xf32, #tpu.memory_space<vmem>>
    %dma_wait3A_1698 = arith.constant 14592 : i32
    %dma_wait3A_1699 = arith.constant 0 : i32
    %dma_wait3A_1700 = tpu.memref_slice %arg0[%dma_wait3A_1698, %dma_wait3A_1699] : memref<16384x2048xf32, #tpu.memory_space<hbm>> -> memref<256x2048xf32, #tpu.memory_space<hbm>>
    tpu.wait_dma2 semaphore(%dma_wait3A_1693 : memref<!tpu.dma_semaphore, #tpu.memory_space<semaphore_mem>>) src(%dma_wait3A_1700 : memref<256x2048xf32, #tpu.memory_space<hbm>>) dst(%dma_wait3A_1697 : memref<256x2048xf32, #tpu.memory_space<vmem>>)
    %get3A_1701 = arith.constant 0 : index
    %get3A_1702 = arith.constant 0 : index
    %get3A_1703 = vector.load %arg1[%get3A_1701, %get3A_1702] : memref<8x2048xf32, #tpu.memory_space<vmem>>, vector<8x2048xf32>
    %get3A_1704 = arith.constant 0 : index
    %get3A_1705 = arith.constant 0 : index
    %get3A_1706 = arith.constant 0 : index
    %get3A_1707 = vector.load %arg3[%get3A_1704, %get3A_1705, %get3A_1706] : memref<4x512x2048xf32, #tpu.memory_space<vmem>>, vector<1x512x2048xf32>
    %get3A_1708 = vector.shape_cast %get3A_1707 : vector<1x512x2048xf32> to vector<512x2048xf32>
    %dot_general3A_1709 = arith.constant dense<0.000000e+00> : vector<8x512xf32>
    %dot_general3A_1710 = tpu.matmul %get3A_1703, %get3A_1708, %dot_general3A_1709 {dimension_numbers = #tpu.dot_dimension_numbers<[1], [1], [0], [0], [0, 0, 1, 0], [], []>, transpose_lhs_hint = false} : vector<8x2048xf32>, vector<512x2048xf32>, vector<8x512xf32> -> vector<8x512xf32>
    %swap3A_1711 = arith.constant 0 : index
    %swap3A_1712 = arith.constant 14336 : index
    %swap3A_1713 = vector.load %arg2[%swap3A_1711, %swap3A_1712] : memref<8x16384xf32, #tpu.memory_space<vmem>>, vector<8x512xf32>
    tpu.vector_store %arg2[%swap3A_1711, %swap3A_1712], %dot_general3A_1710 {strides = array<i32>} : memref<8x16384xf32, #tpu.memory_space<vmem>>, vector<8x512xf32>,
    %dma_wait3A_1714 = arith.constant 1 : i32
    %dma_wait3A_1715 = arith.constant 1 : i32
    %dma_wait3A_1716 = tpu.memref_slice %arg4[%dma_wait3A_1715] : memref<4x!tpu.dma_semaphore, #tpu.memory_space<semaphore_mem>> -> memref<1x!tpu.dma_semaphore, #tpu.memory_space<semaphore_mem>>
    %dma_wait3A_1717 = tpu.memref_squeeze %dma_wait3A_1716 : memref<1x!tpu.dma_semaphore, #tpu.memory_space<semaphore_mem>> -> memref<!tpu.dma_semaphore, #tpu.memory_space<semaphore_mem>>
    %dma_wait3A_1718 = arith.constant 0 : i32
    %dma_wait3A_1719 = arith.constant 0 : i32
    %dma_wait3A_1720 = tpu.memref_slice %arg3[%dma_wait3A_1714, %dma_wait3A_1718, %dma_wait3A_1719] : memref<4x512x2048xf32, #tpu.memory_space<vmem>> -> memref<1x256x2048xf32, #tpu.memory_space<vmem>>
    %dma_wait3A_1721 = tpu.memref_squeeze %dma_wait3A_1720 : memref<1x256x2048xf32, #tpu.memory_space<vmem>> -> memref<256x2048xf32, #tpu.memory_space<vmem>>
    %dma_wait3A_1722 = arith.constant 14848 : i32
    %dma_wait3A_1723 = arith.constant 0 : i32
    %dma_wait3A_1724 = tpu.memref_slice %arg0[%dma_wait3A_1722, %dma_wait3A_1723] : memref<16384x2048xf32, #tpu.memory_space<hbm>> -> memref<256x2048xf32, #tpu.memory_space<hbm>>
    tpu.wait_dma2 semaphore(%dma_wait3A_1717 : memref<!tpu.dma_semaphore, #tpu.memory_space<semaphore_mem>>) src(%dma_wait3A_1724 : memref<256x2048xf32, #tpu.memory_space<hbm>>) dst(%dma_wait3A_1721 : memref<256x2048xf32, #tpu.memory_space<vmem>>)
    %dma_wait3A_1725 = arith.constant 1 : i32
    %dma_wait3A_1726 = arith.constant 1 : i32
    %dma_wait3A_1727 = tpu.memref_slice %arg5[%dma_wait3A_1726] : memref<4x!tpu.dma_semaphore, #tpu.memory_space<semaphore_mem>> -> memref<1x!tpu.dma_semaphore, #tpu.memory_space<semaphore_mem>>
    %dma_wait3A_1728 = tpu.memref_squeeze %dma_wait3A_1727 : memref<1x!tpu.dma_semaphore, #tpu.memory_space<semaphore_mem>> -> memref<!tpu.dma_semaphore, #tpu.memory_space<semaphore_mem>>
    %dma_wait3A_1729 = arith.constant 256 : i32
    %dma_wait3A_1730 = arith.constant 0 : i32
    %dma_wait3A_1731 = tpu.memref_slice %arg3[%dma_wait3A_1725, %dma_wait3A_1729, %dma_wait3A_1730] : memref<4x512x2048xf32, #tpu.memory_space<vmem>> -> memref<1x256x2048xf32, #tpu.memory_space<vmem>>
    %dma_wait3A_1732 = tpu.memref_squeeze %dma_wait3A_1731 : memref<1x256x2048xf32, #tpu.memory_space<vmem>> -> memref<256x2048xf32, #tpu.memory_space<vmem>>
    %dma_wait3A_1733 = arith.constant 15104 : i32
    %dma_wait3A_1734 = arith.constant 0 : i32
    %dma_wait3A_1735 = tpu.memref_slice %arg0[%dma_wait3A_1733, %dma_wait3A_1734] : memref<16384x2048xf32, #tpu.memory_space<hbm>> -> memref<256x2048xf32, #tpu.memory_space<hbm>>
    tpu.wait_dma2 semaphore(%dma_wait3A_1728 : memref<!tpu.dma_semaphore, #tpu.memory_space<semaphore_mem>>) src(%dma_wait3A_1735 : memref<256x2048xf32, #tpu.memory_space<hbm>>) dst(%dma_wait3A_1732 : memref<256x2048xf32, #tpu.memory_space<vmem>>)
    %get3A_1736 = arith.constant 0 : index
    %get3A_1737 = arith.constant 0 : index
    %get3A_1738 = vector.load %arg1[%get3A_1736, %get3A_1737] : memref<8x2048xf32, #tpu.memory_space<vmem>>, vector<8x2048xf32>
    %get3A_1739 = arith.constant 1 : index
    %get3A_1740 = arith.constant 0 : index
    %get3A_1741 = arith.constant 0 : index
    %get3A_1742 = vector.load %arg3[%get3A_1739, %get3A_1740, %get3A_1741] : memref<4x512x2048xf32, #tpu.memory_space<vmem>>, vector<1x512x2048xf32>
    %get3A_1743 = vector.shape_cast %get3A_1742 : vector<1x512x2048xf32> to vector<512x2048xf32>
    %dot_general3A_1744 = arith.constant dense<0.000000e+00> : vector<8x512xf32>
    %dot_general3A_1745 = tpu.matmul %get3A_1738, %get3A_1743, %dot_general3A_1744 {dimension_numbers = #tpu.dot_dimension_numbers<[1], [1], [0], [0], [0, 0, 1, 0], [], []>, transpose_lhs_hint = false} : vector<8x2048xf32>, vector<512x2048xf32>, vector<8x512xf32> -> vector<8x512xf32>
    %swap3A_1746 = arith.constant 0 : index
    %swap3A_1747 = arith.constant 14848 : index
    %swap3A_1748 = vector.load %arg2[%swap3A_1746, %swap3A_1747] : memref<8x16384xf32, #tpu.memory_space<vmem>>, vector<8x512xf32>
    tpu.vector_store %arg2[%swap3A_1746, %swap3A_1747], %dot_general3A_1745 {strides = array<i32>} : memref<8x16384xf32, #tpu.memory_space<vmem>>, vector<8x512xf32>,
    %dma_wait3A_1749 = arith.constant 2 : i32
    %dma_wait3A_1750 = arith.constant 2 : i32
    %dma_wait3A_1751 = tpu.memref_slice %arg4[%dma_wait3A_1750] : memref<4x!tpu.dma_semaphore, #tpu.memory_space<semaphore_mem>> -> memref<1x!tpu.dma_semaphore, #tpu.memory_space<semaphore_mem>>
    %dma_wait3A_1752 = tpu.memref_squeeze %dma_wait3A_1751 : memref<1x!tpu.dma_semaphore, #tpu.memory_space<semaphore_mem>> -> memref<!tpu.dma_semaphore, #tpu.memory_space<semaphore_mem>>
    %dma_wait3A_1753 = arith.constant 0 : i32
    %dma_wait3A_1754 = arith.constant 0 : i32
    %dma_wait3A_1755 = tpu.memref_slice %arg3[%dma_wait3A_1749, %dma_wait3A_1753, %dma_wait3A_1754] : memref<4x512x2048xf32, #tpu.memory_space<vmem>> -> memref<1x256x2048xf32, #tpu.memory_space<vmem>>
    %dma_wait3A_1756 = tpu.memref_squeeze %dma_wait3A_1755 : memref<1x256x2048xf32, #tpu.memory_space<vmem>> -> memref<256x2048xf32, #tpu.memory_space<vmem>>
    %dma_wait3A_1757 = arith.constant 15360 : i32
    %dma_wait3A_1758 = arith.constant 0 : i32
    %dma_wait3A_1759 = tpu.memref_slice %arg0[%dma_wait3A_1757, %dma_wait3A_1758] : memref<16384x2048xf32, #tpu.memory_space<hbm>> -> memref<256x2048xf32, #tpu.memory_space<hbm>>
    tpu.wait_dma2 semaphore(%dma_wait3A_1752 : memref<!tpu.dma_semaphore, #tpu.memory_space<semaphore_mem>>) src(%dma_wait3A_1759 : memref<256x2048xf32, #tpu.memory_space<hbm>>) dst(%dma_wait3A_1756 : memref<256x2048xf32, #tpu.memory_space<vmem>>)
    %dma_wait3A_1760 = arith.constant 2 : i32
    %dma_wait3A_1761 = arith.constant 2 : i32
    %dma_wait3A_1762 = tpu.memref_slice %arg5[%dma_wait3A_1761] : memref<4x!tpu.dma_semaphore, #tpu.memory_space<semaphore_mem>> -> memref<1x!tpu.dma_semaphore, #tpu.memory_space<semaphore_mem>>
    %dma_wait3A_1763 = tpu.memref_squeeze %dma_wait3A_1762 : memref<1x!tpu.dma_semaphore, #tpu.memory_space<semaphore_mem>> -> memref<!tpu.dma_semaphore, #tpu.memory_space<semaphore_mem>>
    %dma_wait3A_1764 = arith.constant 256 : i32
    %dma_wait3A_1765 = arith.constant 0 : i32
    %dma_wait3A_1766 = tpu.memref_slice %arg3[%dma_wait3A_1760, %dma_wait3A_1764, %dma_wait3A_1765] : memref<4x512x2048xf32, #tpu.memory_space<vmem>> -> memref<1x256x2048xf32, #tpu.memory_space<vmem>>
    %dma_wait3A_1767 = tpu.memref_squeeze %dma_wait3A_1766 : memref<1x256x2048xf32, #tpu.memory_space<vmem>> -> memref<256x2048xf32, #tpu.memory_space<vmem>>
    %dma_wait3A_1768 = arith.constant 15616 : i32
    %dma_wait3A_1769 = arith.constant 0 : i32
    %dma_wait3A_1770 = tpu.memref_slice %arg0[%dma_wait3A_1768, %dma_wait3A_1769] : memref<16384x2048xf32, #tpu.memory_space<hbm>> -> memref<256x2048xf32, #tpu.memory_space<hbm>>
    tpu.wait_dma2 semaphore(%dma_wait3A_1763 : memref<!tpu.dma_semaphore, #tpu.memory_space<semaphore_mem>>) src(%dma_wait3A_1770 : memref<256x2048xf32, #tpu.memory_space<hbm>>) dst(%dma_wait3A_1767 : memref<256x2048xf32, #tpu.memory_space<vmem>>)
    %get3A_1771 = arith.constant 0 : index
    %get3A_1772 = arith.constant 0 : index
    %get3A_1773 = vector.load %arg1[%get3A_1771, %get3A_1772] : memref<8x2048xf32, #tpu.memory_space<vmem>>, vector<8x2048xf32>
    %get3A_1774 = arith.constant 2 : index
    %get3A_1775 = arith.constant 0 : index
    %get3A_1776 = arith.constant 0 : index
    %get3A_1777 = vector.load %arg3[%get3A_1774, %get3A_1775, %get3A_1776] : memref<4x512x2048xf32, #tpu.memory_space<vmem>>, vector<1x512x2048xf32>
    %get3A_1778 = vector.shape_cast %get3A_1777 : vector<1x512x2048xf32> to vector<512x2048xf32>
    %dot_general3A_1779 = arith.constant dense<0.000000e+00> : vector<8x512xf32>
    %dot_general3A_1780 = tpu.matmul %get3A_1773, %get3A_1778, %dot_general3A_1779 {dimension_numbers = #tpu.dot_dimension_numbers<[1], [1], [0], [0], [0, 0, 1, 0], [], []>, transpose_lhs_hint = false} : vector<8x2048xf32>, vector<512x2048xf32>, vector<8x512xf32> -> vector<8x512xf32>
    %swap3A_1781 = arith.constant 0 : index
    %swap3A_1782 = arith.constant 15360 : index
    %swap3A_1783 = vector.load %arg2[%swap3A_1781, %swap3A_1782] : memref<8x16384xf32, #tpu.memory_space<vmem>>, vector<8x512xf32>
    tpu.vector_store %arg2[%swap3A_1781, %swap3A_1782], %dot_general3A_1780 {strides = array<i32>} : memref<8x16384xf32, #tpu.memory_space<vmem>>, vector<8x512xf32>,
    %dma_wait3A_1784 = arith.constant 3 : i32
    %dma_wait3A_1785 = arith.constant 3 : i32
    %dma_wait3A_1786 = tpu.memref_slice %arg4[%dma_wait3A_1785] : memref<4x!tpu.dma_semaphore, #tpu.memory_space<semaphore_mem>> -> memref<1x!tpu.dma_semaphore, #tpu.memory_space<semaphore_mem>>
    %dma_wait3A_1787 = tpu.memref_squeeze %dma_wait3A_1786 : memref<1x!tpu.dma_semaphore, #tpu.memory_space<semaphore_mem>> -> memref<!tpu.dma_semaphore, #tpu.memory_space<semaphore_mem>>
    %dma_wait3A_1788 = arith.constant 0 : i32
    %dma_wait3A_1789 = arith.constant 0 : i32
    %dma_wait3A_1790 = tpu.memref_slice %arg3[%dma_wait3A_1784, %dma_wait3A_1788, %dma_wait3A_1789] : memref<4x512x2048xf32, #tpu.memory_space<vmem>> -> memref<1x256x2048xf32, #tpu.memory_space<vmem>>
    %dma_wait3A_1791 = tpu.memref_squeeze %dma_wait3A_1790 : memref<1x256x2048xf32, #tpu.memory_space<vmem>> -> memref<256x2048xf32, #tpu.memory_space<vmem>>
    %dma_wait3A_1792 = arith.constant 15872 : i32
    %dma_wait3A_1793 = arith.constant 0 : i32
    %dma_wait3A_1794 = tpu.memref_slice %arg0[%dma_wait3A_1792, %dma_wait3A_1793] : memref<16384x2048xf32, #tpu.memory_space<hbm>> -> memref<256x2048xf32, #tpu.memory_space<hbm>>
    tpu.wait_dma2 semaphore(%dma_wait3A_1787 : memref<!tpu.dma_semaphore, #tpu.memory_space<semaphore_mem>>) src(%dma_wait3A_1794 : memref<256x2048xf32, #tpu.memory_space<hbm>>) dst(%dma_wait3A_1791 : memref<256x2048xf32, #tpu.memory_space<vmem>>)
    %dma_wait3A_1795 = arith.constant 3 : i32
    %dma_wait3A_1796 = arith.constant 3 : i32
    %dma_wait3A_1797 = tpu.memref_slice %arg5[%dma_wait3A_1796] : memref<4x!tpu.dma_semaphore, #tpu.memory_space<semaphore_mem>> -> memref<1x!tpu.dma_semaphore, #tpu.memory_space<semaphore_mem>>
    %dma_wait3A_1798 = tpu.memref_squeeze %dma_wait3A_1797 : memref<1x!tpu.dma_semaphore, #tpu.memory_space<semaphore_mem>> -> memref<!tpu.dma_semaphore, #tpu.memory_space<semaphore_mem>>
    %dma_wait3A_1799 = arith.constant 256 : i32
    %dma_wait3A_1800 = arith.constant 0 : i32
    %dma_wait3A_1801 = tpu.memref_slice %arg3[%dma_wait3A_1795, %dma_wait3A_1799, %dma_wait3A_1800] : memref<4x512x2048xf32, #tpu.memory_space<vmem>> -> memref<1x256x2048xf32, #tpu.memory_space<vmem>>
    %dma_wait3A_1802 = tpu.memref_squeeze %dma_wait3A_1801 : memref<1x256x2048xf32, #tpu.memory_space<vmem>> -> memref<256x2048xf32, #tpu.memory_space<vmem>>
    %dma_wait3A_1803 = arith.constant 16128 : i32
    %dma_wait3A_1804 = arith.constant 0 : i32
    %dma_wait3A_1805 = tpu.memref_slice %arg0[%dma_wait3A_1803, %dma_wait3A_1804] : memref<16384x2048xf32, #tpu.memory_space<hbm>> -> memref<256x2048xf32, #tpu.memory_space<hbm>>
    tpu.wait_dma2 semaphore(%dma_wait3A_1798 : memref<!tpu.dma_semaphore, #tpu.memory_space<semaphore_mem>>) src(%dma_wait3A_1805 : memref<256x2048xf32, #tpu.memory_space<hbm>>) dst(%dma_wait3A_1802 : memref<256x2048xf32, #tpu.memory_space<vmem>>)
    %get3A_1806 = arith.constant 0 : index
    %get3A_1807 = arith.constant 0 : index
    %get3A_1808 = vector.load %arg1[%get3A_1806, %get3A_1807] : memref<8x2048xf32, #tpu.memory_space<vmem>>, vector<8x2048xf32>
    %get3A_1809 = arith.constant 3 : index
    %get3A_1810 = arith.constant 0 : index
    %get3A_1811 = arith.constant 0 : index
    %get3A_1812 = vector.load %arg3[%get3A_1809, %get3A_1810, %get3A_1811] : memref<4x512x2048xf32, #tpu.memory_space<vmem>>, vector<1x512x2048xf32>
    %get3A_1813 = vector.shape_cast %get3A_1812 : vector<1x512x2048xf32> to vector<512x2048xf32>
    %dot_general3A_1814 = arith.constant dense<0.000000e+00> : vector<8x512xf32>
    %dot_general3A_1815 = tpu.matmul %get3A_1808, %get3A_1813, %dot_general3A_1814 {dimension_numbers = #tpu.dot_dimension_numbers<[1], [1], [0], [0], [0, 0, 1, 0], [], []>, transpose_lhs_hint = false} : vector<8x2048xf32>, vector<512x2048xf32>, vector<8x512xf32> -> vector<8x512xf32>
    %swap3A_1816 = arith.constant 0 : index
    %swap3A_1817 = arith.constant 15872 : index
    %swap3A_1818 = vector.load %arg2[%swap3A_1816, %swap3A_1817] : memref<8x16384xf32, #tpu.memory_space<vmem>>, vector<8x512xf32>
    tpu.vector_store %arg2[%swap3A_1816, %swap3A_1817], %dot_general3A_1815 {strides = array<i32>} : memref<8x16384xf32, #tpu.memory_space<vmem>>, vector<8x512xf32>,
    return
  }
}

</mosaic_0001>

<sc_bundles>
// kernel: kernel.4.cloned.1.call-start
scs
__scs_entry_jumppad:
0x0: {  	(pc) =	sbr.rel $0x88, $3  }
0x1: {  	(tag) =	ssettag $0x0;
	lr =	simm.s32 $0x1  }
0x2: {  	[smem:$0x3F9F] =	sst lr;
	_ =	strace $0xD0000000  }
0x3: {  	_ = 	snop  }
0x4: {  	_ = 	snop  }
0x5: {  	_ = 	snop  }
0x6: {  	_ = 	snop  }
0x7: {  	_ = 	snop  }
__scs_overlays_trampoline_lowered:
0x8: {  	[smem:$0x3FAE] =	sst s0  }
0x9: {  	[smem:$0x3FAF] =	sst s1  }
0xa: {  	[smem:$0x3FB0] =	sst s2  }
0xb: {  	[smem:$0x3FB1] =	sst s3  }
0xc: {  	[smem:$0x3FB2] =	sst s4  }
0xd: {  	[smem:$0x3FB3] =	sst s5  }
0xe: {  	[smem:$0x3FB4] =	sst s6  }
0xf: {  	[smem:$0x3FB5] =	sst s7  }
0x10: {  	[smem:$0x3FB6] =	sst s8  }
0x11: {  	[smem:$0x3FB7] =	sst s9;
	s0 =	simm.s32 @!p0 $0x0  }
0x12: {  	s1 =	sld [smem:$0x3F9D];
	s0 =	simm.s32 @p0 $0x1  }
0x13: {  	[smem:$0x3FB8] =	sst s0;
	s0 =	simm.s32 @!p1 $0x0  }
0x14: {  	s2 =	sld [smem:$0x3F9C];
	s0 =	simm.s32 @p1 $0x1  }
0x15: {  	[smem:$0x3FB9] =	sst s0;
	s0 =	simm.s32 @!p2 $0x0  }
0x16: {  	s3 =	sld [smem:$0x3FDB];
	s0 =	simm.s32 @p2 $0x1  }
0x17: {  	s4 =	simm.s32 $0x1BF5;
	[smem:$0x3FBB] =	sst s0  }
0x18: {  	s0 =	sld [smem:$0x3F9E];
	_ =	swait.ge [sflag:s4], $0x0  }
0x19: {  	s7 =	sld [smem:$0x3F9F]  }
0x1a: {  	s8 =	sadd.s32 $0xFFFFE003, lr  }
0x1b: {  	s9 =	sadd.s32 $0xFFFFFEF7, lr;
	s5 =	simm.s32 $0xFFFFFFFF;
	p2 =	slt.u32 s8, $0xFFFFF086  }
0x1c: {  	p1 =	slt.u32 s9, $0xF7A;
	s5 =	simm.s32 @!p2 $0x0  }
0x1d: {  	s5 =	simm.s32 @p1 $0x1;
	p0 =	seq.s32 s7, s2  }
0x1e: {  	s7 =	smul.u32 @!p0 $0xF7A, s2;
	p2 =	seq.s32 @!p0 s5, $0x0  }
0x1f: {  	s9 =	smul.u32 $0xF7A, s1;
	s8 =	simm.s32 @!p0 $0x1BF5;
	p2 =	por !p2, p0  }
0x20: {  	[sflag:s8] =	ssyncset.s32 @!p0 $0xFFFFF086;
	s6 =	sadd.s32 @!p0 s3, s7;
	s7 =	simm.s32 @!p0 $0x108  }
0x21: {  	s3 =	sadd.s32 s3, s9;
	s6 =	sadd.s32 @!p0 $0x88, s6;
	s7 =	simm.s32 @p2 $0x1082  }
0x22: {  	[simem:s7], [sflag:s8] =	dma.local @!p0 [hbm:s6], $0xF7A  }
0x23: {  	s9 =	sor.u32 $0xD0000000, s2;
	s6 =	simm.s32 $0x108;
	_ =	swait.ge @!p0 [sflag:s8], $0x0  }
0x24: {  	s3 =	sadd.s32 $0x88, s3;
	s6 =	simm.s32 @!p1 $0x1082;
	[sflag:s4] =	ssyncset.s32 $0xFFFFF086  }
0x25: {  	[simem:s6], [sflag:s4] =	dma.local [hbm:s3], $0xF7A  }
0x26: {  	[smem:$0x3F9F] =	sst s1;
	(tag) =	ssettag s2;
	_ =	strace s9  }
0x27: {  	s1 =	sld [smem:$0x3FAF]  }
0x28: {  	s2 =	sld [smem:$0x3FB0]  }
0x29: {  	s4 =	sld [smem:$0x3FB2]  }
0x2a: {  	p0 =	seq.s32 s5, $0x0;
	s5 =	sld [smem:$0x3FB3]  }
0x2b: {  	s6 =	sld [smem:$0x3FB4]  }
0x2c: {  	s7 =	sld [smem:$0x3FB5]  }
0x2d: {  	s3 =	simm.s32 $0x108;
	s8 =	sld [smem:$0x3FB6]  }
0x2e: {  	s3 =	simm.s32 @!p0 $0x1082;
	s9 =	sld [smem:$0x3FB7]  }
0x2f: {  	lr =	sadd.s32 s0, s3;
	s0 =	sld [smem:$0x3FAE]  }
0x30: {  	s3 =	sld [smem:$0x3FB1]  }
0x31: {  	[smem:$0x3FBA] =	sst s10  }
0x32: {  	s10 =	sld [smem:$0x3FB8];
	_ =	sdelay $0x3  }
0x33: {  	p0 =	seq.s32 s10, $0x1;
	s10 =	sld [smem:$0x3FBA];
	_ =	sdelay $0x3  }
0x34: {  	[smem:$0x3FBA] =	sst s10  }
0x35: {  	s10 =	sld [smem:$0x3FB9];
	_ =	sdelay $0x3  }
0x36: {  	p1 =	seq.s32 s10, $0x1;
	s10 =	sld [smem:$0x3FBA];
	_ =	sdelay $0x3  }
0x37: {  	[smem:$0x3FBA] =	sst s10  }
0x38: {  	s10 =	sld [smem:$0x3FBB]  }
0x39: {  	_ = 	snop;
	(pc) =	sbr.ind lr, $3  }
0x3a: {  	_ = 	snop  }
0x3b: {  	_ = 	snop  }
0x3c: {  	p2 =	seq.s32 s10, $0x1;
	s10 =	sld [smem:$0x3FBA]  }
0x3d: {  	_ =	shalt  }
0x3e: {  	_ =	shalt  }
0x3f: {  	_ =	shalt  }
0x40: {  	_ =	shalt  }
0x41: {  	_ =	shalt  }
0x42: {  	_ =	shalt  }
0x43: {  	_ =	shalt  }
0x44: {  	_ =	shalt  }
0x45: {  	_ =	shalt  }
0x46: {  	_ =	shalt  }
0x47: {  	_ =	shalt  }
0x48: {  	_ =	shalt  }
0x49: {  	_ =	shalt  }
0x4a: {  	_ =	shalt  }
0x4b: {  	_ =	shalt  }
0x4c: {  	_ =	shalt  }
0x4d: {  	_ =	shalt  }
0x4e: {  	_ =	shalt  }
0x4f: {  	_ =	shalt  }
0x50: {  	_ =	shalt  }
0x51: {  	_ =	shalt  }
0x52: {  	_ =	shalt  }
0x53: {  	_ =	shalt  }
0x54: {  	_ =	shalt  }
0x55: {  	_ =	shalt  }
0x56: {  	_ =	shalt  }
0x57: {  	_ =	shalt  }
0x58: {  	_ =	shalt  }
0x59: {  	_ =	shalt  }
0x5a: {  	_ =	shalt  }
0x5b: {  	_ =	shalt  }
0x5c: {  	_ =	shalt  }
0x5d: {  	_ =	shalt  }
0x5e: {  	_ =	shalt  }
0x5f: {  	_ =	shalt  }
0x60: {  	_ =	shalt  }
0x61: {  	_ =	shalt  }
0x62: {  	_ =	shalt  }
0x63: {  	_ =	shalt  }
0x64: {  	_ =	shalt  }
0x65: {  	_ =	shalt  }
0x66: {  	_ =	shalt  }
0x67: {  	_ =	shalt  }
0x68: {  	_ =	shalt  }
0x69: {  	_ =	shalt  }
0x6a: {  	_ =	shalt  }
0x6b: {  	_ =	shalt  }
0x6c: {  	_ =	shalt  }
0x6d: {  	_ =	shalt  }
0x6e: {  	_ =	shalt  }
0x6f: {  	_ =	shalt  }
0x70: {  	_ =	shalt  }
0x71: {  	_ =	shalt  }
0x72: {  	_ =	shalt  }
0x73: {  	_ =	shalt  }
0x74: {  	_ =	shalt  }
0x75: {  	_ =	shalt  }
0x76: {  	_ =	shalt  }
0x77: {  	_ =	shalt  }
0x78: {  	_ =	shalt  }
0x79: {  	_ =	shalt  }
0x7a: {  	_ =	shalt  }
0x7b: {  	_ =	shalt  }
0x7c: {  	_ =	shalt  }
0x7d: {  	_ =	shalt  }
0x7e: {  	_ =	shalt  }
0x7f: {  	_ =	shalt  }
0x80: {  	_ =	shalt  }
0x81: {  	_ =	shalt  }
0x82: {  	_ =	shalt  }
0x83: {  	_ =	shalt  }
0x84: {  	_ =	shalt  }
0x85: {  	_ =	shalt  }
0x86: {  	_ =	shalt  }
0x87: {  	_ =	shalt  }
.Lfunc_end0:
.L_simem_size_0:
called_computation_lowered:
.L_overlay_start_0:
0x88: {  	s0 =	sld [smem:$0x3FD9]  }
0x89: {  	s1 =	sld [smem:$0x3FFE];
	_ =	sdelay $0x3  }
0x8a: {  	s0 =	sadd.s32 s1, s0  }
0x8b: {  	[smem:$0x3FC6] =	sst s0  }
0x8c: {  	_ = 	snop  }
0x8d: {  	s0 =	sld [smem:$0x3FD0];
	_ =	sdelay $0x2  }
0x8e: {  	s13 =	simm.s32 $0xA;
	s2 =	simm.s32 $0x10  }
0x8f: {  	[smem:s2], [sflag:s13] =	dma.local [hbm:s0], $0x1  }
0x90: {  	_ =	swait.eq [sflag:s13], $0x1  }
0x91: {  	[sflag:s13] =	ssyncset.done $0x0  }
0x92: {  	s14 =	sld [smem:$0x10];
	[sflag:s13] =	ssyncadd.s32 $0xFFFFFFFF  }
0x93: {  	s15 =	sld [smem:$0x11];
	(tm) =	ssettm $0x1  }
0x94: {  	s16 =	sld [smem:$0x3FFB];
	_ =	sdelay $0x3  }
0x95: {  	_ =	strace s16  }
0x96: {  	s2 =	sld [smem:$0x3FFC];
	_ =	sdelay $0x3  }
0x97: {  	_ =	strace s2  }
0x98: {  	s2 =	sld [smem:$0x3FFD];
	_ =	sdelay $0x3  }
0x99: {  	_ =	strace s2  }
0x9a: {  	_ =	strace $0x8FFFFFFF  }
0x9b: {  	s17 =	sld [smem:$0x3FDB];
	_ =	sdelay $0x1  }
0x9c: {  	s3 =	simm.s32 $_scs_section_size  }
0x9d: {  	s4 =	simm.s32 $_size__tile_overlayer_lowered;
	s5 =	simm.s32 $_tile_overlayer_lowered  }
0x9e: {  	s20 =	simm.s32 $0x1BFF;
	s19 =	sshll.u32 s5, $0x1;
	s2 =	sadd.s32 s3, s17  }
0x9f: {  	s6 =	simm.s32 $0x0;
	s18 =	sshll.u32 s4, $0x1;
	s4 =	sadd.s32 s19, s2  }
0xa0: {  	[timem:s6], [sflag:s20] =	dma.local [hbm:s4], s18  }
0xa1: {  	_ =	swait.ge [sflag:s20], s18  }
0xa2: {  	s3 =	ssub.s32 $0x0, s18;
	[sflag:s20] =	ssyncset.done $0x0  }
0xa3: {  	[sflag:s20] =	ssyncadd.s32 s3;
	_ =	sdelay $0x1  }
0xa4: {  	s21 =	simm.s32 $0x1B8B  }
0xa5: {  	_ =	swait.ge [sflag:s21], $0x1  }
0xa6: {  	[sflag:s21] =	ssyncset.done $0x0  }
0xa7: {  	s23 =	simm.s32 $0x1B8E;
	s22 =	sld [smem:$0x3FFE];
	[sflag:s21] =	ssyncadd.s32 $0xFFFFFFFF  }
0xa8: {  	s24 =	simm.s32 $execute0_lowered;
	[smem:$0x3FD2] =	sst s23  }
0xa9: {  	s4 =	sshll.u32 s24, $0x1;
	_ =	strace $0x80000046;
	[dreg:$0x1] =	wrdreg $0xFFFFFFFF  }
0xaa: {  	s25 =	simm.s32 $_size_execute0_lowered;
	s2 =	sadd.s32 s2, s4;
	[dreg:$0x0] =	wrdreg $0x0  }
0xab: {  	s4 =	sshll.u32 s25, $0x1;
	[dreg:$0x2] =	wrdreg s2  }
0xac: {  	[dreg:$0x3] =	wrdreg s4  }
0xad: {  	[dreg:$0x4] =	wrdreg $0xC0  }
0xae: {  	_ =	task [dreg:s6], $0x5FFFF  }
0xaf: {  	[dreg:$0x1] =	wrdreg $0xFFFFFFFF  }
0xb0: {  	[dreg:$0x0] =	wrdreg $0x60  }
0xb1: {  	[dreg:$0x2] =	wrdreg s22  }
0xb2: {  	[dreg:$0x3] =	wrdreg s14  }
0xb3: {  	[dreg:$0x4] =	wrdreg s15  }
0xb4: {  	[dreg:$0x5] =	wrdreg $0x9  }
0xb5: {  	_ =	task.clear_ibuf [dreg:s6], $0x6FFFF;
	_ =	strace $0x90000046  }
0xb6: {  	s26 =	simm.s32 $0x9;
	_ =	strace $0x80000048  }
0xb7: {  	_ =	swait.ge [sflag:s26], $0x1  }
0xb8: {  	[sflag:s26] =	ssyncadd.s32 $0xFFFFFFFF  }
0xb9: {  	_ =	strace $0x90000048  }
0xba: {  	_ =	sfence  }
0xbb: {  	s28 =	sld [smem:$0x0];
	_ =	sdelay $0x1  }
0xbc: {  	s29 =	srdreg.scid  }
0xbd: {  	s30 =	sshll.u32 s29, $0xD;
	s31 =	sshrl.u32 s29, $0x2  }
0xbe: {  	s1 =	sand.u32 $0x1, s29;
	s2 =	sand.u32 $0x4000, s30;
	s0 =	sadd.s32 s31, s28  }
0xbf: {  	s1 =	sor.u32 s2, s1;
	s0 =	sshll.u32 s0, $0x11  }
0xc0: {  	s0 =	sor.u32 s0, s1  }
0xc1: {  	s0 =	sadd.s32 $0x8F2B, s0  }
0xc2: {  	[sflag:s0] =	ssyncadd.remote.s32 $0x1  }
0xc3: {  	_ =	sfence.sel $0xFFFF  }
0xc4: {  	[dreg:$0x0] =	wrdreg $0xFFFFFFFF;
	(pc) =	sbr.abs _section_cstart, $3  }
0xc5: {  	[dreg:$0x1] =	wrdreg $0xFFFFFFFF  }
0xc6: {  	_ =	task.clear_ibuf [dreg:s6], $0x2FFFF;
	_ =	strace $0x9FFFFFFF  }
0xc7: {  	(tm) =	ssettm $0x7FFFFFFF  }
tec
execute0_lowered:
.L_overlay_start_1:
0x0: {  	(tag) =	ssettag $0x1  }
0x1: {  	s4 =	rddreg [dreg:$0x0]  }
0x2: {  	s3 =	rddreg [dreg:$0x1]  }
0x3: {  	s2 =	rddreg [dreg:$0x2];
	s1 =	stileid.u32  }
0x4: {  	s0 =	rddreg [dreg:$0x3];
	s5 =	simm.s32 $0x0;
	s6 =	sshll.u32 s1, $0xA  }
0x5: {  	[smem:$0x7FF] =	sst s5;
	s4 =	sadd.s32 s6, s4  }
0x6: {  	s28 =	simm.s32 $0x1;
	_ =	strace $0x80000047;
	s4 =	sadd.s32 $0xC00, s4  }
0x7: {  	[tilespmem:s5], [sflag:$0x1] =	stream.linear.gather [hbm4b:s4+s5], $0x2000, $0x38;
	[tilespmem:$0x3000] =	vst v63  }
0x8: {  	s7 =	simm.s32 $0x0;
	_ =	swait.ge [sflag:s28], $0x2000  }
0x9: {  	s29 =	sand.u32 $0x70, s5;
	s30 =	sand.u32 $0x3FFFFC00, s7;
	[sflag:s28] =	ssyncset.done $0x0  }
0xa: {  	s5 =	sor.u32 s29, s30;
	[sflag:s28] =	ssyncadd.s32 $0xFFFFE000  }
0xb: {  	v0 =	vld [tilespmem:s5+$0x80]  }
0xc: {  	v1 =	vld [tilespmem:s5+$0x0];
	_ =	sdelay $0x2  }
0xd: {  	v2 =	vld [tilespmem:s5+$0x100]  }
0xe: {  	vm1 =	vlt.f32 v0, $-Inf;
	vm2 =	vgt.f32 v0, $-Inf  }
0xf: {  	vm0 =	vgt.f32 v0, v1;
	vm1 =	vmor vm2, vm1  }
0x10: {  	v4 =	vld [tilespmem:s5+$0x180];
	vm3 =	vmneg vm0;
	v3 =	vnsel vm1, $0xFF800000, v0  }
0x11: {  	v3 =	vsel vm3, v3, v1  }
0x12: {  	v0 =	vsel vm3, v1, v0;
	vm4 =	vgt.f32 v2, v3  }
0x13: {  	vm2 =	vgt.f32 v2, v0;
	v1 =	vsel vm4, v2, v3;
	v3 =	vld [tilespmem:s5+$0x200]  }
0x14: {  	v1 =	vsel vm2, v0, v1  }
0x15: {  	v0 =	vsel vm2, v2, v0;
	vm6 =	vgt.f32 v4, v1  }
0x16: {  	v2 =	vld [tilespmem:s5+$0x280];
	vm5 =	vgt.f32 v4, v0;
	v1 =	vsel vm6, v4, v1  }
0x17: {  	v1 =	vsel vm5, v0, v1  }
0x18: {  	v0 =	vsel vm5, v4, v0;
	vm8 =	vgt.f32 v3, v1  }
0x19: {  	v63 =	vld [tilespmem:s5+$0x300];
	vm7 =	vgt.f32 v3, v0;
	v1 =	vsel vm8, v3, v1  }
0x1a: {  	v1 =	vsel vm7, v0, v1  }
0x1b: {  	v0 =	vsel vm7, v3, v0;
	vm10 =	vgt.f32 v2, v1  }
0x1c: {  	v3 =	vld [tilespmem:s5+$0x380];
	vm9 =	vgt.f32 v2, v0;
	v1 =	vsel vm10, v2, v1  }
0x1d: {  	v1 =	vsel vm9, v0, v1  }
0x1e: {  	v0 =	vsel vm9, v2, v0;
	vm13 =	vgt.f32 v63, v1  }
0x1f: {  	vm11 =	vgt.f32 v63, v0;
	v1 =	vsel vm13, v63, v1  }
0x20: {  	v1 =	vsel vm11, v0, v1  }
0x21: {  	v0 =	vsel vm11, v63, v0;
	vm14 =	vgt.f32 v3, v1  }
0x22: {  	vm12 =	vgt.f32 v3, v0;
	v1 =	vsel vm14, v3, v1  }
0x23: {  	v1 =	vsel vm12, v0, v1;
	v0 =	vsel vm12, v3, v0  }
0x24: {  	v0 =	vsub.f32 v1, v0;
	_ =	sdelay $0x1  }
0x25: {  	v0 =	vmul.f32 $1.442695020e+00, v0;
	_ =	sdelay $0x1  }
0x26: {  	(erf) = vpow2.f32 v0;
	_ =	sdelay $0x4  }
0x27: {  	vm1 =	vmand vm3, vm1;
	v0 =	vimm.s32 $0x0  }
0x28: {  	v1 =	vsel vm1, $0x1, v0  }
0x29: {  	v2 =	vsel vm0, $0x1, v0;
	v1 =	vsel vm4, $0x2, v1  }
0x2a: {  	v1 =	vsel vm2, v2, v1  }
0x2b: {  	v2 =	vsel vm2, $0x2, v2;
	v1 =	vsel vm6, $0x3, v1;
	v3 =	vpop (erf)  }
0x2c: {  	v1 =	vsel vm5, v2, v1;
	v3 =	vadd.f32 $1.000000000e+00, v3  }
0x2d: {  	v2 =	vsel vm5, $0x3, v2;
	v1 =	vsel vm8, $0x4, v1  }
0x2e: {  	v1 =	vsel vm7, v2, v1;
	(erf) = vrcp.f32 v3  }
0x2f: {  	v2 =	vsel vm7, $0x4, v2;
	v1 =	vsel vm10, $0x5, v1  }
0x30: {  	v1 =	vsel vm9, v2, v1  }
0x31: {  	v2 =	vsel vm9, $0x5, v2;
	v1 =	vsel vm13, $0x6, v1  }
0x32: {  	v1 =	vsel vm11, v2, v1  }
0x33: {  	s31 =	simm.s32 $0x0;
	v2 =	vsel vm11, $0x6, v2;
	v1 =	vsel vm14, $0x7, v1  }
0x34: {  	s5 =	sand.u32 $0xFFFFFF00, s31;
	v1 =	vsel vm12, v2, v1  }
0x35: {  	s8 =	sor.u32 s29, s5  }
0x36: {  	v2 =	vsel vm12, $0x7, v2;
	[tilespmem:s8+$0x2880] =	vst v1  }
0x37: {  	s9 =	simm.s32 $0x80;
	s7 =	simm.s32 $0x2;
	s6 =	simm.s32 $0x10;
	[tilespmem:s8+$0x2800] =	vst v2;
	v1 =	vpop (erf)  }
0x38: {  	s9 =	sand.u32 $0x3FFFFC00, s9;
	s4 =	simm.s32 $0x1;
	s5 =	sand.u32 $0x70, s6;
	[tilespmem:s8+$0x2000] =	vst v1;
	v1 =	vsub.f32 $1.000000000e+00, v1  }
.LBB2_1:
0x39: {  	p0 =	sne.s32 s7, $0x3F  }
0x3a: {  	s9 =	sor.u32 s5, s9;
	[tilespmem:s8+$0x2080] =	vst v1;
	s8 =	smov.u32 s7;
	s7 =	sadd.s32 $0x1, s7  }
0x3b: {  	v1 =	vld [tilespmem:s9+$0x80]  }
0x3c: {  	v2 =	vld [tilespmem:s9+$0x0];
	_ =	sdelay $0x2  }
0x3d: {  	v3 =	vld [tilespmem:s9+$0x100]  }
0x3e: {  	vm0 =	vlt.f32 v1, $-Inf;
	vm1 =	vgt.f32 v1, $-Inf  }
0x3f: {  	vm2 =	vgt.f32 v1, v2;
	vm0 =	vmor vm1, vm0  }
0x40: {  	vm1 =	vmneg vm2;
	v4 =	vnsel vm0, $0xFF800000, v1;
	v5 =	vld [tilespmem:s9+$0x180]  }
0x41: {  	v4 =	vsel vm1, v4, v2;
	vm0 =	vmand vm1, vm0;
	v1 =	vsel vm1, v2, v1  }
0x42: {  	v6 =	vsel vm2, $0x1, v0;
	v2 =	vsel vm0, $0x1, v0;
	vm0 =	vgt.f32 v3, v4  }
0x43: {  	vm1 =	vgt.f32 v3, v1;
	v4 =	vsel vm0, v3, v4;
	v2 =	vsel vm0, $0x2, v2;
	v7 =	vld [tilespmem:s9+$0x200]  }
0x44: {  	v4 =	vsel vm1, v1, v4;
	v1 =	vsel vm1, v3, v1;
	v3 =	vsel vm1, $0x2, v6  }
0x45: {  	v2 =	vsel vm1, v6, v2;
	vm0 =	vgt.f32 v5, v4  }
0x46: {  	vm1 =	vgt.f32 v5, v1;
	v4 =	vsel vm0, v5, v4;
	v2 =	vsel vm0, $0x3, v2;
	v6 =	vld [tilespmem:s9+$0x280]  }
0x47: {  	v4 =	vsel vm1, v1, v4;
	v2 =	vsel vm1, v3, v2;
	v3 =	vsel vm1, $0x3, v3  }
0x48: {  	v1 =	vsel vm1, v5, v1;
	vm0 =	vgt.f32 v7, v4  }
0x49: {  	vm1 =	vgt.f32 v7, v1;
	v4 =	vsel vm0, v7, v4;
	v2 =	vsel vm0, $0x4, v2;
	v5 =	vld [tilespmem:s9+$0x300]  }
0x4a: {  	v4 =	vsel vm1, v1, v4;
	v1 =	vsel vm1, v7, v1;
	v7 =	vsel vm1, $0x4, v3  }
0x4b: {  	v2 =	vsel vm1, v3, v2;
	vm0 =	vgt.f32 v6, v4  }
0x4c: {  	vm1 =	vgt.f32 v6, v1;
	v3 =	vsel vm0, v6, v4;
	v2 =	vsel vm0, $0x5, v2;
	v4 =	vld [tilespmem:s9+$0x380]  }
0x4d: {  	v3 =	vsel vm1, v1, v3;
	v2 =	vsel vm1, v7, v2;
	v1 =	vsel vm1, v6, v1  }
0x4e: {  	v6 =	vsel vm1, $0x5, v7;
	vm0 =	vgt.f32 v5, v3  }
0x4f: {  	vm1 =	vgt.f32 v5, v1;
	v3 =	vsel vm0, v5, v3;
	v2 =	vsel vm0, $0x6, v2  }
0x50: {  	v3 =	vsel vm1, v1, v3;
	v2 =	vsel vm1, v6, v2;
	v1 =	vsel vm1, v5, v1  }
0x51: {  	s9 =	sshll.u32 s4, $0x5;
	s4 =	smov.u32 s8;
	v5 =	vsel vm1, $0x6, v6;
	vm0 =	vgt.f32 v4, v3  }
0x52: {  	s8 =	sand.u32 $0xFFFFFF00, s9;
	vm1 =	vgt.f32 v4, v1;
	v3 =	vsel vm0, v4, v3;
	v2 =	vsel vm0, $0x7, v2  }
0x53: {  	s8 =	sor.u32 s5, s8;
	v3 =	vsel vm1, v1, v3;
	v2 =	vsel vm1, v5, v2;
	v1 =	vsel vm1, v4, v1  }
0x54: {  	v4 =	vsel vm1, $0x7, v5;
	v1 =	vsub.f32 v3, v1;
	[tilespmem:s8+$0x2880] =	vst v2  }
0x55: {  	[tilespmem:s8+$0x2800] =	vst v4  }
0x56: {  	v1 =	vmul.f32 $1.442695020e+00, v1;
	_ =	sdelay $0x1  }
0x57: {  	(erf) = vpow2.f32 v1;
	_ =	sdelay $0x8  }
0x58: {  	v1 =	vpop (erf)  }
0x59: {  	v1 =	vadd.f32 $1.000000000e+00, v1;
	_ =	sdelay $0x1  }
0x5a: {  	(erf) = vrcp.f32 v1;
	_ =	sdelay $0x6  }
.Ltmp0:
0x5b: {  	(pc) =	sbr.rel @p0 .LBB2_1-.Ltmp0, $4  }
0x5c: {  	_ = 	snop  }
0x5d: {  	v1 =	vpop (erf)  }
0x5e: {  	s6 =	sadd.s32 $0x10, s6;
	s9 =	sshll.u32 s4, $0x7;
	[tilespmem:s8+$0x2000] =	vst v1;
	v1 =	vsub.f32 $1.000000000e+00, v1  }
0x5f: {  	s5 =	sand.u32 $0x70, s6;
	s9 =	sand.u32 $0x3FFFFC00, s9  }
0x60: {  	s6 =	sor.u32 s5, s9;
	[tilespmem:s8+$0x2080] =	vst v1  }
0x61: {  	v1 =	vld [tilespmem:s6+$0x80]  }
0x62: {  	v2 =	vld [tilespmem:s6+$0x0];
	_ =	sdelay $0x2  }
0x63: {  	v3 =	vld [tilespmem:s6+$0x100]  }
0x64: {  	vm1 =	vlt.f32 v1, $-Inf;
	vm2 =	vgt.f32 v1, $-Inf  }
0x65: {  	vm0 =	vgt.f32 v1, v2;
	vm1 =	vmor vm2, vm1  }
0x66: {  	v5 =	vld [tilespmem:s6+$0x180];
	vm3 =	vmneg vm0;
	v4 =	vnsel vm1, $0xFF800000, v1  }
0x67: {  	v4 =	vsel vm3, v4, v2  }
0x68: {  	v1 =	vsel vm3, v2, v1;
	vm5 =	vgt.f32 v3, v4  }
0x69: {  	v55 =	vld [tilespmem:s6+$0x200];
	vm2 =	vgt.f32 v3, v1;
	v54 =	vsel vm5, v3, v4  }
0x6a: {  	v2 =	vsel vm2, v1, v54  }
0x6b: {  	v1 =	vsel vm2, v3, v1;
	vm6 =	vgt.f32 v5, v2  }
0x6c: {  	v56 =	vld [tilespmem:s6+$0x280];
	vm4 =	vgt.f32 v5, v1;
	v2 =	vsel vm6, v5, v2  }
0x6d: {  	v2 =	vsel vm4, v1, v2  }
0x6e: {  	v1 =	vsel vm4, v5, v1;
	vm8 =	vgt.f32 v55, v2  }
0x6f: {  	v57 =	vld [tilespmem:s6+$0x300];
	vm7 =	vgt.f32 v55, v1;
	v2 =	vsel vm8, v55, v2  }
0x70: {  	v2 =	vsel vm7, v1, v2  }
0x71: {  	v1 =	vsel vm7, v55, v1;
	vm10 =	vgt.f32 v56, v2  }
0x72: {  	v58 =	vld [tilespmem:s6+$0x380];
	vm9 =	vgt.f32 v56, v1;
	v2 =	vsel vm10, v56, v2  }
0x73: {  	v2 =	vsel vm9, v1, v2  }
0x74: {  	v1 =	vsel vm9, v56, v1;
	vm13 =	vgt.f32 v57, v2  }
0x75: {  	vm11 =	vgt.f32 v57, v1;
	v2 =	vsel vm13, v57, v2  }
0x76: {  	v2 =	vsel vm11, v1, v2  }
0x77: {  	v1 =	vsel vm11, v57, v1;
	vm14 =	vgt.f32 v58, v2  }
0x78: {  	vm12 =	vgt.f32 v58, v1;
	v2 =	vsel vm14, v58, v2  }
0x79: {  	v2 =	vsel vm12, v1, v2;
	v1 =	vsel vm12, v58, v1  }
0x7a: {  	v1 =	vsub.f32 v2, v1;
	_ =	sdelay $0x1  }
0x7b: {  	v1 =	vmul.f32 $1.442695020e+00, v1;
	_ =	sdelay $0x1  }
0x7c: {  	(erf) = vpow2.f32 v1;
	_ =	sdelay $0x6  }
0x7d: {  	vm1 =	vmand vm3, vm1  }
0x7e: {  	v59 =	vsel vm1, $0x1, v0  }
0x7f: {  	v60 =	vsel vm0, $0x1, v0;
	v1 =	vsel vm5, $0x2, v59;
	v61 =	vpop (erf)  }
0x80: {  	v1 =	vsel vm2, v60, v1;
	v2 =	vadd.f32 $1.000000000e+00, v61  }
0x81: {  	v0 =	vsel vm2, $0x2, v60;
	v1 =	vsel vm6, $0x3, v1  }
0x82: {  	v1 =	vsel vm4, v0, v1;
	(erf) = vrcp.f32 v2  }
0x83: {  	v0 =	vsel vm4, $0x3, v0;
	v1 =	vsel vm8, $0x4, v1  }
0x84: {  	v1 =	vsel vm7, v0, v1  }
0x85: {  	v0 =	vsel vm7, $0x4, v0;
	v1 =	vsel vm10, $0x5, v1  }
0x86: {  	v1 =	vsel vm9, v0, v1  }
0x87: {  	v0 =	vsel vm9, $0x5, v0;
	v1 =	vsel vm13, $0x6, v1  }
0x88: {  	s4 =	sshll.u32 s4, $0x5;
	v1 =	vsel vm11, v0, v1  }
0x89: {  	s4 =	sand.u32 $0xFFFFFF00, s4;
	v0 =	vsel vm11, $0x6, v0;
	v1 =	vsel vm14, $0x7, v1  }
0x8a: {  	s4 =	sor.u32 s5, s4;
	v1 =	vsel vm12, v0, v1  }
0x8b: {  	v0 =	vsel vm12, $0x7, v0;
	[tilespmem:s4+$0x2880] =	vst v1;
	v62 =	vpop (erf)  }
0x8c: {  	[tilespmem:s4+$0x2800] =	vst v0;
	v63 =	vsub.f32 $1.000000000e+00, v62  }
0x8d: {  	s26 =	sshll.u32 s1, $0x8;
	s28 =	simm.s32 $0x0;
	[tilespmem:s4+$0x2000] =	vst v62  }
0x8e: {  	s29 =	simm.s32 $0x2000;
	s30 =	simm.s32 $0x1;
	s3 =	sadd.s32 s3, s26;
	[tilespmem:s4+$0x2080] =	vst v63  }
0x8f: {  	[hbm4b:s3+s28] =	stream.linear.scatter [tilespmem:s29], [sflag:$0x1], $0x800, $0x38;
	[tilespmem:$0x3000] =	vst v63  }
0x90: {  	_ =	swait.ge [sflag:s30], $0x800  }
0x91: {  	[sflag:s30] =	ssyncset.done $0x0  }
0x92: {  	s31 =	simm.s32 $0x2800;
	s2 =	sadd.s32 s2, s26;
	[sflag:s30] =	ssyncadd.s32 $0xFFFFF800  }
0x93: {  	[hbm4b:s2+s28] =	stream.linear.scatter [tilespmem:s31], [sflag:$0x1], $0x800, $0x38;
	[tilespmem:$0x3000] =	vst v63  }
0x94: {  	_ =	swait.ge [sflag:s30], $0x800  }
0x95: {  	[sflag:s30] =	ssyncset.done $0x0  }
0x96: {  	[sflag:s30] =	ssyncadd.s32 $0xFFFFF800  }
0x97: {  	_ =	sfence.sel $0x180000  }
0x98: {  	[bflag:$0x0] =	sbarrier.arrive $0xFFFF  }
0x99: {  	p0 =	sne.s32 s1, $0x0;
	_ =	strace $0x90000047  }
0x9a: {  	s0 =	sadd.s32 @!p0 $0x100000, s0;
	[bflag:$0x2] =	sbarrier.arrive $0xFFFF  }
0x9b: {  	[sflag:s0] =	ssyncadd.tile.s32 @!p0 $0x1;
	_ =	shalt  }
.Lfunc_end2:
_tile_overlayer_lowered:
.L_overlay_start_2:
0x9c: {  	(tag) =	ssettag $0x2  }
0x9d: {  	s0 =	rddreg [dreg:$0x0];
	s2 =	stileid.u32  }
0x9e: {  	s1 =	rddreg [dreg:$0x1];
	p0 =	sne.s32 s2, $0x0  }
0x9f: {  	s3 =	rddreg [dreg:$0x2];
	[bflag:$0x3] =	sbarrier.arrive $0xFFFF;
	s2 =	simm.s32 @!p0 $0x1C01  }
0xa0: {  	[timem:s3], [sflag:s2] =	dma.local @!p0 [hbm:s0], s1  }
0xa1: {  	s0 =	simm.s32 @!p0 $0x1  }
0xa2: {  	_ =	swait.ge @!p0 [sflag:s0], s1  }
0xa3: {  	s1 =	ssub.s32 @!p0 $0x0, s1;
	[sflag:s0] =	ssyncset.done @!p0 $0x0  }
0xa4: {  	[sflag:s0] =	ssyncadd.s32 @!p0 s1  }
0xa5: {  	[bflag:$0x3] =	sbarrier.arrive $0xFFFF  }
0xa6: {  	_ =	shalt  }

</sc_bundles>
